<compile_context>
chip_gen: v7x
topology: tpu7x:2x2x1
jax: 0.10.2.dev20260603
libtpu: 0.0.44.dev20260713+nightly
codegen_flags: <defaults>
</compile_context>

<pallas_src>
import functools

import jax
import jax.numpy as jnp
from jax import lax
from jax.experimental import pallas as pl
from jax.experimental.pallas import tpu as pltpu
from jax.experimental.pallas import tpu_sc as plsc

N_NODES = 10000
N_EDGES = 320000
NFEAT = 128

NC = 2
NS = 16
LANES = 16

CHUNK = 128
N_PAD = 10240
CHUNKS_PER_TILE = 80
EDGES_PER_TILE = CHUNKS_PER_TILE * CHUNK
E_PAD = EDGES_PER_TILE * NC * NS
ROWS_PER_TILE = N_PAD // NS
NBUF = 2

@functools.lru_cache(maxsize=None)
def _mesh():
  return plsc.VectorSubcoreMesh(
      core_axis_name="c", subcore_axis_name="s", num_cores=NC, num_subcores=NS
  )


def _zero_vmem_2d(ref, n_rows, n_cols):
  z = jnp.zeros((LANES,), jnp.float32)

  def body(i, _):
    for j in range(n_cols // LANES):
      ref[i, pl.ds(j * LANES, LANES)] = z
    return 0

  lax.fori_loop(0, n_rows, body, 0)


def _zero_vmem_1d(ref, n):
  z = jnp.zeros((LANES,), jnp.float32)
  for j in range(n // LANES):
    ref[pl.ds(j * LANES, LANES)] = z


def _deg_body(edges_hbm, out_hbm, sidx_v, didx_v, ones_v, zbuf_v,
              sem_a, sem_b, acc_out, acc_in):
  cid = lax.axis_index("c")
  sid = lax.axis_index("s")

  for j in range(CHUNK // LANES):
    ones_v[pl.ds(j * LANES, LANES)] = jnp.ones((LANES,), jnp.float32)
  _zero_vmem_1d(zbuf_v, ROWS_PER_TILE)

  pltpu.sync_copy(zbuf_v, acc_out.at[pl.ds(sid * ROWS_PER_TILE,
                                           ROWS_PER_TILE)])
  pltpu.sync_copy(zbuf_v, acc_in.at[pl.ds(sid * ROWS_PER_TILE,
                                          ROWS_PER_TILE)])
  pltpu.sync_copy(edges_hbm.at[0, cid, sid], sidx_v)
  pltpu.sync_copy(edges_hbm.at[1, cid, sid], didx_v)
  plsc.subcore_barrier()

  def chunk_body(k, _):
    pltpu.async_copy(ones_v, acc_out.at[sidx_v.at[k]], sem_a, add=True)
    pltpu.async_copy(ones_v, acc_in.at[didx_v.at[k]], sem_b, add=True)
    return 0

  lax.fori_loop(0, CHUNKS_PER_TILE, chunk_body, 0)

  pltpu.make_async_copy(edges_hbm.at[0, cid, sid], sidx_v, sem_a).wait()
  pltpu.make_async_copy(edges_hbm.at[1, cid, sid], didx_v, sem_b).wait()
  plsc.subcore_barrier()

  row = pl.ds(sid * ROWS_PER_TILE, ROWS_PER_TILE)
  pltpu.sync_copy(acc_out.at[row], out_hbm.at[cid, 0, row])
  pltpu.sync_copy(acc_in.at[row], out_hbm.at[cid, 1, row])


@functools.lru_cache(maxsize=None)
def _deg_call():
  return pl.kernel(
      _deg_body,
      out_type=jax.ShapeDtypeStruct((NC, 2, N_PAD), jnp.float32),
      mesh=_mesh(),
      scratch_types=[
          pltpu.VMEM((CHUNKS_PER_TILE, CHUNK), jnp.int32),
          pltpu.VMEM((CHUNKS_PER_TILE, CHUNK), jnp.int32),
          pltpu.VMEM((CHUNK,), jnp.float32),
          pltpu.VMEM((ROWS_PER_TILE,), jnp.float32),
          pltpu.SemaphoreType.DMA,
          pltpu.SemaphoreType.DMA,
          pltpu.VMEM_SHARED((N_PAD,), jnp.float32),
          pltpu.VMEM_SHARED((N_PAD,), jnp.float32),
      ],
  )


PHASES = 2
PHASE_CHUNKS = CHUNKS_PER_TILE // PHASES


def _agg_body(rows_hbm, edges_hbm, out_hbm, sidx_v, didx_v, bufs_v,
              semg0, semg1, acc):
  cid = lax.axis_index("c")
  sid = lax.axis_index("s")
  semg = (semg0, semg1)
  bufs = [bufs_v.at[b] for b in range(NBUF)]

  _zero_vmem_2d(bufs_v.at[0], CHUNK, NFEAT)
  for m in range(ROWS_PER_TILE // CHUNK):
    pltpu.sync_copy(
        bufs[0], acc.at[pl.ds(sid * ROWS_PER_TILE + m * CHUNK, CHUNK)])
  plsc.subcore_barrier()

  def gather(k, b):
    pltpu.async_copy(rows_hbm.at[sidx_v.at[k]], bufs[b], semg[b])

  def gather_wait(k, b):
    pltpu.make_async_copy(rows_hbm.at[sidx_v.at[k]], bufs[b],
                          semg[b]).wait()

  def scatter(k, b):
    pltpu.sync_copy(bufs[b], acc.at[didx_v.at[k]], add=True)

  for phase in range(PHASES):
    base = phase * PHASE_CHUNKS
    pltpu.sync_copy(edges_hbm.at[0, cid, sid, pl.ds(base, PHASE_CHUNKS)],
                    sidx_v)
    pltpu.sync_copy(edges_hbm.at[1, cid, sid, pl.ds(base, PHASE_CHUNKS)],
                    didx_v)

    for b in range(NBUF):
      gather(b, b)

    def round_body(i, _):
      for b in range(NBUF):
        k = i * NBUF + b
        gather_wait(k, b)
        scatter(k, b)
        gather(k + NBUF, b)
      return 0

    lax.fori_loop(0, PHASE_CHUNKS // NBUF - 1, round_body, 0)
    for b in range(NBUF):
      k = PHASE_CHUNKS - NBUF + b
      gather_wait(k, b)
      scatter(k, b)

  plsc.subcore_barrier()
  row = pl.ds(sid * ROWS_PER_TILE, ROWS_PER_TILE)
  pltpu.sync_copy(acc.at[row], out_hbm.at[cid, row])


@functools.lru_cache(maxsize=None)
def _agg_call():
  return pl.kernel(
      _agg_body,
      out_type=jax.ShapeDtypeStruct((NC, N_PAD, NFEAT), jnp.float32),
      mesh=_mesh(),
      scratch_types=[
          pltpu.VMEM((PHASE_CHUNKS, CHUNK), jnp.int32),
          pltpu.VMEM((PHASE_CHUNKS, CHUNK), jnp.int32),
          pltpu.VMEM((NBUF, CHUNK, NFEAT), jnp.float32),
          pltpu.SemaphoreType.DMA,
          pltpu.SemaphoreType.DMA,
          pltpu.VMEM_SHARED((N_PAD, NFEAT), jnp.float32),
      ],
  )


ROW_BLK = 1280
GRID = N_PAD // ROW_BLK


def _norm_from(deg_blk):
  return lax.rsqrt(jnp.maximum(deg_blk, 1.0))


def _mm1_body(x_ref, w_ref, degp_ref, o_ref):
  deg_out = degp_ref[0, 0, :] + degp_ref[1, 0, :]
  xs = x_ref[...] * _norm_from(deg_out)[:, None]
  o_ref[...] = jnp.dot(xs, w_ref[...], preferred_element_type=jnp.float32)


def _mm1(x, w, degp):
  return pl.pallas_call(
      _mm1_body,
      grid=(GRID,),
      in_specs=[
          pl.BlockSpec((ROW_BLK, NFEAT), lambda i: (i, 0)),
          pl.BlockSpec((NFEAT, NFEAT), lambda i: (0, 0)),
          pl.BlockSpec((NC, 2, ROW_BLK), lambda i: (0, 0, i)),
      ],
      out_specs=pl.BlockSpec((ROW_BLK, NFEAT), lambda i: (i, 0)),
      out_shape=jax.ShapeDtypeStruct((N_PAD, NFEAT), jnp.float32),
  )(x, w, degp)


def _mid_body(aggp_ref, degp_ref, b_ref, w_ref, o_ref):
  agg = aggp_ref[0] + aggp_ref[1]
  norm_dst = _norm_from(degp_ref[0, 1, :] + degp_ref[1, 1, :])
  norm_src = _norm_from(degp_ref[0, 0, :] + degp_ref[1, 0, :])
  h = jax.nn.relu(agg * norm_dst[:, None] + b_ref[...][None, :])
  hs = h * norm_src[:, None]
  o_ref[...] = jnp.dot(hs, w_ref[...], preferred_element_type=jnp.float32)


def _mid(aggp, degp, b, w):
  return pl.pallas_call(
      _mid_body,
      grid=(GRID,),
      in_specs=[
          pl.BlockSpec((NC, ROW_BLK, NFEAT), lambda i: (0, i, 0)),
          pl.BlockSpec((NC, 2, ROW_BLK), lambda i: (0, 0, i)),
          pl.BlockSpec((NFEAT,), lambda i: (0,)),
          pl.BlockSpec((NFEAT, NFEAT), lambda i: (0, 0)),
      ],
      out_specs=pl.BlockSpec((ROW_BLK, NFEAT), lambda i: (i, 0)),
      out_shape=jax.ShapeDtypeStruct((N_PAD, NFEAT), jnp.float32),
  )(aggp, degp, b, w)


def _final_body(aggp_ref, degp_ref, b_ref, o_ref):
  agg = aggp_ref[0] + aggp_ref[1]
  norm_dst = _norm_from(degp_ref[0, 1, :] + degp_ref[1, 1, :])
  o_ref[...] = agg * norm_dst[:, None] + b_ref[...][None, :]


def _final(aggp, degp, b):
  return pl.pallas_call(
      _final_body,
      grid=(GRID,),
      in_specs=[
          pl.BlockSpec((NC, ROW_BLK, NFEAT), lambda i: (0, i, 0)),
          pl.BlockSpec((NC, 2, ROW_BLK), lambda i: (0, 0, i)),
          pl.BlockSpec((NFEAT,), lambda i: (0,)),
      ],
      out_specs=pl.BlockSpec((ROW_BLK, NFEAT), lambda i: (i, 0)),
      out_shape=jax.ShapeDtypeStruct((N_NODES, NFEAT), jnp.float32),
  )(aggp, degp, b)


def kernel(x, W1, b1, W2, b2, edge_index):
  ei = edge_index.astype(jnp.int32)
  real_per_tile = N_EDGES // (NC * NS)
  pad_per_tile = EDGES_PER_TILE - real_per_tile
  pad_block = jnp.broadcast_to(
      (N_NODES + jnp.arange(pad_per_tile, dtype=jnp.int32))[None, None, :],
      (2, NC * NS, pad_per_tile))
  edges = jnp.concatenate(
      [ei.reshape(2, NC * NS, real_per_tile), pad_block], axis=2
  ).reshape(2, NC, NS, CHUNKS_PER_TILE, CHUNK)

  degp = _deg_call()(edges)
  hs1 = _mm1(x, W1, degp)
  aggp1 = _agg_call()(hs1, edges)
  hs2 = _mid(aggp1, degp, b1, W2)
  aggp2 = _agg_call()(hs2, edges)
  return _final(aggp2, degp, b2)

# --- scband reference (transcript-rebuilt; emitter-appended) ---
"""Pipeline reference for scband-gcn-body-6640019440030 (READ-ONLY COPY).

The authoritative reference and input builder live on the scoring server;
editing this copy changes nothing except your own understanding.
"""

import jax, jax.numpy as jnp
import numpy as np

N_NODES = 10000
N_EDGES = 320000
NFEAT = 128
NHID = 128


def setup_inputs(seed: int = 0) -> dict:
    key = jax.random.key(seed)
    k1, k2, k3, k4, k5, k6 = jax.random.split(key, 6)
    x = jax.random.normal(k1, (N_NODES, NFEAT), dtype=jnp.float32)
    edge_index = jax.random.randint(k2, (2, N_EDGES), 0, N_NODES, dtype=jnp.int64)
    # GraphConv layer 1 params (glorot init)
    s1 = (6.0 / (NFEAT + NHID)) ** 0.5
    W1 = jax.random.uniform(k3, (NFEAT, NHID), dtype=jnp.float32, minval=-s1, maxval=s1)
    b1 = jnp.zeros((NHID,), dtype=jnp.float32)
    # GraphConv layer 2 params
    s2 = (6.0 / (NHID + NHID)) ** 0.5
    W2 = jax.random.uniform(k4, (NHID, NHID), dtype=jnp.float32, minval=-s2, maxval=s2)
    b2 = jnp.zeros((NHID,), dtype=jnp.float32)
    return {"x": x, "W1": W1, "b1": b1, "W2": W2, "b2": b2, "edge_index": edge_index}


def _graph_conv(x, W, b, src, dst, n_nodes):
    # DGL GraphConv with norm='both':
    # h = D_in^{-1/2} A (D_out^{-1/2} x) W + b
    h = x @ W
    deg_out = jnp.bincount(src, length=n_nodes).astype(jnp.float32)
    deg_in = jnp.bincount(dst, length=n_nodes).astype(jnp.float32)
    norm_src = jax.lax.rsqrt(jnp.clip(deg_out, 1.0, None))
    norm_dst = jax.lax.rsqrt(jnp.clip(deg_in, 1.0, None))
    msg = h[src] * norm_src[src][:, None]
    agg = jnp.zeros((n_nodes, h.shape[1]), dtype=h.dtype).at[dst].add(msg)
    return agg * norm_dst[:, None] + b


def reference(x, W1, b1, W2, b2, edge_index):
    src = edge_index[0]
    dst = edge_index[1]
    n = x.shape[0]
    h = _graph_conv(x, W1, b1, src, dst, n)
    h = jax.nn.relu(h)
    # dropout is identity in eval mode
    out = _graph_conv(h, W2, b2, src, dst, n)
    return out

if __name__ == "__main__":
    import jax
    _d = setup_inputs()
    print(jax.jit(kernel)(*tuple(_d.values())))

</pallas_src>

<mosaic_0001>
#map = affine_map<(d0, d1) -> (0, 0, 0, 0, 0)>
#map1 = affine_map<(d0, d1) -> (0, 0, 0)>
module attributes {stable_mosaic.version = 14 : i64} {
  func.func @_deg_body(%arg0: i32, %arg1: i32, %arg2: memref<2x2x16x80x128xi32, #tpu.memory_space<hbm>>, %arg3: memref<2x2x10240xf32, #tpu.memory_space<hbm>>, %arg4: memref<80x128xi32, #tpu.memory_space<vmem>>, %arg5: memref<80x128xi32, #tpu.memory_space<vmem>>, %arg6: memref<128xf32, #tpu.memory_space<vmem>>, %arg7: memref<640xf32, #tpu.memory_space<vmem>>, %arg8: memref<!tpu.dma_semaphore, #tpu.memory_space<semaphore_mem>>, %arg9: memref<!tpu.dma_semaphore, #tpu.memory_space<semaphore_mem>>, %arg10: memref<10240xf32, #tpu.memory_space<vmem_shared>>, %arg11: memref<10240xf32, #tpu.memory_space<vmem_shared>>) attributes {dimension_semantics = [#tpu.dimension_semantics<core_parallel>, #tpu.dimension_semantics<subcore_parallel>], iteration_bounds = array<i64: 2, 16>, scalar_prefetch = 0 : i64, scratch_operands = 8 : i64, tpu.core_type = #tpu.core_type<sc_vector_subcore>, window_params = [{transform_indices = #map}, {transform_indices = #map1}]} {
    %broadcast_in_dim3A = arith.constant 1.000000e+00 : f32
    %broadcast_in_dim3A_0 = vector.broadcast %broadcast_in_dim3A : f32 to vector<16xf32>
    %swap3A = arith.constant 0 : index
    %swap3A_1 = tpu.vector_load %arg6[%swap3A] {strides = array<i32>} : memref<128xf32, #tpu.memory_space<vmem>>, vector<16xf32>,
    %swap3A_2 = vector.shape_cast %swap3A_1 : vector<16xf32> to vector<16xf32>
    %swap3A_3 = vector.shape_cast %broadcast_in_dim3A_0 : vector<16xf32> to vector<16xf32>
    tpu.vector_store %arg6[%swap3A], %swap3A_3 {strides = array<i32>} : memref<128xf32, #tpu.memory_space<vmem>>, vector<16xf32>,
    %broadcast_in_dim3A_4 = arith.constant 1.000000e+00 : f32
    %broadcast_in_dim3A_5 = vector.broadcast %broadcast_in_dim3A_4 : f32 to vector<16xf32>
    %swap3A_6 = arith.constant 16 : index
    %swap3A_7 = tpu.vector_load %arg6[%swap3A_6] {strides = array<i32>} : memref<128xf32, #tpu.memory_space<vmem>>, vector<16xf32>,
    %swap3A_8 = vector.shape_cast %swap3A_7 : vector<16xf32> to vector<16xf32>
    %swap3A_9 = vector.shape_cast %broadcast_in_dim3A_5 : vector<16xf32> to vector<16xf32>
    tpu.vector_store %arg6[%swap3A_6], %swap3A_9 {strides = array<i32>} : memref<128xf32, #tpu.memory_space<vmem>>, vector<16xf32>,
    %broadcast_in_dim3A_10 = arith.constant 1.000000e+00 : f32
    %broadcast_in_dim3A_11 = vector.broadcast %broadcast_in_dim3A_10 : f32 to vector<16xf32>
    %swap3A_12 = arith.constant 32 : index
    %swap3A_13 = tpu.vector_load %arg6[%swap3A_12] {strides = array<i32>} : memref<128xf32, #tpu.memory_space<vmem>>, vector<16xf32>,
    %swap3A_14 = vector.shape_cast %swap3A_13 : vector<16xf32> to vector<16xf32>
    %swap3A_15 = vector.shape_cast %broadcast_in_dim3A_11 : vector<16xf32> to vector<16xf32>
    tpu.vector_store %arg6[%swap3A_12], %swap3A_15 {strides = array<i32>} : memref<128xf32, #tpu.memory_space<vmem>>, vector<16xf32>,
    %broadcast_in_dim3A_16 = arith.constant 1.000000e+00 : f32
    %broadcast_in_dim3A_17 = vector.broadcast %broadcast_in_dim3A_16 : f32 to vector<16xf32>
    %swap3A_18 = arith.constant 48 : index
    %swap3A_19 = tpu.vector_load %arg6[%swap3A_18] {strides = array<i32>} : memref<128xf32, #tpu.memory_space<vmem>>, vector<16xf32>,
    %swap3A_20 = vector.shape_cast %swap3A_19 : vector<16xf32> to vector<16xf32>
    %swap3A_21 = vector.shape_cast %broadcast_in_dim3A_17 : vector<16xf32> to vector<16xf32>
    tpu.vector_store %arg6[%swap3A_18], %swap3A_21 {strides = array<i32>} : memref<128xf32, #tpu.memory_space<vmem>>, vector<16xf32>,
    %broadcast_in_dim3A_22 = arith.constant 1.000000e+00 : f32
    %broadcast_in_dim3A_23 = vector.broadcast %broadcast_in_dim3A_22 : f32 to vector<16xf32>
    %swap3A_24 = arith.constant 64 : index
    %swap3A_25 = tpu.vector_load %arg6[%swap3A_24] {strides = array<i32>} : memref<128xf32, #tpu.memory_space<vmem>>, vector<16xf32>,
    %swap3A_26 = vector.shape_cast %swap3A_25 : vector<16xf32> to vector<16xf32>
    %swap3A_27 = vector.shape_cast %broadcast_in_dim3A_23 : vector<16xf32> to vector<16xf32>
    tpu.vector_store %arg6[%swap3A_24], %swap3A_27 {strides = array<i32>} : memref<128xf32, #tpu.memory_space<vmem>>, vector<16xf32>,
    %broadcast_in_dim3A_28 = arith.constant 1.000000e+00 : f32
    %broadcast_in_dim3A_29 = vector.broadcast %broadcast_in_dim3A_28 : f32 to vector<16xf32>
    %swap3A_30 = arith.constant 80 : index
    %swap3A_31 = tpu.vector_load %arg6[%swap3A_30] {strides = array<i32>} : memref<128xf32, #tpu.memory_space<vmem>>, vector<16xf32>,
    %swap3A_32 = vector.shape_cast %swap3A_31 : vector<16xf32> to vector<16xf32>
    %swap3A_33 = vector.shape_cast %broadcast_in_dim3A_29 : vector<16xf32> to vector<16xf32>
    tpu.vector_store %arg6[%swap3A_30], %swap3A_33 {strides = array<i32>} : memref<128xf32, #tpu.memory_space<vmem>>, vector<16xf32>,
    %broadcast_in_dim3A_34 = arith.constant 1.000000e+00 : f32
    %broadcast_in_dim3A_35 = vector.broadcast %broadcast_in_dim3A_34 : f32 to vector<16xf32>
    %swap3A_36 = arith.constant 96 : index
    %swap3A_37 = tpu.vector_load %arg6[%swap3A_36] {strides = array<i32>} : memref<128xf32, #tpu.memory_space<vmem>>, vector<16xf32>,
    %swap3A_38 = vector.shape_cast %swap3A_37 : vector<16xf32> to vector<16xf32>
    %swap3A_39 = vector.shape_cast %broadcast_in_dim3A_35 : vector<16xf32> to vector<16xf32>
    tpu.vector_store %arg6[%swap3A_36], %swap3A_39 {strides = array<i32>} : memref<128xf32, #tpu.memory_space<vmem>>, vector<16xf32>,
    %broadcast_in_dim3A_40 = arith.constant 1.000000e+00 : f32
    %broadcast_in_dim3A_41 = vector.broadcast %broadcast_in_dim3A_40 : f32 to vector<16xf32>
    %swap3A_42 = arith.constant 112 : index
    %swap3A_43 = tpu.vector_load %arg6[%swap3A_42] {strides = array<i32>} : memref<128xf32, #tpu.memory_space<vmem>>, vector<16xf32>,
    %swap3A_44 = vector.shape_cast %swap3A_43 : vector<16xf32> to vector<16xf32>
    %swap3A_45 = vector.shape_cast %broadcast_in_dim3A_41 : vector<16xf32> to vector<16xf32>
    tpu.vector_store %arg6[%swap3A_42], %swap3A_45 {strides = array<i32>} : memref<128xf32, #tpu.memory_space<vmem>>, vector<16xf32>,
    %broadcast_in_dim3A_46 = arith.constant 0.000000e+00 : f32
    %broadcast_in_dim3A_47 = vector.broadcast %broadcast_in_dim3A_46 : f32 to vector<16xf32>
    %swap3A_48 = arith.constant 0 : index
    %swap3A_49 = tpu.vector_load %arg7[%swap3A_48] {strides = array<i32>} : memref<640xf32, #tpu.memory_space<vmem>>, vector<16xf32>,
    %swap3A_50 = vector.shape_cast %swap3A_49 : vector<16xf32> to vector<16xf32>
    %swap3A_51 = vector.shape_cast %broadcast_in_dim3A_47 : vector<16xf32> to vector<16xf32>
    tpu.vector_store %arg7[%swap3A_48], %swap3A_51 {strides = array<i32>} : memref<640xf32, #tpu.memory_space<vmem>>, vector<16xf32>,
    %swap3A_52 = arith.constant 16 : index
    %swap3A_53 = tpu.vector_load %arg7[%swap3A_52] {strides = array<i32>} : memref<640xf32, #tpu.memory_space<vmem>>, vector<16xf32>,
    %swap3A_54 = vector.shape_cast %swap3A_53 : vector<16xf32> to vector<16xf32>
    %swap3A_55 = vector.shape_cast %broadcast_in_dim3A_47 : vector<16xf32> to vector<16xf32>
    tpu.vector_store %arg7[%swap3A_52], %swap3A_55 {strides = array<i32>} : memref<640xf32, #tpu.memory_space<vmem>>, vector<16xf32>,
    %swap3A_56 = arith.constant 32 : index
    %swap3A_57 = tpu.vector_load %arg7[%swap3A_56] {strides = array<i32>} : memref<640xf32, #tpu.memory_space<vmem>>, vector<16xf32>,
    %swap3A_58 = vector.shape_cast %swap3A_57 : vector<16xf32> to vector<16xf32>
    %swap3A_59 = vector.shape_cast %broadcast_in_dim3A_47 : vector<16xf32> to vector<16xf32>
    tpu.vector_store %arg7[%swap3A_56], %swap3A_59 {strides = array<i32>} : memref<640xf32, #tpu.memory_space<vmem>>, vector<16xf32>,
    %swap3A_60 = arith.constant 48 : index
    %swap3A_61 = tpu.vector_load %arg7[%swap3A_60] {strides = array<i32>} : memref<640xf32, #tpu.memory_space<vmem>>, vector<16xf32>,
    %swap3A_62 = vector.shape_cast %swap3A_61 : vector<16xf32> to vector<16xf32>
    %swap3A_63 = vector.shape_cast %broadcast_in_dim3A_47 : vector<16xf32> to vector<16xf32>
    tpu.vector_store %arg7[%swap3A_60], %swap3A_63 {strides = array<i32>} : memref<640xf32, #tpu.memory_space<vmem>>, vector<16xf32>,
    %swap3A_64 = arith.constant 64 : index
    %swap3A_65 = tpu.vector_load %arg7[%swap3A_64] {strides = array<i32>} : memref<640xf32, #tpu.memory_space<vmem>>, vector<16xf32>,
    %swap3A_66 = vector.shape_cast %swap3A_65 : vector<16xf32> to vector<16xf32>
    %swap3A_67 = vector.shape_cast %broadcast_in_dim3A_47 : vector<16xf32> to vector<16xf32>
    tpu.vector_store %arg7[%swap3A_64], %swap3A_67 {strides = array<i32>} : memref<640xf32, #tpu.memory_space<vmem>>, vector<16xf32>,
    %swap3A_68 = arith.constant 80 : index
    %swap3A_69 = tpu.vector_load %arg7[%swap3A_68] {strides = array<i32>} : memref<640xf32, #tpu.memory_space<vmem>>, vector<16xf32>,
    %swap3A_70 = vector.shape_cast %swap3A_69 : vector<16xf32> to vector<16xf32>
    %swap3A_71 = vector.shape_cast %broadcast_in_dim3A_47 : vector<16xf32> to vector<16xf32>
    tpu.vector_store %arg7[%swap3A_68], %swap3A_71 {strides = array<i32>} : memref<640xf32, #tpu.memory_space<vmem>>, vector<16xf32>,
    %swap3A_72 = arith.constant 96 : index
    %swap3A_73 = tpu.vector_load %arg7[%swap3A_72] {strides = array<i32>} : memref<640xf32, #tpu.memory_space<vmem>>, vector<16xf32>,
    %swap3A_74 = vector.shape_cast %swap3A_73 : vector<16xf32> to vector<16xf32>
    %swap3A_75 = vector.shape_cast %broadcast_in_dim3A_47 : vector<16xf32> to vector<16xf32>
    tpu.vector_store %arg7[%swap3A_72], %swap3A_75 {strides = array<i32>} : memref<640xf32, #tpu.memory_space<vmem>>, vector<16xf32>,
    %swap3A_76 = arith.constant 112 : index
    %swap3A_77 = tpu.vector_load %arg7[%swap3A_76] {strides = array<i32>} : memref<640xf32, #tpu.memory_space<vmem>>, vector<16xf32>,
    %swap3A_78 = vector.shape_cast %swap3A_77 : vector<16xf32> to vector<16xf32>
    %swap3A_79 = vector.shape_cast %broadcast_in_dim3A_47 : vector<16xf32> to vector<16xf32>
    tpu.vector_store %arg7[%swap3A_76], %swap3A_79 {strides = array<i32>} : memref<640xf32, #tpu.memory_space<vmem>>, vector<16xf32>,
    %swap3A_80 = arith.constant 128 : index
    %swap3A_81 = tpu.vector_load %arg7[%swap3A_80] {strides = array<i32>} : memref<640xf32, #tpu.memory_space<vmem>>, vector<16xf32>,
    %swap3A_82 = vector.shape_cast %swap3A_81 : vector<16xf32> to vector<16xf32>
    %swap3A_83 = vector.shape_cast %broadcast_in_dim3A_47 : vector<16xf32> to vector<16xf32>
    tpu.vector_store %arg7[%swap3A_80], %swap3A_83 {strides = array<i32>} : memref<640xf32, #tpu.memory_space<vmem>>, vector<16xf32>,
    %swap3A_84 = arith.constant 144 : index
    %swap3A_85 = tpu.vector_load %arg7[%swap3A_84] {strides = array<i32>} : memref<640xf32, #tpu.memory_space<vmem>>, vector<16xf32>,
    %swap3A_86 = vector.shape_cast %swap3A_85 : vector<16xf32> to vector<16xf32>
    %swap3A_87 = vector.shape_cast %broadcast_in_dim3A_47 : vector<16xf32> to vector<16xf32>
    tpu.vector_store %arg7[%swap3A_84], %swap3A_87 {strides = array<i32>} : memref<640xf32, #tpu.memory_space<vmem>>, vector<16xf32>,
    %swap3A_88 = arith.constant 160 : index
    %swap3A_89 = tpu.vector_load %arg7[%swap3A_88] {strides = array<i32>} : memref<640xf32, #tpu.memory_space<vmem>>, vector<16xf32>,
    %swap3A_90 = vector.shape_cast %swap3A_89 : vector<16xf32> to vector<16xf32>
    %swap3A_91 = vector.shape_cast %broadcast_in_dim3A_47 : vector<16xf32> to vector<16xf32>
    tpu.vector_store %arg7[%swap3A_88], %swap3A_91 {strides = array<i32>} : memref<640xf32, #tpu.memory_space<vmem>>, vector<16xf32>,
    %swap3A_92 = arith.constant 176 : index
    %swap3A_93 = tpu.vector_load %arg7[%swap3A_92] {strides = array<i32>} : memref<640xf32, #tpu.memory_space<vmem>>, vector<16xf32>,
    %swap3A_94 = vector.shape_cast %swap3A_93 : vector<16xf32> to vector<16xf32>
    %swap3A_95 = vector.shape_cast %broadcast_in_dim3A_47 : vector<16xf32> to vector<16xf32>
    tpu.vector_store %arg7[%swap3A_92], %swap3A_95 {strides = array<i32>} : memref<640xf32, #tpu.memory_space<vmem>>, vector<16xf32>,
    %swap3A_96 = arith.constant 192 : index
    %swap3A_97 = tpu.vector_load %arg7[%swap3A_96] {strides = array<i32>} : memref<640xf32, #tpu.memory_space<vmem>>, vector<16xf32>,
    %swap3A_98 = vector.shape_cast %swap3A_97 : vector<16xf32> to vector<16xf32>
    %swap3A_99 = vector.shape_cast %broadcast_in_dim3A_47 : vector<16xf32> to vector<16xf32>
    tpu.vector_store %arg7[%swap3A_96], %swap3A_99 {strides = array<i32>} : memref<640xf32, #tpu.memory_space<vmem>>, vector<16xf32>,
    %swap3A_100 = arith.constant 208 : index
    %swap3A_101 = tpu.vector_load %arg7[%swap3A_100] {strides = array<i32>} : memref<640xf32, #tpu.memory_space<vmem>>, vector<16xf32>,
    %swap3A_102 = vector.shape_cast %swap3A_101 : vector<16xf32> to vector<16xf32>
    %swap3A_103 = vector.shape_cast %broadcast_in_dim3A_47 : vector<16xf32> to vector<16xf32>
    tpu.vector_store %arg7[%swap3A_100], %swap3A_103 {strides = array<i32>} : memref<640xf32, #tpu.memory_space<vmem>>, vector<16xf32>,
    %swap3A_104 = arith.constant 224 : index
    %swap3A_105 = tpu.vector_load %arg7[%swap3A_104] {strides = array<i32>} : memref<640xf32, #tpu.memory_space<vmem>>, vector<16xf32>,
    %swap3A_106 = vector.shape_cast %swap3A_105 : vector<16xf32> to vector<16xf32>
    %swap3A_107 = vector.shape_cast %broadcast_in_dim3A_47 : vector<16xf32> to vector<16xf32>
    tpu.vector_store %arg7[%swap3A_104], %swap3A_107 {strides = array<i32>} : memref<640xf32, #tpu.memory_space<vmem>>, vector<16xf32>,
    %swap3A_108 = arith.constant 240 : index
    %swap3A_109 = tpu.vector_load %arg7[%swap3A_108] {strides = array<i32>} : memref<640xf32, #tpu.memory_space<vmem>>, vector<16xf32>,
    %swap3A_110 = vector.shape_cast %swap3A_109 : vector<16xf32> to vector<16xf32>
    %swap3A_111 = vector.shape_cast %broadcast_in_dim3A_47 : vector<16xf32> to vector<16xf32>
    tpu.vector_store %arg7[%swap3A_108], %swap3A_111 {strides = array<i32>} : memref<640xf32, #tpu.memory_space<vmem>>, vector<16xf32>,
    %swap3A_112 = arith.constant 256 : index
    %swap3A_113 = tpu.vector_load %arg7[%swap3A_112] {strides = array<i32>} : memref<640xf32, #tpu.memory_space<vmem>>, vector<16xf32>,
    %swap3A_114 = vector.shape_cast %swap3A_113 : vector<16xf32> to vector<16xf32>
    %swap3A_115 = vector.shape_cast %broadcast_in_dim3A_47 : vector<16xf32> to vector<16xf32>
    tpu.vector_store %arg7[%swap3A_112], %swap3A_115 {strides = array<i32>} : memref<640xf32, #tpu.memory_space<vmem>>, vector<16xf32>,
    %swap3A_116 = arith.constant 272 : index
    %swap3A_117 = tpu.vector_load %arg7[%swap3A_116] {strides = array<i32>} : memref<640xf32, #tpu.memory_space<vmem>>, vector<16xf32>,
    %swap3A_118 = vector.shape_cast %swap3A_117 : vector<16xf32> to vector<16xf32>
    %swap3A_119 = vector.shape_cast %broadcast_in_dim3A_47 : vector<16xf32> to vector<16xf32>
    tpu.vector_store %arg7[%swap3A_116], %swap3A_119 {strides = array<i32>} : memref<640xf32, #tpu.memory_space<vmem>>, vector<16xf32>,
    %swap3A_120 = arith.constant 288 : index
    %swap3A_121 = tpu.vector_load %arg7[%swap3A_120] {strides = array<i32>} : memref<640xf32, #tpu.memory_space<vmem>>, vector<16xf32>,
    %swap3A_122 = vector.shape_cast %swap3A_121 : vector<16xf32> to vector<16xf32>
    %swap3A_123 = vector.shape_cast %broadcast_in_dim3A_47 : vector<16xf32> to vector<16xf32>
    tpu.vector_store %arg7[%swap3A_120], %swap3A_123 {strides = array<i32>} : memref<640xf32, #tpu.memory_space<vmem>>, vector<16xf32>,
    %swap3A_124 = arith.constant 304 : index
    %swap3A_125 = tpu.vector_load %arg7[%swap3A_124] {strides = array<i32>} : memref<640xf32, #tpu.memory_space<vmem>>, vector<16xf32>,
    %swap3A_126 = vector.shape_cast %swap3A_125 : vector<16xf32> to vector<16xf32>
    %swap3A_127 = vector.shape_cast %broadcast_in_dim3A_47 : vector<16xf32> to vector<16xf32>
    tpu.vector_store %arg7[%swap3A_124], %swap3A_127 {strides = array<i32>} : memref<640xf32, #tpu.memory_space<vmem>>, vector<16xf32>,
    %swap3A_128 = arith.constant 320 : index
    %swap3A_129 = tpu.vector_load %arg7[%swap3A_128] {strides = array<i32>} : memref<640xf32, #tpu.memory_space<vmem>>, vector<16xf32>,
    %swap3A_130 = vector.shape_cast %swap3A_129 : vector<16xf32> to vector<16xf32>
    %swap3A_131 = vector.shape_cast %broadcast_in_dim3A_47 : vector<16xf32> to vector<16xf32>
    tpu.vector_store %arg7[%swap3A_128], %swap3A_131 {strides = array<i32>} : memref<640xf32, #tpu.memory_space<vmem>>, vector<16xf32>,
    %swap3A_132 = arith.constant 336 : index
    %swap3A_133 = tpu.vector_load %arg7[%swap3A_132] {strides = array<i32>} : memref<640xf32, #tpu.memory_space<vmem>>, vector<16xf32>,
    %swap3A_134 = vector.shape_cast %swap3A_133 : vector<16xf32> to vector<16xf32>
    %swap3A_135 = vector.shape_cast %broadcast_in_dim3A_47 : vector<16xf32> to vector<16xf32>
    tpu.vector_store %arg7[%swap3A_132], %swap3A_135 {strides = array<i32>} : memref<640xf32, #tpu.memory_space<vmem>>, vector<16xf32>,
    %swap3A_136 = arith.constant 352 : index
    %swap3A_137 = tpu.vector_load %arg7[%swap3A_136] {strides = array<i32>} : memref<640xf32, #tpu.memory_space<vmem>>, vector<16xf32>,
    %swap3A_138 = vector.shape_cast %swap3A_137 : vector<16xf32> to vector<16xf32>
    %swap3A_139 = vector.shape_cast %broadcast_in_dim3A_47 : vector<16xf32> to vector<16xf32>
    tpu.vector_store %arg7[%swap3A_136], %swap3A_139 {strides = array<i32>} : memref<640xf32, #tpu.memory_space<vmem>>, vector<16xf32>,
    %swap3A_140 = arith.constant 368 : index
    %swap3A_141 = tpu.vector_load %arg7[%swap3A_140] {strides = array<i32>} : memref<640xf32, #tpu.memory_space<vmem>>, vector<16xf32>,
    %swap3A_142 = vector.shape_cast %swap3A_141 : vector<16xf32> to vector<16xf32>
    %swap3A_143 = vector.shape_cast %broadcast_in_dim3A_47 : vector<16xf32> to vector<16xf32>
    tpu.vector_store %arg7[%swap3A_140], %swap3A_143 {strides = array<i32>} : memref<640xf32, #tpu.memory_space<vmem>>, vector<16xf32>,
    %swap3A_144 = arith.constant 384 : index
    %swap3A_145 = tpu.vector_load %arg7[%swap3A_144] {strides = array<i32>} : memref<640xf32, #tpu.memory_space<vmem>>, vector<16xf32>,
    %swap3A_146 = vector.shape_cast %swap3A_145 : vector<16xf32> to vector<16xf32>
    %swap3A_147 = vector.shape_cast %broadcast_in_dim3A_47 : vector<16xf32> to vector<16xf32>
    tpu.vector_store %arg7[%swap3A_144], %swap3A_147 {strides = array<i32>} : memref<640xf32, #tpu.memory_space<vmem>>, vector<16xf32>,
    %swap3A_148 = arith.constant 400 : index
    %swap3A_149 = tpu.vector_load %arg7[%swap3A_148] {strides = array<i32>} : memref<640xf32, #tpu.memory_space<vmem>>, vector<16xf32>,
    %swap3A_150 = vector.shape_cast %swap3A_149 : vector<16xf32> to vector<16xf32>
    %swap3A_151 = vector.shape_cast %broadcast_in_dim3A_47 : vector<16xf32> to vector<16xf32>
    tpu.vector_store %arg7[%swap3A_148], %swap3A_151 {strides = array<i32>} : memref<640xf32, #tpu.memory_space<vmem>>, vector<16xf32>,
    %swap3A_152 = arith.constant 416 : index
    %swap3A_153 = tpu.vector_load %arg7[%swap3A_152] {strides = array<i32>} : memref<640xf32, #tpu.memory_space<vmem>>, vector<16xf32>,
    %swap3A_154 = vector.shape_cast %swap3A_153 : vector<16xf32> to vector<16xf32>
    %swap3A_155 = vector.shape_cast %broadcast_in_dim3A_47 : vector<16xf32> to vector<16xf32>
    tpu.vector_store %arg7[%swap3A_152], %swap3A_155 {strides = array<i32>} : memref<640xf32, #tpu.memory_space<vmem>>, vector<16xf32>,
    %swap3A_156 = arith.constant 432 : index
    %swap3A_157 = tpu.vector_load %arg7[%swap3A_156] {strides = array<i32>} : memref<640xf32, #tpu.memory_space<vmem>>, vector<16xf32>,
    %swap3A_158 = vector.shape_cast %swap3A_157 : vector<16xf32> to vector<16xf32>
    %swap3A_159 = vector.shape_cast %broadcast_in_dim3A_47 : vector<16xf32> to vector<16xf32>
    tpu.vector_store %arg7[%swap3A_156], %swap3A_159 {strides = array<i32>} : memref<640xf32, #tpu.memory_space<vmem>>, vector<16xf32>,
    %swap3A_160 = arith.constant 448 : index
    %swap3A_161 = tpu.vector_load %arg7[%swap3A_160] {strides = array<i32>} : memref<640xf32, #tpu.memory_space<vmem>>, vector<16xf32>,
    %swap3A_162 = vector.shape_cast %swap3A_161 : vector<16xf32> to vector<16xf32>
    %swap3A_163 = vector.shape_cast %broadcast_in_dim3A_47 : vector<16xf32> to vector<16xf32>
    tpu.vector_store %arg7[%swap3A_160], %swap3A_163 {strides = array<i32>} : memref<640xf32, #tpu.memory_space<vmem>>, vector<16xf32>,
    %swap3A_164 = arith.constant 464 : index
    %swap3A_165 = tpu.vector_load %arg7[%swap3A_164] {strides = array<i32>} : memref<640xf32, #tpu.memory_space<vmem>>, vector<16xf32>,
    %swap3A_166 = vector.shape_cast %swap3A_165 : vector<16xf32> to vector<16xf32>
    %swap3A_167 = vector.shape_cast %broadcast_in_dim3A_47 : vector<16xf32> to vector<16xf32>
    tpu.vector_store %arg7[%swap3A_164], %swap3A_167 {strides = array<i32>} : memref<640xf32, #tpu.memory_space<vmem>>, vector<16xf32>,
    %swap3A_168 = arith.constant 480 : index
    %swap3A_169 = tpu.vector_load %arg7[%swap3A_168] {strides = array<i32>} : memref<640xf32, #tpu.memory_space<vmem>>, vector<16xf32>,
    %swap3A_170 = vector.shape_cast %swap3A_169 : vector<16xf32> to vector<16xf32>
    %swap3A_171 = vector.shape_cast %broadcast_in_dim3A_47 : vector<16xf32> to vector<16xf32>
    tpu.vector_store %arg7[%swap3A_168], %swap3A_171 {strides = array<i32>} : memref<640xf32, #tpu.memory_space<vmem>>, vector<16xf32>,
    %swap3A_172 = arith.constant 496 : index
    %swap3A_173 = tpu.vector_load %arg7[%swap3A_172] {strides = array<i32>} : memref<640xf32, #tpu.memory_space<vmem>>, vector<16xf32>,
    %swap3A_174 = vector.shape_cast %swap3A_173 : vector<16xf32> to vector<16xf32>
    %swap3A_175 = vector.shape_cast %broadcast_in_dim3A_47 : vector<16xf32> to vector<16xf32>
    tpu.vector_store %arg7[%swap3A_172], %swap3A_175 {strides = array<i32>} : memref<640xf32, #tpu.memory_space<vmem>>, vector<16xf32>,
    %swap3A_176 = arith.constant 512 : index
    %swap3A_177 = tpu.vector_load %arg7[%swap3A_176] {strides = array<i32>} : memref<640xf32, #tpu.memory_space<vmem>>, vector<16xf32>,
    %swap3A_178 = vector.shape_cast %swap3A_177 : vector<16xf32> to vector<16xf32>
    %swap3A_179 = vector.shape_cast %broadcast_in_dim3A_47 : vector<16xf32> to vector<16xf32>
    tpu.vector_store %arg7[%swap3A_176], %swap3A_179 {strides = array<i32>} : memref<640xf32, #tpu.memory_space<vmem>>, vector<16xf32>,
    %swap3A_180 = arith.constant 528 : index
    %swap3A_181 = tpu.vector_load %arg7[%swap3A_180] {strides = array<i32>} : memref<640xf32, #tpu.memory_space<vmem>>, vector<16xf32>,
    %swap3A_182 = vector.shape_cast %swap3A_181 : vector<16xf32> to vector<16xf32>
    %swap3A_183 = vector.shape_cast %broadcast_in_dim3A_47 : vector<16xf32> to vector<16xf32>
    tpu.vector_store %arg7[%swap3A_180], %swap3A_183 {strides = array<i32>} : memref<640xf32, #tpu.memory_space<vmem>>, vector<16xf32>,
    %swap3A_184 = arith.constant 544 : index
    %swap3A_185 = tpu.vector_load %arg7[%swap3A_184] {strides = array<i32>} : memref<640xf32, #tpu.memory_space<vmem>>, vector<16xf32>,
    %swap3A_186 = vector.shape_cast %swap3A_185 : vector<16xf32> to vector<16xf32>
    %swap3A_187 = vector.shape_cast %broadcast_in_dim3A_47 : vector<16xf32> to vector<16xf32>
    tpu.vector_store %arg7[%swap3A_184], %swap3A_187 {strides = array<i32>} : memref<640xf32, #tpu.memory_space<vmem>>, vector<16xf32>,
    %swap3A_188 = arith.constant 560 : index
    %swap3A_189 = tpu.vector_load %arg7[%swap3A_188] {strides = array<i32>} : memref<640xf32, #tpu.memory_space<vmem>>, vector<16xf32>,
    %swap3A_190 = vector.shape_cast %swap3A_189 : vector<16xf32> to vector<16xf32>
    %swap3A_191 = vector.shape_cast %broadcast_in_dim3A_47 : vector<16xf32> to vector<16xf32>
    tpu.vector_store %arg7[%swap3A_188], %swap3A_191 {strides = array<i32>} : memref<640xf32, #tpu.memory_space<vmem>>, vector<16xf32>,
    %swap3A_192 = arith.constant 576 : index
    %swap3A_193 = tpu.vector_load %arg7[%swap3A_192] {strides = array<i32>} : memref<640xf32, #tpu.memory_space<vmem>>, vector<16xf32>,
    %swap3A_194 = vector.shape_cast %swap3A_193 : vector<16xf32> to vector<16xf32>
    %swap3A_195 = vector.shape_cast %broadcast_in_dim3A_47 : vector<16xf32> to vector<16xf32>
    tpu.vector_store %arg7[%swap3A_192], %swap3A_195 {strides = array<i32>} : memref<640xf32, #tpu.memory_space<vmem>>, vector<16xf32>,
    %swap3A_196 = arith.constant 592 : index
    %swap3A_197 = tpu.vector_load %arg7[%swap3A_196] {strides = array<i32>} : memref<640xf32, #tpu.memory_space<vmem>>, vector<16xf32>,
    %swap3A_198 = vector.shape_cast %swap3A_197 : vector<16xf32> to vector<16xf32>
    %swap3A_199 = vector.shape_cast %broadcast_in_dim3A_47 : vector<16xf32> to vector<16xf32>
    tpu.vector_store %arg7[%swap3A_196], %swap3A_199 {strides = array<i32>} : memref<640xf32, #tpu.memory_space<vmem>>, vector<16xf32>,
    %swap3A_200 = arith.constant 608 : index
    %swap3A_201 = tpu.vector_load %arg7[%swap3A_200] {strides = array<i32>} : memref<640xf32, #tpu.memory_space<vmem>>, vector<16xf32>,
    %swap3A_202 = vector.shape_cast %swap3A_201 : vector<16xf32> to vector<16xf32>
    %swap3A_203 = vector.shape_cast %broadcast_in_dim3A_47 : vector<16xf32> to vector<16xf32>
    tpu.vector_store %arg7[%swap3A_200], %swap3A_203 {strides = array<i32>} : memref<640xf32, #tpu.memory_space<vmem>>, vector<16xf32>,
    %swap3A_204 = arith.constant 624 : index
    %swap3A_205 = tpu.vector_load %arg7[%swap3A_204] {strides = array<i32>} : memref<640xf32, #tpu.memory_space<vmem>>, vector<16xf32>,
    %swap3A_206 = vector.shape_cast %swap3A_205 : vector<16xf32> to vector<16xf32>
    %swap3A_207 = vector.shape_cast %broadcast_in_dim3A_47 : vector<16xf32> to vector<16xf32>
    tpu.vector_store %arg7[%swap3A_204], %swap3A_207 {strides = array<i32>} : memref<640xf32, #tpu.memory_space<vmem>>, vector<16xf32>,
    %mul3A = arith.constant 640 : i32
    %mul3A_208 = arith.muli %arg1, %mul3A : i32
    "tpu.region"() ({
      %run_scoped3A_240 = tpu.sem_alloc : memref<!tpu.dma_semaphore, #tpu.memory_space<semaphore_mem>>
      %dma_start3A = tpu.memref_slice %arg10[%mul3A_208] : memref<10240xf32, #tpu.memory_space<vmem_shared>> -> memref<640xf32, #tpu.memory_space<vmem_shared>>
      %dma_start3A_241 = tpu.memref_slice %arg10[%mul3A_208] : memref<10240xf32, #tpu.memory_space<vmem_shared>> -> memref<640xf32, #tpu.memory_space<vmem_shared>>
      tpu.enqueue_dma source(%arg7 : memref<640xf32, #tpu.memory_space<vmem>>) target(%dma_start3A_241 : memref<640xf32, #tpu.memory_space<vmem_shared>>) target_semaphore(%run_scoped3A_240 : memref<!tpu.dma_semaphore, #tpu.memory_space<semaphore_mem>>)
      %dma_wait3A_242 = tpu.memref_slice %arg10[%mul3A_208] : memref<10240xf32, #tpu.memory_space<vmem_shared>> -> memref<640xf32, #tpu.memory_space<vmem_shared>>
      %dma_wait3A_243 = tpu.memref_slice %arg10[%mul3A_208] : memref<10240xf32, #tpu.memory_space<vmem_shared>> -> memref<640xf32, #tpu.memory_space<vmem_shared>>
      tpu.wait_dma2 semaphore(%run_scoped3A_240 : memref<!tpu.dma_semaphore, #tpu.memory_space<semaphore_mem>>) src(%arg7 : memref<640xf32, #tpu.memory_space<vmem>>) dst(%dma_wait3A_243 : memref<640xf32, #tpu.memory_space<vmem_shared>>)
      tpu.yield
    }) : () -> ()
    %mul3A_209 = arith.constant 640 : i32
    %mul3A_210 = arith.muli %arg1, %mul3A_209 : i32
    "tpu.region"() ({
      %run_scoped3A_240 = tpu.sem_alloc : memref<!tpu.dma_semaphore, #tpu.memory_space<semaphore_mem>>
      %dma_start3A = tpu.memref_slice %arg11[%mul3A_210] : memref<10240xf32, #tpu.memory_space<vmem_shared>> -> memref<640xf32, #tpu.memory_space<vmem_shared>>
      %dma_start3A_241 = tpu.memref_slice %arg11[%mul3A_210] : memref<10240xf32, #tpu.memory_space<vmem_shared>> -> memref<640xf32, #tpu.memory_space<vmem_shared>>
      tpu.enqueue_dma source(%arg7 : memref<640xf32, #tpu.memory_space<vmem>>) target(%dma_start3A_241 : memref<640xf32, #tpu.memory_space<vmem_shared>>) target_semaphore(%run_scoped3A_240 : memref<!tpu.dma_semaphore, #tpu.memory_space<semaphore_mem>>)
      %dma_wait3A_242 = tpu.memref_slice %arg11[%mul3A_210] : memref<10240xf32, #tpu.memory_space<vmem_shared>> -> memref<640xf32, #tpu.memory_space<vmem_shared>>
      %dma_wait3A_243 = tpu.memref_slice %arg11[%mul3A_210] : memref<10240xf32, #tpu.memory_space<vmem_shared>> -> memref<640xf32, #tpu.memory_space<vmem_shared>>
      tpu.wait_dma2 semaphore(%run_scoped3A_240 : memref<!tpu.dma_semaphore, #tpu.memory_space<semaphore_mem>>) src(%arg7 : memref<640xf32, #tpu.memory_space<vmem>>) dst(%dma_wait3A_243 : memref<640xf32, #tpu.memory_space<vmem_shared>>)
      tpu.yield
    }) : () -> ()
    %run_scoped3A = arith.constant 0 : i32
    "tpu.region"() ({
      %run_scoped3A_240 = tpu.sem_alloc : memref<!tpu.dma_semaphore, #tpu.memory_space<semaphore_mem>>
      %dma_start3A = arith.constant 0 : i32
      %dma_start3A_241 = arith.constant 0 : i32
      %dma_start3A_242 = tpu.memref_slice %arg2[%run_scoped3A, %arg0, %arg1, %dma_start3A, %dma_start3A_241] : memref<2x2x16x80x128xi32, #tpu.memory_space<hbm>> -> memref<1x1x1x80x128xi32, #tpu.memory_space<hbm>>
      %dma_start3A_243 = tpu.memref_squeeze %dma_start3A_242 : memref<1x1x1x80x128xi32, #tpu.memory_space<hbm>> -> memref<80x128xi32, #tpu.memory_space<hbm>>
      %dma_start3A_244 = arith.constant 0 : i32
      %dma_start3A_245 = arith.constant 0 : i32
      %dma_start3A_246 = tpu.memref_slice %arg2[%run_scoped3A, %arg0, %arg1, %dma_start3A_244, %dma_start3A_245] : memref<2x2x16x80x128xi32, #tpu.memory_space<hbm>> -> memref<1x1x1x80x128xi32, #tpu.memory_space<hbm>>
      %dma_start3A_247 = tpu.memref_squeeze %dma_start3A_246 : memref<1x1x1x80x128xi32, #tpu.memory_space<hbm>> -> memref<80x128xi32, #tpu.memory_space<hbm>>
      tpu.enqueue_dma source(%dma_start3A_247 : memref<80x128xi32, #tpu.memory_space<hbm>>) target(%arg4 : memref<80x128xi32, #tpu.memory_space<vmem>>) target_semaphore(%run_scoped3A_240 : memref<!tpu.dma_semaphore, #tpu.memory_space<semaphore_mem>>)
      %dma_wait3A_248 = arith.constant 0 : i32
      %dma_wait3A_249 = arith.constant 0 : i32
      %dma_wait3A_250 = tpu.memref_slice %arg2[%run_scoped3A, %arg0, %arg1, %dma_wait3A_248, %dma_wait3A_249] : memref<2x2x16x80x128xi32, #tpu.memory_space<hbm>> -> memref<1x1x1x80x128xi32, #tpu.memory_space<hbm>>
      %dma_wait3A_251 = tpu.memref_squeeze %dma_wait3A_250 : memref<1x1x1x80x128xi32, #tpu.memory_space<hbm>> -> memref<80x128xi32, #tpu.memory_space<hbm>>
      %dma_wait3A_252 = arith.constant 0 : i32
      %dma_wait3A_253 = arith.constant 0 : i32
      %dma_wait3A_254 = tpu.memref_slice %arg2[%run_scoped3A, %arg0, %arg1, %dma_wait3A_252, %dma_wait3A_253] : memref<2x2x16x80x128xi32, #tpu.memory_space<hbm>> -> memref<1x1x1x80x128xi32, #tpu.memory_space<hbm>>
      %dma_wait3A_255 = tpu.memref_squeeze %dma_wait3A_254 : memref<1x1x1x80x128xi32, #tpu.memory_space<hbm>> -> memref<80x128xi32, #tpu.memory_space<hbm>>
      tpu.wait_dma2 semaphore(%run_scoped3A_240 : memref<!tpu.dma_semaphore, #tpu.memory_space<semaphore_mem>>) src(%dma_wait3A_255 : memref<80x128xi32, #tpu.memory_space<hbm>>) dst(%arg4 : memref<80x128xi32, #tpu.memory_space<vmem>>)
      tpu.yield
    }) : () -> ()
    %run_scoped3A_211 = arith.constant 1 : i32
    "tpu.region"() ({
      %run_scoped3A_240 = tpu.sem_alloc : memref<!tpu.dma_semaphore, #tpu.memory_space<semaphore_mem>>
      %dma_start3A = arith.constant 0 : i32
      %dma_start3A_241 = arith.constant 0 : i32
      %dma_start3A_242 = tpu.memref_slice %arg2[%run_scoped3A_211, %arg0, %arg1, %dma_start3A, %dma_start3A_241] : memref<2x2x16x80x128xi32, #tpu.memory_space<hbm>> -> memref<1x1x1x80x128xi32, #tpu.memory_space<hbm>>
      %dma_start3A_243 = tpu.memref_squeeze %dma_start3A_242 : memref<1x1x1x80x128xi32, #tpu.memory_space<hbm>> -> memref<80x128xi32, #tpu.memory_space<hbm>>
      %dma_start3A_244 = arith.constant 0 : i32
      %dma_start3A_245 = arith.constant 0 : i32
      %dma_start3A_246 = tpu.memref_slice %arg2[%run_scoped3A_211, %arg0, %arg1, %dma_start3A_244, %dma_start3A_245] : memref<2x2x16x80x128xi32, #tpu.memory_space<hbm>> -> memref<1x1x1x80x128xi32, #tpu.memory_space<hbm>>
      %dma_start3A_247 = tpu.memref_squeeze %dma_start3A_246 : memref<1x1x1x80x128xi32, #tpu.memory_space<hbm>> -> memref<80x128xi32, #tpu.memory_space<hbm>>
      tpu.enqueue_dma source(%dma_start3A_247 : memref<80x128xi32, #tpu.memory_space<hbm>>) target(%arg5 : memref<80x128xi32, #tpu.memory_space<vmem>>) target_semaphore(%run_scoped3A_240 : memref<!tpu.dma_semaphore, #tpu.memory_space<semaphore_mem>>)
      %dma_wait3A_248 = arith.constant 0 : i32
      %dma_wait3A_249 = arith.constant 0 : i32
      %dma_wait3A_250 = tpu.memref_slice %arg2[%run_scoped3A_211, %arg0, %arg1, %dma_wait3A_248, %dma_wait3A_249] : memref<2x2x16x80x128xi32, #tpu.memory_space<hbm>> -> memref<1x1x1x80x128xi32, #tpu.memory_space<hbm>>
      %dma_wait3A_251 = tpu.memref_squeeze %dma_wait3A_250 : memref<1x1x1x80x128xi32, #tpu.memory_space<hbm>> -> memref<80x128xi32, #tpu.memory_space<hbm>>
      %dma_wait3A_252 = arith.constant 0 : i32
      %dma_wait3A_253 = arith.constant 0 : i32
      %dma_wait3A_254 = tpu.memref_slice %arg2[%run_scoped3A_211, %arg0, %arg1, %dma_wait3A_252, %dma_wait3A_253] : memref<2x2x16x80x128xi32, #tpu.memory_space<hbm>> -> memref<1x1x1x80x128xi32, #tpu.memory_space<hbm>>
      %dma_wait3A_255 = tpu.memref_squeeze %dma_wait3A_254 : memref<1x1x1x80x128xi32, #tpu.memory_space<hbm>> -> memref<80x128xi32, #tpu.memory_space<hbm>>
      tpu.wait_dma2 semaphore(%run_scoped3A_240 : memref<!tpu.dma_semaphore, #tpu.memory_space<semaphore_mem>>) src(%dma_wait3A_255 : memref<80x128xi32, #tpu.memory_space<hbm>>) dst(%arg5 : memref<80x128xi32, #tpu.memory_space<vmem>>)
      tpu.yield
    }) : () -> ()
    %barrier3A = arith.constant 0 : index
    tpu.barrier barrier_id(%barrier3A)
    %scan3A = arith.constant 0 : i32
    %scan3A_212 = arith.constant 0 : i32
    %scan3A_213 = arith.constant 80 : i32
    %scan3A_214 = arith.addi %scan3A_212, %scan3A_213 : i32
    %scan3A_215 = arith.constant 1 : i32
    %scan3A_216 = scf.for %scan3A_240 = %scan3A_212 to %scan3A_214 step %scan3A_215 iter_args(%scan3A_241 = %scan3A) -> (i32)  : i32 {
      %dma_start3A = arith.constant 0 : i32
      %dma_start3A_242 = tpu.memref_slice %arg4[%scan3A_240, %dma_start3A] : memref<80x128xi32, #tpu.memory_space<vmem>> -> memref<1x128xi32, #tpu.memory_space<vmem>>
      %dma_start3A_243 = tpu.memref_squeeze %dma_start3A_242 : memref<1x128xi32, #tpu.memory_space<vmem>> -> memref<128xi32, #tpu.memory_space<vmem>>
      %dma_start3A_244 = arith.constant 0 : i32
      %dma_start3A_245 = tpu.memref_slice %arg10[%dma_start3A_244] : memref<10240xf32, #tpu.memory_space<vmem_shared>> -> memref<10240xf32, #tpu.memory_space<vmem_shared>>
      tpu.enqueue_indirect_dma source(%arg6 : memref<128xf32, #tpu.memory_space<vmem>>) target(%dma_start3A_245 : memref<10240xf32, #tpu.memory_space<vmem_shared>>) offsets(%dma_start3A_243 : memref<128xi32, #tpu.memory_space<vmem>>) semaphore(%arg8 : memref<!tpu.dma_semaphore, #tpu.memory_space<semaphore_mem>>) {add = true}
      %dma_start3A_246 = arith.constant 0 : i32
      %dma_start3A_247 = tpu.memref_slice %arg5[%scan3A_240, %dma_start3A_246] : memref<80x128xi32, #tpu.memory_space<vmem>> -> memref<1x128xi32, #tpu.memory_space<vmem>>
      %dma_start3A_248 = tpu.memref_squeeze %dma_start3A_247 : memref<1x128xi32, #tpu.memory_space<vmem>> -> memref<128xi32, #tpu.memory_space<vmem>>
      %dma_start3A_249 = arith.constant 0 : i32
      %dma_start3A_250 = tpu.memref_slice %arg11[%dma_start3A_249] : memref<10240xf32, #tpu.memory_space<vmem_shared>> -> memref<10240xf32, #tpu.memory_space<vmem_shared>>
      tpu.enqueue_indirect_dma source(%arg6 : memref<128xf32, #tpu.memory_space<vmem>>) target(%dma_start3A_250 : memref<10240xf32, #tpu.memory_space<vmem_shared>>) offsets(%dma_start3A_248 : memref<128xi32, #tpu.memory_space<vmem>>) semaphore(%arg9 : memref<!tpu.dma_semaphore, #tpu.memory_space<semaphore_mem>>) {add = true}
      %scan3A_251 = arith.constant 0 : i32
      scf.yield %scan3A_251 : i32
    }
    %scan3A_217 = arith.constant 80 : i32
    %dma_wait3A = arith.constant 0 : i32
    %dma_wait3A_218 = arith.constant 0 : i32
    %dma_wait3A_219 = arith.constant 0 : i32
    %dma_wait3A_220 = tpu.memref_slice %arg2[%dma_wait3A, %arg0, %arg1, %dma_wait3A_218, %dma_wait3A_219] : memref<2x2x16x80x128xi32, #tpu.memory_space<hbm>> -> memref<1x1x1x80x128xi32, #tpu.memory_space<hbm>>
    %dma_wait3A_221 = tpu.memref_squeeze %dma_wait3A_220 : memref<1x1x1x80x128xi32, #tpu.memory_space<hbm>> -> memref<80x128xi32, #tpu.memory_space<hbm>>
    %dma_wait3A_222 = arith.constant 0 : i32
    %dma_wait3A_223 = arith.constant 0 : i32
    %dma_wait3A_224 = tpu.memref_slice %arg2[%dma_wait3A, %arg0, %arg1, %dma_wait3A_222, %dma_wait3A_223] : memref<2x2x16x80x128xi32, #tpu.memory_space<hbm>> -> memref<1x1x1x80x128xi32, #tpu.memory_space<hbm>>
    %dma_wait3A_225 = tpu.memref_squeeze %dma_wait3A_224 : memref<1x1x1x80x128xi32, #tpu.memory_space<hbm>> -> memref<80x128xi32, #tpu.memory_space<hbm>>
    tpu.wait_dma2 semaphore(%arg8 : memref<!tpu.dma_semaphore, #tpu.memory_space<semaphore_mem>>) src(%dma_wait3A_225 : memref<80x128xi32, #tpu.memory_space<hbm>>) dst(%arg4 : memref<80x128xi32, #tpu.memory_space<vmem>>)
    %dma_wait3A_226 = arith.constant 1 : i32
    %dma_wait3A_227 = arith.constant 0 : i32
    %dma_wait3A_228 = arith.constant 0 : i32
    %dma_wait3A_229 = tpu.memref_slice %arg2[%dma_wait3A_226, %arg0, %arg1, %dma_wait3A_227, %dma_wait3A_228] : memref<2x2x16x80x128xi32, #tpu.memory_space<hbm>> -> memref<1x1x1x80x128xi32, #tpu.memory_space<hbm>>
    %dma_wait3A_230 = tpu.memref_squeeze %dma_wait3A_229 : memref<1x1x1x80x128xi32, #tpu.memory_space<hbm>> -> memref<80x128xi32, #tpu.memory_space<hbm>>
    %dma_wait3A_231 = arith.constant 0 : i32
    %dma_wait3A_232 = arith.constant 0 : i32
    %dma_wait3A_233 = tpu.memref_slice %arg2[%dma_wait3A_226, %arg0, %arg1, %dma_wait3A_231, %dma_wait3A_232] : memref<2x2x16x80x128xi32, #tpu.memory_space<hbm>> -> memref<1x1x1x80x128xi32, #tpu.memory_space<hbm>>
    %dma_wait3A_234 = tpu.memref_squeeze %dma_wait3A_233 : memref<1x1x1x80x128xi32, #tpu.memory_space<hbm>> -> memref<80x128xi32, #tpu.memory_space<hbm>>
    tpu.wait_dma2 semaphore(%arg9 : memref<!tpu.dma_semaphore, #tpu.memory_space<semaphore_mem>>) src(%dma_wait3A_234 : memref<80x128xi32, #tpu.memory_space<hbm>>) dst(%arg5 : memref<80x128xi32, #tpu.memory_space<vmem>>)
    %barrier3A_235 = arith.constant 0 : index
    tpu.barrier barrier_id(%barrier3A_235)
    %mul3A_236 = arith.constant 640 : i32
    %mul3A_237 = arith.muli %arg1, %mul3A_236 : i32
    %run_scoped3A_238 = arith.constant 0 : i32
    "tpu.region"() ({
      %run_scoped3A_240 = tpu.sem_alloc : memref<!tpu.dma_semaphore, #tpu.memory_space<semaphore_mem>>
      %dma_start3A = tpu.memref_slice %arg3[%arg0, %run_scoped3A_238, %mul3A_237] : memref<2x2x10240xf32, #tpu.memory_space<hbm>> -> memref<1x1x640xf32, #tpu.memory_space<hbm>>
      %dma_start3A_241 = tpu.memref_squeeze %dma_start3A : memref<1x1x640xf32, #tpu.memory_space<hbm>> -> memref<640xf32, #tpu.memory_space<hbm>>
      %dma_start3A_242 = tpu.memref_slice %arg10[%mul3A_237] : memref<10240xf32, #tpu.memory_space<vmem_shared>> -> memref<640xf32, #tpu.memory_space<vmem_shared>>
      tpu.enqueue_dma source(%dma_start3A_242 : memref<640xf32, #tpu.memory_space<vmem_shared>>) target(%dma_start3A_241 : memref<640xf32, #tpu.memory_space<hbm>>) target_semaphore(%run_scoped3A_240 : memref<!tpu.dma_semaphore, #tpu.memory_space<semaphore_mem>>)
      %dma_wait3A_243 = tpu.memref_slice %arg3[%arg0, %run_scoped3A_238, %mul3A_237] : memref<2x2x10240xf32, #tpu.memory_space<hbm>> -> memref<1x1x640xf32, #tpu.memory_space<hbm>>
      %dma_wait3A_244 = tpu.memref_squeeze %dma_wait3A_243 : memref<1x1x640xf32, #tpu.memory_space<hbm>> -> memref<640xf32, #tpu.memory_space<hbm>>
      %dma_wait3A_245 = tpu.memref_slice %arg10[%mul3A_237] : memref<10240xf32, #tpu.memory_space<vmem_shared>> -> memref<640xf32, #tpu.memory_space<vmem_shared>>
      tpu.wait_dma2 semaphore(%run_scoped3A_240 : memref<!tpu.dma_semaphore, #tpu.memory_space<semaphore_mem>>) src(%dma_wait3A_245 : memref<640xf32, #tpu.memory_space<vmem_shared>>) dst(%dma_wait3A_244 : memref<640xf32, #tpu.memory_space<hbm>>)
      tpu.yield
    }) : () -> ()
    %run_scoped3A_239 = arith.constant 1 : i32
    "tpu.region"() ({
      %run_scoped3A_240 = tpu.sem_alloc : memref<!tpu.dma_semaphore, #tpu.memory_space<semaphore_mem>>
      %dma_start3A = tpu.memref_slice %arg3[%arg0, %run_scoped3A_239, %mul3A_237] : memref<2x2x10240xf32, #tpu.memory_space<hbm>> -> memref<1x1x640xf32, #tpu.memory_space<hbm>>
      %dma_start3A_241 = tpu.memref_squeeze %dma_start3A : memref<1x1x640xf32, #tpu.memory_space<hbm>> -> memref<640xf32, #tpu.memory_space<hbm>>
      %dma_start3A_242 = tpu.memref_slice %arg11[%mul3A_237] : memref<10240xf32, #tpu.memory_space<vmem_shared>> -> memref<640xf32, #tpu.memory_space<vmem_shared>>
      tpu.enqueue_dma source(%dma_start3A_242 : memref<640xf32, #tpu.memory_space<vmem_shared>>) target(%dma_start3A_241 : memref<640xf32, #tpu.memory_space<hbm>>) target_semaphore(%run_scoped3A_240 : memref<!tpu.dma_semaphore, #tpu.memory_space<semaphore_mem>>)
      %dma_wait3A_243 = tpu.memref_slice %arg3[%arg0, %run_scoped3A_239, %mul3A_237] : memref<2x2x10240xf32, #tpu.memory_space<hbm>> -> memref<1x1x640xf32, #tpu.memory_space<hbm>>
      %dma_wait3A_244 = tpu.memref_squeeze %dma_wait3A_243 : memref<1x1x640xf32, #tpu.memory_space<hbm>> -> memref<640xf32, #tpu.memory_space<hbm>>
      %dma_wait3A_245 = tpu.memref_slice %arg11[%mul3A_237] : memref<10240xf32, #tpu.memory_space<vmem_shared>> -> memref<640xf32, #tpu.memory_space<vmem_shared>>
      tpu.wait_dma2 semaphore(%run_scoped3A_240 : memref<!tpu.dma_semaphore, #tpu.memory_space<semaphore_mem>>) src(%dma_wait3A_245 : memref<640xf32, #tpu.memory_space<vmem_shared>>) dst(%dma_wait3A_244 : memref<640xf32, #tpu.memory_space<hbm>>)
      tpu.yield
    }) : () -> ()
    return
  }
}

#map = affine_map<(d0, d1) -> (0, 0)>
#map1 = affine_map<(d0, d1) -> (0, 0, 0, 0, 0)>
#map2 = affine_map<(d0, d1) -> (0, 0, 0)>
module attributes {stable_mosaic.version = 14 : i64} {
  func.func @_agg_body(%arg0: i32, %arg1: i32, %arg2: memref<10240x128xf32, #tpu.memory_space<hbm>>, %arg3: memref<2x2x16x80x128xi32, #tpu.memory_space<hbm>>, %arg4: memref<2x10240x128xf32, #tpu.memory_space<hbm>>, %arg5: memref<40x128xi32, #tpu.memory_space<vmem>>, %arg6: memref<40x128xi32, #tpu.memory_space<vmem>>, %arg7: memref<2x128x128xf32, #tpu.memory_space<vmem>>, %arg8: memref<!tpu.dma_semaphore, #tpu.memory_space<semaphore_mem>>, %arg9: memref<!tpu.dma_semaphore, #tpu.memory_space<semaphore_mem>>, %arg10: memref<10240x128xf32, #tpu.memory_space<vmem_shared>>) attributes {dimension_semantics = [#tpu.dimension_semantics<core_parallel>, #tpu.dimension_semantics<subcore_parallel>], iteration_bounds = array<i64: 2, 16>, scalar_prefetch = 0 : i64, scratch_operands = 6 : i64, tpu.core_type = #tpu.core_type<sc_vector_subcore>, window_params = [{transform_indices = #map}, {transform_indices = #map1}, {transform_indices = #map2}]} {
    %broadcast_in_dim3A = arith.constant 0.000000e+00 : f32
    %broadcast_in_dim3A_0 = vector.broadcast %broadcast_in_dim3A : f32 to vector<16xf32>
    %scan3A = arith.constant 0 : i32
    %scan3A_1 = arith.constant 0 : i32
    %scan3A_2 = arith.constant 0 : i32
    %scan3A_3 = arith.constant 128 : i32
    %scan3A_4 = arith.addi %scan3A_2, %scan3A_3 : i32
    %scan3A_5 = arith.constant 1 : i32
    %scan3A_6 = scf.for %scan3A_157 = %scan3A_2 to %scan3A_4 step %scan3A_5 iter_args(%scan3A_158 = %scan3A_1) -> (i32)  : i32 {
      %swap3A = arith.constant 0 : i32
      %swap3A_159 = arith.constant 0 : i32
      %swap3A_160 = tpu.memref_slice %arg7[%scan3A, %swap3A, %swap3A_159] : memref<2x128x128xf32, #tpu.memory_space<vmem>> -> memref<1x128x128xf32, #tpu.memory_space<vmem>>
      %swap3A_161 = tpu.memref_squeeze %swap3A_160 : memref<1x128x128xf32, #tpu.memory_space<vmem>> -> memref<128x128xf32, #tpu.memory_space<vmem>>
      %swap3A_162 = arith.index_cast %scan3A_157 : i32 to index
      %swap3A_163 = arith.constant 0 : index
      %swap3A_164 = tpu.vector_load %swap3A_161[%swap3A_162, %swap3A_163] {strides = array<i32>} : memref<128x128xf32, #tpu.memory_space<vmem>>, vector<1x16xf32>,
      %swap3A_165 = vector.shape_cast %swap3A_164 : vector<1x16xf32> to vector<16xf32>
      %swap3A_166 = vector.shape_cast %broadcast_in_dim3A_0 : vector<16xf32> to vector<1x16xf32>
      tpu.vector_store %swap3A_161[%swap3A_162, %swap3A_163], %swap3A_166 {strides = array<i32>} : memref<128x128xf32, #tpu.memory_space<vmem>>, vector<1x16xf32>,
      %swap3A_167 = arith.constant 0 : i32
      %swap3A_168 = arith.constant 0 : i32
      %swap3A_169 = tpu.memref_slice %arg7[%scan3A, %swap3A_167, %swap3A_168] : memref<2x128x128xf32, #tpu.memory_space<vmem>> -> memref<1x128x128xf32, #tpu.memory_space<vmem>>
      %swap3A_170 = tpu.memref_squeeze %swap3A_169 : memref<1x128x128xf32, #tpu.memory_space<vmem>> -> memref<128x128xf32, #tpu.memory_space<vmem>>
      %swap3A_171 = arith.index_cast %scan3A_157 : i32 to index
      %swap3A_172 = arith.constant 16 : index
      %swap3A_173 = tpu.vector_load %swap3A_170[%swap3A_171, %swap3A_172] {strides = array<i32>} : memref<128x128xf32, #tpu.memory_space<vmem>>, vector<1x16xf32>,
      %swap3A_174 = vector.shape_cast %swap3A_173 : vector<1x16xf32> to vector<16xf32>
      %swap3A_175 = vector.shape_cast %broadcast_in_dim3A_0 : vector<16xf32> to vector<1x16xf32>
      tpu.vector_store %swap3A_170[%swap3A_171, %swap3A_172], %swap3A_175 {strides = array<i32>} : memref<128x128xf32, #tpu.memory_space<vmem>>, vector<1x16xf32>,
      %swap3A_176 = arith.constant 0 : i32
      %swap3A_177 = arith.constant 0 : i32
      %swap3A_178 = tpu.memref_slice %arg7[%scan3A, %swap3A_176, %swap3A_177] : memref<2x128x128xf32, #tpu.memory_space<vmem>> -> memref<1x128x128xf32, #tpu.memory_space<vmem>>
      %swap3A_179 = tpu.memref_squeeze %swap3A_178 : memref<1x128x128xf32, #tpu.memory_space<vmem>> -> memref<128x128xf32, #tpu.memory_space<vmem>>
      %swap3A_180 = arith.index_cast %scan3A_157 : i32 to index
      %swap3A_181 = arith.constant 32 : index
      %swap3A_182 = tpu.vector_load %swap3A_179[%swap3A_180, %swap3A_181] {strides = array<i32>} : memref<128x128xf32, #tpu.memory_space<vmem>>, vector<1x16xf32>,
      %swap3A_183 = vector.shape_cast %swap3A_182 : vector<1x16xf32> to vector<16xf32>
      %swap3A_184 = vector.shape_cast %broadcast_in_dim3A_0 : vector<16xf32> to vector<1x16xf32>
      tpu.vector_store %swap3A_179[%swap3A_180, %swap3A_181], %swap3A_184 {strides = array<i32>} : memref<128x128xf32, #tpu.memory_space<vmem>>, vector<1x16xf32>,
      %swap3A_185 = arith.constant 0 : i32
      %swap3A_186 = arith.constant 0 : i32
      %swap3A_187 = tpu.memref_slice %arg7[%scan3A, %swap3A_185, %swap3A_186] : memref<2x128x128xf32, #tpu.memory_space<vmem>> -> memref<1x128x128xf32, #tpu.memory_space<vmem>>
      %swap3A_188 = tpu.memref_squeeze %swap3A_187 : memref<1x128x128xf32, #tpu.memory_space<vmem>> -> memref<128x128xf32, #tpu.memory_space<vmem>>
      %swap3A_189 = arith.index_cast %scan3A_157 : i32 to index
      %swap3A_190 = arith.constant 48 : index
      %swap3A_191 = tpu.vector_load %swap3A_188[%swap3A_189, %swap3A_190] {strides = array<i32>} : memref<128x128xf32, #tpu.memory_space<vmem>>, vector<1x16xf32>,
      %swap3A_192 = vector.shape_cast %swap3A_191 : vector<1x16xf32> to vector<16xf32>
      %swap3A_193 = vector.shape_cast %broadcast_in_dim3A_0 : vector<16xf32> to vector<1x16xf32>
      tpu.vector_store %swap3A_188[%swap3A_189, %swap3A_190], %swap3A_193 {strides = array<i32>} : memref<128x128xf32, #tpu.memory_space<vmem>>, vector<1x16xf32>,
      %swap3A_194 = arith.constant 0 : i32
      %swap3A_195 = arith.constant 0 : i32
      %swap3A_196 = tpu.memref_slice %arg7[%scan3A, %swap3A_194, %swap3A_195] : memref<2x128x128xf32, #tpu.memory_space<vmem>> -> memref<1x128x128xf32, #tpu.memory_space<vmem>>
      %swap3A_197 = tpu.memref_squeeze %swap3A_196 : memref<1x128x128xf32, #tpu.memory_space<vmem>> -> memref<128x128xf32, #tpu.memory_space<vmem>>
      %swap3A_198 = arith.index_cast %scan3A_157 : i32 to index
      %swap3A_199 = arith.constant 64 : index
      %swap3A_200 = tpu.vector_load %swap3A_197[%swap3A_198, %swap3A_199] {strides = array<i32>} : memref<128x128xf32, #tpu.memory_space<vmem>>, vector<1x16xf32>,
      %swap3A_201 = vector.shape_cast %swap3A_200 : vector<1x16xf32> to vector<16xf32>
      %swap3A_202 = vector.shape_cast %broadcast_in_dim3A_0 : vector<16xf32> to vector<1x16xf32>
      tpu.vector_store %swap3A_197[%swap3A_198, %swap3A_199], %swap3A_202 {strides = array<i32>} : memref<128x128xf32, #tpu.memory_space<vmem>>, vector<1x16xf32>,
      %swap3A_203 = arith.constant 0 : i32
      %swap3A_204 = arith.constant 0 : i32
      %swap3A_205 = tpu.memref_slice %arg7[%scan3A, %swap3A_203, %swap3A_204] : memref<2x128x128xf32, #tpu.memory_space<vmem>> -> memref<1x128x128xf32, #tpu.memory_space<vmem>>
      %swap3A_206 = tpu.memref_squeeze %swap3A_205 : memref<1x128x128xf32, #tpu.memory_space<vmem>> -> memref<128x128xf32, #tpu.memory_space<vmem>>
      %swap3A_207 = arith.index_cast %scan3A_157 : i32 to index
      %swap3A_208 = arith.constant 80 : index
      %swap3A_209 = tpu.vector_load %swap3A_206[%swap3A_207, %swap3A_208] {strides = array<i32>} : memref<128x128xf32, #tpu.memory_space<vmem>>, vector<1x16xf32>,
      %swap3A_210 = vector.shape_cast %swap3A_209 : vector<1x16xf32> to vector<16xf32>
      %swap3A_211 = vector.shape_cast %broadcast_in_dim3A_0 : vector<16xf32> to vector<1x16xf32>
      tpu.vector_store %swap3A_206[%swap3A_207, %swap3A_208], %swap3A_211 {strides = array<i32>} : memref<128x128xf32, #tpu.memory_space<vmem>>, vector<1x16xf32>,
      %swap3A_212 = arith.constant 0 : i32
      %swap3A_213 = arith.constant 0 : i32
      %swap3A_214 = tpu.memref_slice %arg7[%scan3A, %swap3A_212, %swap3A_213] : memref<2x128x128xf32, #tpu.memory_space<vmem>> -> memref<1x128x128xf32, #tpu.memory_space<vmem>>
      %swap3A_215 = tpu.memref_squeeze %swap3A_214 : memref<1x128x128xf32, #tpu.memory_space<vmem>> -> memref<128x128xf32, #tpu.memory_space<vmem>>
      %swap3A_216 = arith.index_cast %scan3A_157 : i32 to index
      %swap3A_217 = arith.constant 96 : index
      %swap3A_218 = tpu.vector_load %swap3A_215[%swap3A_216, %swap3A_217] {strides = array<i32>} : memref<128x128xf32, #tpu.memory_space<vmem>>, vector<1x16xf32>,
      %swap3A_219 = vector.shape_cast %swap3A_218 : vector<1x16xf32> to vector<16xf32>
      %swap3A_220 = vector.shape_cast %broadcast_in_dim3A_0 : vector<16xf32> to vector<1x16xf32>
      tpu.vector_store %swap3A_215[%swap3A_216, %swap3A_217], %swap3A_220 {strides = array<i32>} : memref<128x128xf32, #tpu.memory_space<vmem>>, vector<1x16xf32>,
      %swap3A_221 = arith.constant 0 : i32
      %swap3A_222 = arith.constant 0 : i32
      %swap3A_223 = tpu.memref_slice %arg7[%scan3A, %swap3A_221, %swap3A_222] : memref<2x128x128xf32, #tpu.memory_space<vmem>> -> memref<1x128x128xf32, #tpu.memory_space<vmem>>
      %swap3A_224 = tpu.memref_squeeze %swap3A_223 : memref<1x128x128xf32, #tpu.memory_space<vmem>> -> memref<128x128xf32, #tpu.memory_space<vmem>>
      %swap3A_225 = arith.index_cast %scan3A_157 : i32 to index
      %swap3A_226 = arith.constant 112 : index
      %swap3A_227 = tpu.vector_load %swap3A_224[%swap3A_225, %swap3A_226] {strides = array<i32>} : memref<128x128xf32, #tpu.memory_space<vmem>>, vector<1x16xf32>,
      %swap3A_228 = vector.shape_cast %swap3A_227 : vector<1x16xf32> to vector<16xf32>
      %swap3A_229 = vector.shape_cast %broadcast_in_dim3A_0 : vector<16xf32> to vector<1x16xf32>
      tpu.vector_store %swap3A_224[%swap3A_225, %swap3A_226], %swap3A_229 {strides = array<i32>} : memref<128x128xf32, #tpu.memory_space<vmem>>, vector<1x16xf32>,
      %scan3A_230 = arith.constant 0 : i32
      scf.yield %scan3A_230 : i32
    }
    %scan3A_7 = arith.constant 128 : i32
    %mul3A = arith.constant 640 : i32
    %mul3A_8 = arith.muli %arg1, %mul3A : i32
    %add3A = arith.constant 0 : i32
    %add3A_9 = arith.addi %mul3A_8, %add3A : i32
    %run_scoped3A = arith.constant 0 : i32
    "tpu.region"() ({
      %run_scoped3A_157 = tpu.sem_alloc : memref<!tpu.dma_semaphore, #tpu.memory_space<semaphore_mem>>
      %dma_start3A_158 = arith.constant 0 : i32
      %dma_start3A_159 = arith.constant 0 : i32
      %dma_start3A_160 = tpu.memref_slice %arg7[%run_scoped3A, %dma_start3A_158, %dma_start3A_159] : memref<2x128x128xf32, #tpu.memory_space<vmem>> -> memref<1x128x128xf32, #tpu.memory_space<vmem>>
      %dma_start3A_161 = tpu.memref_squeeze %dma_start3A_160 : memref<1x128x128xf32, #tpu.memory_space<vmem>> -> memref<128x128xf32, #tpu.memory_space<vmem>>
      %dma_start3A_162 = arith.constant 0 : i32
      %dma_start3A_163 = tpu.memref_slice %arg10[%add3A_9, %dma_start3A_162] : memref<10240x128xf32, #tpu.memory_space<vmem_shared>> -> memref<128x128xf32, #tpu.memory_space<vmem_shared>>
      %dma_start3A_164 = arith.constant 0 : i32
      %dma_start3A_165 = tpu.memref_slice %arg10[%add3A_9, %dma_start3A_164] : memref<10240x128xf32, #tpu.memory_space<vmem_shared>> -> memref<128x128xf32, #tpu.memory_space<vmem_shared>>
      %dma_start3A_166 = arith.constant 0 : i32
      %dma_start3A_167 = arith.constant 0 : i32
      %dma_start3A_168 = tpu.memref_slice %arg7[%run_scoped3A, %dma_start3A_166, %dma_start3A_167] : memref<2x128x128xf32, #tpu.memory_space<vmem>> -> memref<1x128x128xf32, #tpu.memory_space<vmem>>
      %dma_start3A_169 = tpu.memref_squeeze %dma_start3A_168 : memref<1x128x128xf32, #tpu.memory_space<vmem>> -> memref<128x128xf32, #tpu.memory_space<vmem>>
      tpu.enqueue_dma source(%dma_start3A_169 : memref<128x128xf32, #tpu.memory_space<vmem>>) target(%dma_start3A_165 : memref<128x128xf32, #tpu.memory_space<vmem_shared>>) target_semaphore(%run_scoped3A_157 : memref<!tpu.dma_semaphore, #tpu.memory_space<semaphore_mem>>)
      %dma_wait3A_170 = arith.constant 0 : i32
      %dma_wait3A_171 = arith.constant 0 : i32
      %dma_wait3A_172 = tpu.memref_slice %arg7[%run_scoped3A, %dma_wait3A_170, %dma_wait3A_171] : memref<2x128x128xf32, #tpu.memory_space<vmem>> -> memref<1x128x128xf32, #tpu.memory_space<vmem>>
      %dma_wait3A_173 = tpu.memref_squeeze %dma_wait3A_172 : memref<1x128x128xf32, #tpu.memory_space<vmem>> -> memref<128x128xf32, #tpu.memory_space<vmem>>
      %dma_wait3A_174 = arith.constant 0 : i32
      %dma_wait3A_175 = tpu.memref_slice %arg10[%add3A_9, %dma_wait3A_174] : memref<10240x128xf32, #tpu.memory_space<vmem_shared>> -> memref<128x128xf32, #tpu.memory_space<vmem_shared>>
      %dma_wait3A_176 = arith.constant 0 : i32
      %dma_wait3A_177 = tpu.memref_slice %arg10[%add3A_9, %dma_wait3A_176] : memref<10240x128xf32, #tpu.memory_space<vmem_shared>> -> memref<128x128xf32, #tpu.memory_space<vmem_shared>>
      %dma_wait3A_178 = arith.constant 0 : i32
      %dma_wait3A_179 = arith.constant 0 : i32
      %dma_wait3A_180 = tpu.memref_slice %arg7[%run_scoped3A, %dma_wait3A_178, %dma_wait3A_179] : memref<2x128x128xf32, #tpu.memory_space<vmem>> -> memref<1x128x128xf32, #tpu.memory_space<vmem>>
      %dma_wait3A_181 = tpu.memref_squeeze %dma_wait3A_180 : memref<1x128x128xf32, #tpu.memory_space<vmem>> -> memref<128x128xf32, #tpu.memory_space<vmem>>
      tpu.wait_dma2 semaphore(%run_scoped3A_157 : memref<!tpu.dma_semaphore, #tpu.memory_space<semaphore_mem>>) src(%dma_wait3A_181 : memref<128x128xf32, #tpu.memory_space<vmem>>) dst(%dma_wait3A_177 : memref<128x128xf32, #tpu.memory_space<vmem_shared>>)
      tpu.yield
    }) : () -> ()
    %mul3A_10 = arith.constant 640 : i32
    %mul3A_11 = arith.muli %arg1, %mul3A_10 : i32
    %add3A_12 = arith.constant 128 : i32
    %add3A_13 = arith.addi %mul3A_11, %add3A_12 : i32
    %run_scoped3A_14 = arith.constant 0 : i32
    "tpu.region"() ({
      %run_scoped3A_157 = tpu.sem_alloc : memref<!tpu.dma_semaphore, #tpu.memory_space<semaphore_mem>>
      %dma_start3A_158 = arith.constant 0 : i32
      %dma_start3A_159 = arith.constant 0 : i32
      %dma_start3A_160 = tpu.memref_slice %arg7[%run_scoped3A_14, %dma_start3A_158, %dma_start3A_159] : memref<2x128x128xf32, #tpu.memory_space<vmem>> -> memref<1x128x128xf32, #tpu.memory_space<vmem>>
      %dma_start3A_161 = tpu.memref_squeeze %dma_start3A_160 : memref<1x128x128xf32, #tpu.memory_space<vmem>> -> memref<128x128xf32, #tpu.memory_space<vmem>>
      %dma_start3A_162 = arith.constant 0 : i32
      %dma_start3A_163 = tpu.memref_slice %arg10[%add3A_13, %dma_start3A_162] : memref<10240x128xf32, #tpu.memory_space<vmem_shared>> -> memref<128x128xf32, #tpu.memory_space<vmem_shared>>
      %dma_start3A_164 = arith.constant 0 : i32
      %dma_start3A_165 = tpu.memref_slice %arg10[%add3A_13, %dma_start3A_164] : memref<10240x128xf32, #tpu.memory_space<vmem_shared>> -> memref<128x128xf32, #tpu.memory_space<vmem_shared>>
      %dma_start3A_166 = arith.constant 0 : i32
      %dma_start3A_167 = arith.constant 0 : i32
      %dma_start3A_168 = tpu.memref_slice %arg7[%run_scoped3A_14, %dma_start3A_166, %dma_start3A_167] : memref<2x128x128xf32, #tpu.memory_space<vmem>> -> memref<1x128x128xf32, #tpu.memory_space<vmem>>
      %dma_start3A_169 = tpu.memref_squeeze %dma_start3A_168 : memref<1x128x128xf32, #tpu.memory_space<vmem>> -> memref<128x128xf32, #tpu.memory_space<vmem>>
      tpu.enqueue_dma source(%dma_start3A_169 : memref<128x128xf32, #tpu.memory_space<vmem>>) target(%dma_start3A_165 : memref<128x128xf32, #tpu.memory_space<vmem_shared>>) target_semaphore(%run_scoped3A_157 : memref<!tpu.dma_semaphore, #tpu.memory_space<semaphore_mem>>)
      %dma_wait3A_170 = arith.constant 0 : i32
      %dma_wait3A_171 = arith.constant 0 : i32
      %dma_wait3A_172 = tpu.memref_slice %arg7[%run_scoped3A_14, %dma_wait3A_170, %dma_wait3A_171] : memref<2x128x128xf32, #tpu.memory_space<vmem>> -> memref<1x128x128xf32, #tpu.memory_space<vmem>>
      %dma_wait3A_173 = tpu.memref_squeeze %dma_wait3A_172 : memref<1x128x128xf32, #tpu.memory_space<vmem>> -> memref<128x128xf32, #tpu.memory_space<vmem>>
      %dma_wait3A_174 = arith.constant 0 : i32
      %dma_wait3A_175 = tpu.memref_slice %arg10[%add3A_13, %dma_wait3A_174] : memref<10240x128xf32, #tpu.memory_space<vmem_shared>> -> memref<128x128xf32, #tpu.memory_space<vmem_shared>>
      %dma_wait3A_176 = arith.constant 0 : i32
      %dma_wait3A_177 = tpu.memref_slice %arg10[%add3A_13, %dma_wait3A_176] : memref<10240x128xf32, #tpu.memory_space<vmem_shared>> -> memref<128x128xf32, #tpu.memory_space<vmem_shared>>
      %dma_wait3A_178 = arith.constant 0 : i32
      %dma_wait3A_179 = arith.constant 0 : i32
      %dma_wait3A_180 = tpu.memref_slice %arg7[%run_scoped3A_14, %dma_wait3A_178, %dma_wait3A_179] : memref<2x128x128xf32, #tpu.memory_space<vmem>> -> memref<1x128x128xf32, #tpu.memory_space<vmem>>
      %dma_wait3A_181 = tpu.memref_squeeze %dma_wait3A_180 : memref<1x128x128xf32, #tpu.memory_space<vmem>> -> memref<128x128xf32, #tpu.memory_space<vmem>>
      tpu.wait_dma2 semaphore(%run_scoped3A_157 : memref<!tpu.dma_semaphore, #tpu.memory_space<semaphore_mem>>) src(%dma_wait3A_181 : memref<128x128xf32, #tpu.memory_space<vmem>>) dst(%dma_wait3A_177 : memref<128x128xf32, #tpu.memory_space<vmem_shared>>)
      tpu.yield
    }) : () -> ()
    %mul3A_15 = arith.constant 640 : i32
    %mul3A_16 = arith.muli %arg1, %mul3A_15 : i32
    %add3A_17 = arith.constant 256 : i32
    %add3A_18 = arith.addi %mul3A_16, %add3A_17 : i32
    %run_scoped3A_19 = arith.constant 0 : i32
    "tpu.region"() ({
      %run_scoped3A_157 = tpu.sem_alloc : memref<!tpu.dma_semaphore, #tpu.memory_space<semaphore_mem>>
      %dma_start3A_158 = arith.constant 0 : i32
      %dma_start3A_159 = arith.constant 0 : i32
      %dma_start3A_160 = tpu.memref_slice %arg7[%run_scoped3A_19, %dma_start3A_158, %dma_start3A_159] : memref<2x128x128xf32, #tpu.memory_space<vmem>> -> memref<1x128x128xf32, #tpu.memory_space<vmem>>
      %dma_start3A_161 = tpu.memref_squeeze %dma_start3A_160 : memref<1x128x128xf32, #tpu.memory_space<vmem>> -> memref<128x128xf32, #tpu.memory_space<vmem>>
      %dma_start3A_162 = arith.constant 0 : i32
      %dma_start3A_163 = tpu.memref_slice %arg10[%add3A_18, %dma_start3A_162] : memref<10240x128xf32, #tpu.memory_space<vmem_shared>> -> memref<128x128xf32, #tpu.memory_space<vmem_shared>>
      %dma_start3A_164 = arith.constant 0 : i32
      %dma_start3A_165 = tpu.memref_slice %arg10[%add3A_18, %dma_start3A_164] : memref<10240x128xf32, #tpu.memory_space<vmem_shared>> -> memref<128x128xf32, #tpu.memory_space<vmem_shared>>
      %dma_start3A_166 = arith.constant 0 : i32
      %dma_start3A_167 = arith.constant 0 : i32
      %dma_start3A_168 = tpu.memref_slice %arg7[%run_scoped3A_19, %dma_start3A_166, %dma_start3A_167] : memref<2x128x128xf32, #tpu.memory_space<vmem>> -> memref<1x128x128xf32, #tpu.memory_space<vmem>>
      %dma_start3A_169 = tpu.memref_squeeze %dma_start3A_168 : memref<1x128x128xf32, #tpu.memory_space<vmem>> -> memref<128x128xf32, #tpu.memory_space<vmem>>
      tpu.enqueue_dma source(%dma_start3A_169 : memref<128x128xf32, #tpu.memory_space<vmem>>) target(%dma_start3A_165 : memref<128x128xf32, #tpu.memory_space<vmem_shared>>) target_semaphore(%run_scoped3A_157 : memref<!tpu.dma_semaphore, #tpu.memory_space<semaphore_mem>>)
      %dma_wait3A_170 = arith.constant 0 : i32
      %dma_wait3A_171 = arith.constant 0 : i32
      %dma_wait3A_172 = tpu.memref_slice %arg7[%run_scoped3A_19, %dma_wait3A_170, %dma_wait3A_171] : memref<2x128x128xf32, #tpu.memory_space<vmem>> -> memref<1x128x128xf32, #tpu.memory_space<vmem>>
      %dma_wait3A_173 = tpu.memref_squeeze %dma_wait3A_172 : memref<1x128x128xf32, #tpu.memory_space<vmem>> -> memref<128x128xf32, #tpu.memory_space<vmem>>
      %dma_wait3A_174 = arith.constant 0 : i32
      %dma_wait3A_175 = tpu.memref_slice %arg10[%add3A_18, %dma_wait3A_174] : memref<10240x128xf32, #tpu.memory_space<vmem_shared>> -> memref<128x128xf32, #tpu.memory_space<vmem_shared>>
      %dma_wait3A_176 = arith.constant 0 : i32
      %dma_wait3A_177 = tpu.memref_slice %arg10[%add3A_18, %dma_wait3A_176] : memref<10240x128xf32, #tpu.memory_space<vmem_shared>> -> memref<128x128xf32, #tpu.memory_space<vmem_shared>>
      %dma_wait3A_178 = arith.constant 0 : i32
      %dma_wait3A_179 = arith.constant 0 : i32
      %dma_wait3A_180 = tpu.memref_slice %arg7[%run_scoped3A_19, %dma_wait3A_178, %dma_wait3A_179] : memref<2x128x128xf32, #tpu.memory_space<vmem>> -> memref<1x128x128xf32, #tpu.memory_space<vmem>>
      %dma_wait3A_181 = tpu.memref_squeeze %dma_wait3A_180 : memref<1x128x128xf32, #tpu.memory_space<vmem>> -> memref<128x128xf32, #tpu.memory_space<vmem>>
      tpu.wait_dma2 semaphore(%run_scoped3A_157 : memref<!tpu.dma_semaphore, #tpu.memory_space<semaphore_mem>>) src(%dma_wait3A_181 : memref<128x128xf32, #tpu.memory_space<vmem>>) dst(%dma_wait3A_177 : memref<128x128xf32, #tpu.memory_space<vmem_shared>>)
      tpu.yield
    }) : () -> ()
    %mul3A_20 = arith.constant 640 : i32
    %mul3A_21 = arith.muli %arg1, %mul3A_20 : i32
    %add3A_22 = arith.constant 384 : i32
    %add3A_23 = arith.addi %mul3A_21, %add3A_22 : i32
    %run_scoped3A_24 = arith.constant 0 : i32
    "tpu.region"() ({
      %run_scoped3A_157 = tpu.sem_alloc : memref<!tpu.dma_semaphore, #tpu.memory_space<semaphore_mem>>
      %dma_start3A_158 = arith.constant 0 : i32
      %dma_start3A_159 = arith.constant 0 : i32
      %dma_start3A_160 = tpu.memref_slice %arg7[%run_scoped3A_24, %dma_start3A_158, %dma_start3A_159] : memref<2x128x128xf32, #tpu.memory_space<vmem>> -> memref<1x128x128xf32, #tpu.memory_space<vmem>>
      %dma_start3A_161 = tpu.memref_squeeze %dma_start3A_160 : memref<1x128x128xf32, #tpu.memory_space<vmem>> -> memref<128x128xf32, #tpu.memory_space<vmem>>
      %dma_start3A_162 = arith.constant 0 : i32
      %dma_start3A_163 = tpu.memref_slice %arg10[%add3A_23, %dma_start3A_162] : memref<10240x128xf32, #tpu.memory_space<vmem_shared>> -> memref<128x128xf32, #tpu.memory_space<vmem_shared>>
      %dma_start3A_164 = arith.constant 0 : i32
      %dma_start3A_165 = tpu.memref_slice %arg10[%add3A_23, %dma_start3A_164] : memref<10240x128xf32, #tpu.memory_space<vmem_shared>> -> memref<128x128xf32, #tpu.memory_space<vmem_shared>>
      %dma_start3A_166 = arith.constant 0 : i32
      %dma_start3A_167 = arith.constant 0 : i32
      %dma_start3A_168 = tpu.memref_slice %arg7[%run_scoped3A_24, %dma_start3A_166, %dma_start3A_167] : memref<2x128x128xf32, #tpu.memory_space<vmem>> -> memref<1x128x128xf32, #tpu.memory_space<vmem>>
      %dma_start3A_169 = tpu.memref_squeeze %dma_start3A_168 : memref<1x128x128xf32, #tpu.memory_space<vmem>> -> memref<128x128xf32, #tpu.memory_space<vmem>>
      tpu.enqueue_dma source(%dma_start3A_169 : memref<128x128xf32, #tpu.memory_space<vmem>>) target(%dma_start3A_165 : memref<128x128xf32, #tpu.memory_space<vmem_shared>>) target_semaphore(%run_scoped3A_157 : memref<!tpu.dma_semaphore, #tpu.memory_space<semaphore_mem>>)
      %dma_wait3A_170 = arith.constant 0 : i32
      %dma_wait3A_171 = arith.constant 0 : i32
      %dma_wait3A_172 = tpu.memref_slice %arg7[%run_scoped3A_24, %dma_wait3A_170, %dma_wait3A_171] : memref<2x128x128xf32, #tpu.memory_space<vmem>> -> memref<1x128x128xf32, #tpu.memory_space<vmem>>
      %dma_wait3A_173 = tpu.memref_squeeze %dma_wait3A_172 : memref<1x128x128xf32, #tpu.memory_space<vmem>> -> memref<128x128xf32, #tpu.memory_space<vmem>>
      %dma_wait3A_174 = arith.constant 0 : i32
      %dma_wait3A_175 = tpu.memref_slice %arg10[%add3A_23, %dma_wait3A_174] : memref<10240x128xf32, #tpu.memory_space<vmem_shared>> -> memref<128x128xf32, #tpu.memory_space<vmem_shared>>
      %dma_wait3A_176 = arith.constant 0 : i32
      %dma_wait3A_177 = tpu.memref_slice %arg10[%add3A_23, %dma_wait3A_176] : memref<10240x128xf32, #tpu.memory_space<vmem_shared>> -> memref<128x128xf32, #tpu.memory_space<vmem_shared>>
      %dma_wait3A_178 = arith.constant 0 : i32
      %dma_wait3A_179 = arith.constant 0 : i32
      %dma_wait3A_180 = tpu.memref_slice %arg7[%run_scoped3A_24, %dma_wait3A_178, %dma_wait3A_179] : memref<2x128x128xf32, #tpu.memory_space<vmem>> -> memref<1x128x128xf32, #tpu.memory_space<vmem>>
      %dma_wait3A_181 = tpu.memref_squeeze %dma_wait3A_180 : memref<1x128x128xf32, #tpu.memory_space<vmem>> -> memref<128x128xf32, #tpu.memory_space<vmem>>
      tpu.wait_dma2 semaphore(%run_scoped3A_157 : memref<!tpu.dma_semaphore, #tpu.memory_space<semaphore_mem>>) src(%dma_wait3A_181 : memref<128x128xf32, #tpu.memory_space<vmem>>) dst(%dma_wait3A_177 : memref<128x128xf32, #tpu.memory_space<vmem_shared>>)
      tpu.yield
    }) : () -> ()
    %mul3A_25 = arith.constant 640 : i32
    %mul3A_26 = arith.muli %arg1, %mul3A_25 : i32
    %add3A_27 = arith.constant 512 : i32
    %add3A_28 = arith.addi %mul3A_26, %add3A_27 : i32
    %run_scoped3A_29 = arith.constant 0 : i32
    "tpu.region"() ({
      %run_scoped3A_157 = tpu.sem_alloc : memref<!tpu.dma_semaphore, #tpu.memory_space<semaphore_mem>>
      %dma_start3A_158 = arith.constant 0 : i32
      %dma_start3A_159 = arith.constant 0 : i32
      %dma_start3A_160 = tpu.memref_slice %arg7[%run_scoped3A_29, %dma_start3A_158, %dma_start3A_159] : memref<2x128x128xf32, #tpu.memory_space<vmem>> -> memref<1x128x128xf32, #tpu.memory_space<vmem>>
      %dma_start3A_161 = tpu.memref_squeeze %dma_start3A_160 : memref<1x128x128xf32, #tpu.memory_space<vmem>> -> memref<128x128xf32, #tpu.memory_space<vmem>>
      %dma_start3A_162 = arith.constant 0 : i32
      %dma_start3A_163 = tpu.memref_slice %arg10[%add3A_28, %dma_start3A_162] : memref<10240x128xf32, #tpu.memory_space<vmem_shared>> -> memref<128x128xf32, #tpu.memory_space<vmem_shared>>
      %dma_start3A_164 = arith.constant 0 : i32
      %dma_start3A_165 = tpu.memref_slice %arg10[%add3A_28, %dma_start3A_164] : memref<10240x128xf32, #tpu.memory_space<vmem_shared>> -> memref<128x128xf32, #tpu.memory_space<vmem_shared>>
      %dma_start3A_166 = arith.constant 0 : i32
      %dma_start3A_167 = arith.constant 0 : i32
      %dma_start3A_168 = tpu.memref_slice %arg7[%run_scoped3A_29, %dma_start3A_166, %dma_start3A_167] : memref<2x128x128xf32, #tpu.memory_space<vmem>> -> memref<1x128x128xf32, #tpu.memory_space<vmem>>
      %dma_start3A_169 = tpu.memref_squeeze %dma_start3A_168 : memref<1x128x128xf32, #tpu.memory_space<vmem>> -> memref<128x128xf32, #tpu.memory_space<vmem>>
      tpu.enqueue_dma source(%dma_start3A_169 : memref<128x128xf32, #tpu.memory_space<vmem>>) target(%dma_start3A_165 : memref<128x128xf32, #tpu.memory_space<vmem_shared>>) target_semaphore(%run_scoped3A_157 : memref<!tpu.dma_semaphore, #tpu.memory_space<semaphore_mem>>)
      %dma_wait3A_170 = arith.constant 0 : i32
      %dma_wait3A_171 = arith.constant 0 : i32
      %dma_wait3A_172 = tpu.memref_slice %arg7[%run_scoped3A_29, %dma_wait3A_170, %dma_wait3A_171] : memref<2x128x128xf32, #tpu.memory_space<vmem>> -> memref<1x128x128xf32, #tpu.memory_space<vmem>>
      %dma_wait3A_173 = tpu.memref_squeeze %dma_wait3A_172 : memref<1x128x128xf32, #tpu.memory_space<vmem>> -> memref<128x128xf32, #tpu.memory_space<vmem>>
      %dma_wait3A_174 = arith.constant 0 : i32
      %dma_wait3A_175 = tpu.memref_slice %arg10[%add3A_28, %dma_wait3A_174] : memref<10240x128xf32, #tpu.memory_space<vmem_shared>> -> memref<128x128xf32, #tpu.memory_space<vmem_shared>>
      %dma_wait3A_176 = arith.constant 0 : i32
      %dma_wait3A_177 = tpu.memref_slice %arg10[%add3A_28, %dma_wait3A_176] : memref<10240x128xf32, #tpu.memory_space<vmem_shared>> -> memref<128x128xf32, #tpu.memory_space<vmem_shared>>
      %dma_wait3A_178 = arith.constant 0 : i32
      %dma_wait3A_179 = arith.constant 0 : i32
      %dma_wait3A_180 = tpu.memref_slice %arg7[%run_scoped3A_29, %dma_wait3A_178, %dma_wait3A_179] : memref<2x128x128xf32, #tpu.memory_space<vmem>> -> memref<1x128x128xf32, #tpu.memory_space<vmem>>
      %dma_wait3A_181 = tpu.memref_squeeze %dma_wait3A_180 : memref<1x128x128xf32, #tpu.memory_space<vmem>> -> memref<128x128xf32, #tpu.memory_space<vmem>>
      tpu.wait_dma2 semaphore(%run_scoped3A_157 : memref<!tpu.dma_semaphore, #tpu.memory_space<semaphore_mem>>) src(%dma_wait3A_181 : memref<128x128xf32, #tpu.memory_space<vmem>>) dst(%dma_wait3A_177 : memref<128x128xf32, #tpu.memory_space<vmem_shared>>)
      tpu.yield
    }) : () -> ()
    %barrier3A = arith.constant 0 : index
    tpu.barrier barrier_id(%barrier3A)
    %run_scoped3A_30 = arith.constant 0 : i32
    "tpu.region"() ({
      %run_scoped3A_157 = tpu.sem_alloc : memref<!tpu.dma_semaphore, #tpu.memory_space<semaphore_mem>>
      %dma_start3A_158 = arith.constant 0 : i32
      %dma_start3A_159 = arith.constant 0 : i32
      %dma_start3A_160 = tpu.memref_slice %arg3[%run_scoped3A_30, %arg0, %arg1, %dma_start3A_158, %dma_start3A_159] : memref<2x2x16x80x128xi32, #tpu.memory_space<hbm>> -> memref<1x1x1x40x128xi32, #tpu.memory_space<hbm>>
      %dma_start3A_161 = tpu.memref_squeeze %dma_start3A_160 : memref<1x1x1x40x128xi32, #tpu.memory_space<hbm>> -> memref<40x128xi32, #tpu.memory_space<hbm>>
      %dma_start3A_162 = arith.constant 0 : i32
      %dma_start3A_163 = arith.constant 0 : i32
      %dma_start3A_164 = tpu.memref_slice %arg3[%run_scoped3A_30, %arg0, %arg1, %dma_start3A_162, %dma_start3A_163] : memref<2x2x16x80x128xi32, #tpu.memory_space<hbm>> -> memref<1x1x1x40x128xi32, #tpu.memory_space<hbm>>
      %dma_start3A_165 = tpu.memref_squeeze %dma_start3A_164 : memref<1x1x1x40x128xi32, #tpu.memory_space<hbm>> -> memref<40x128xi32, #tpu.memory_space<hbm>>
      tpu.enqueue_dma source(%dma_start3A_165 : memref<40x128xi32, #tpu.memory_space<hbm>>) target(%arg5 : memref<40x128xi32, #tpu.memory_space<vmem>>) target_semaphore(%run_scoped3A_157 : memref<!tpu.dma_semaphore, #tpu.memory_space<semaphore_mem>>)
      %dma_wait3A_166 = arith.constant 0 : i32
      %dma_wait3A_167 = arith.constant 0 : i32
      %dma_wait3A_168 = tpu.memref_slice %arg3[%run_scoped3A_30, %arg0, %arg1, %dma_wait3A_166, %dma_wait3A_167] : memref<2x2x16x80x128xi32, #tpu.memory_space<hbm>> -> memref<1x1x1x40x128xi32, #tpu.memory_space<hbm>>
      %dma_wait3A_169 = tpu.memref_squeeze %dma_wait3A_168 : memref<1x1x1x40x128xi32, #tpu.memory_space<hbm>> -> memref<40x128xi32, #tpu.memory_space<hbm>>
      %dma_wait3A_170 = arith.constant 0 : i32
      %dma_wait3A_171 = arith.constant 0 : i32
      %dma_wait3A_172 = tpu.memref_slice %arg3[%run_scoped3A_30, %arg0, %arg1, %dma_wait3A_170, %dma_wait3A_171] : memref<2x2x16x80x128xi32, #tpu.memory_space<hbm>> -> memref<1x1x1x40x128xi32, #tpu.memory_space<hbm>>
      %dma_wait3A_173 = tpu.memref_squeeze %dma_wait3A_172 : memref<1x1x1x40x128xi32, #tpu.memory_space<hbm>> -> memref<40x128xi32, #tpu.memory_space<hbm>>
      tpu.wait_dma2 semaphore(%run_scoped3A_157 : memref<!tpu.dma_semaphore, #tpu.memory_space<semaphore_mem>>) src(%dma_wait3A_173 : memref<40x128xi32, #tpu.memory_space<hbm>>) dst(%arg5 : memref<40x128xi32, #tpu.memory_space<vmem>>)
      tpu.yield
    }) : () -> ()
    %run_scoped3A_31 = arith.constant 1 : i32
    "tpu.region"() ({
      %run_scoped3A_157 = tpu.sem_alloc : memref<!tpu.dma_semaphore, #tpu.memory_space<semaphore_mem>>
      %dma_start3A_158 = arith.constant 0 : i32
      %dma_start3A_159 = arith.constant 0 : i32
      %dma_start3A_160 = tpu.memref_slice %arg3[%run_scoped3A_31, %arg0, %arg1, %dma_start3A_158, %dma_start3A_159] : memref<2x2x16x80x128xi32, #tpu.memory_space<hbm>> -> memref<1x1x1x40x128xi32, #tpu.memory_space<hbm>>
      %dma_start3A_161 = tpu.memref_squeeze %dma_start3A_160 : memref<1x1x1x40x128xi32, #tpu.memory_space<hbm>> -> memref<40x128xi32, #tpu.memory_space<hbm>>
      %dma_start3A_162 = arith.constant 0 : i32
      %dma_start3A_163 = arith.constant 0 : i32
      %dma_start3A_164 = tpu.memref_slice %arg3[%run_scoped3A_31, %arg0, %arg1, %dma_start3A_162, %dma_start3A_163] : memref<2x2x16x80x128xi32, #tpu.memory_space<hbm>> -> memref<1x1x1x40x128xi32, #tpu.memory_space<hbm>>
      %dma_start3A_165 = tpu.memref_squeeze %dma_start3A_164 : memref<1x1x1x40x128xi32, #tpu.memory_space<hbm>> -> memref<40x128xi32, #tpu.memory_space<hbm>>
      tpu.enqueue_dma source(%dma_start3A_165 : memref<40x128xi32, #tpu.memory_space<hbm>>) target(%arg6 : memref<40x128xi32, #tpu.memory_space<vmem>>) target_semaphore(%run_scoped3A_157 : memref<!tpu.dma_semaphore, #tpu.memory_space<semaphore_mem>>)
      %dma_wait3A_166 = arith.constant 0 : i32
      %dma_wait3A_167 = arith.constant 0 : i32
      %dma_wait3A_168 = tpu.memref_slice %arg3[%run_scoped3A_31, %arg0, %arg1, %dma_wait3A_166, %dma_wait3A_167] : memref<2x2x16x80x128xi32, #tpu.memory_space<hbm>> -> memref<1x1x1x40x128xi32, #tpu.memory_space<hbm>>
      %dma_wait3A_169 = tpu.memref_squeeze %dma_wait3A_168 : memref<1x1x1x40x128xi32, #tpu.memory_space<hbm>> -> memref<40x128xi32, #tpu.memory_space<hbm>>
      %dma_wait3A_170 = arith.constant 0 : i32
      %dma_wait3A_171 = arith.constant 0 : i32
      %dma_wait3A_172 = tpu.memref_slice %arg3[%run_scoped3A_31, %arg0, %arg1, %dma_wait3A_170, %dma_wait3A_171] : memref<2x2x16x80x128xi32, #tpu.memory_space<hbm>> -> memref<1x1x1x40x128xi32, #tpu.memory_space<hbm>>
      %dma_wait3A_173 = tpu.memref_squeeze %dma_wait3A_172 : memref<1x1x1x40x128xi32, #tpu.memory_space<hbm>> -> memref<40x128xi32, #tpu.memory_space<hbm>>
      tpu.wait_dma2 semaphore(%run_scoped3A_157 : memref<!tpu.dma_semaphore, #tpu.memory_space<semaphore_mem>>) src(%dma_wait3A_173 : memref<40x128xi32, #tpu.memory_space<hbm>>) dst(%arg6 : memref<40x128xi32, #tpu.memory_space<vmem>>)
      tpu.yield
    }) : () -> ()
    %dma_start3A = arith.constant 0 : i32
    %dma_start3A_32 = arith.constant 0 : i32
    %dma_start3A_33 = arith.constant 0 : i32
    %dma_start3A_34 = arith.constant 0 : i32
    %dma_start3A_35 = tpu.memref_slice %arg7[%dma_start3A_32, %dma_start3A_33, %dma_start3A_34] : memref<2x128x128xf32, #tpu.memory_space<vmem>> -> memref<1x128x128xf32, #tpu.memory_space<vmem>>
    %dma_start3A_36 = tpu.memref_squeeze %dma_start3A_35 : memref<1x128x128xf32, #tpu.memory_space<vmem>> -> memref<128x128xf32, #tpu.memory_space<vmem>>
    %dma_start3A_37 = arith.constant 0 : i32
    %dma_start3A_38 = tpu.memref_slice %arg5[%dma_start3A, %dma_start3A_37] : memref<40x128xi32, #tpu.memory_space<vmem>> -> memref<1x128xi32, #tpu.memory_space<vmem>>
    %dma_start3A_39 = tpu.memref_squeeze %dma_start3A_38 : memref<1x128xi32, #tpu.memory_space<vmem>> -> memref<128xi32, #tpu.memory_space<vmem>>
    %dma_start3A_40 = arith.constant 0 : i32
    %dma_start3A_41 = arith.constant 0 : i32
    %dma_start3A_42 = tpu.memref_slice %arg2[%dma_start3A_40, %dma_start3A_41] : memref<10240x128xf32, #tpu.memory_space<hbm>> -> memref<10240x128xf32, #tpu.memory_space<hbm>>
    tpu.enqueue_indirect_dma source(%dma_start3A_42 : memref<10240x128xf32, #tpu.memory_space<hbm>>) target(%dma_start3A_36 : memref<128x128xf32, #tpu.memory_space<vmem>>) offsets(%dma_start3A_39 : memref<128xi32, #tpu.memory_space<vmem>>) semaphore(%arg8 : memref<!tpu.dma_semaphore, #tpu.memory_space<semaphore_mem>>)
    %dma_start3A_43 = arith.constant 1 : i32
    %dma_start3A_44 = arith.constant 1 : i32
    %dma_start3A_45 = arith.constant 0 : i32
    %dma_start3A_46 = arith.constant 0 : i32
    %dma_start3A_47 = tpu.memref_slice %arg7[%dma_start3A_44, %dma_start3A_45, %dma_start3A_46] : memref<2x128x128xf32, #tpu.memory_space<vmem>> -> memref<1x128x128xf32, #tpu.memory_space<vmem>>
    %dma_start3A_48 = tpu.memref_squeeze %dma_start3A_47 : memref<1x128x128xf32, #tpu.memory_space<vmem>> -> memref<128x128xf32, #tpu.memory_space<vmem>>
    %dma_start3A_49 = arith.constant 0 : i32
    %dma_start3A_50 = tpu.memref_slice %arg5[%dma_start3A_43, %dma_start3A_49] : memref<40x128xi32, #tpu.memory_space<vmem>> -> memref<1x128xi32, #tpu.memory_space<vmem>>
    %dma_start3A_51 = tpu.memref_squeeze %dma_start3A_50 : memref<1x128xi32, #tpu.memory_space<vmem>> -> memref<128xi32, #tpu.memory_space<vmem>>
    %dma_start3A_52 = arith.constant 0 : i32
    %dma_start3A_53 = arith.constant 0 : i32
    %dma_start3A_54 = tpu.memref_slice %arg2[%dma_start3A_52, %dma_start3A_53] : memref<10240x128xf32, #tpu.memory_space<hbm>> -> memref<10240x128xf32, #tpu.memory_space<hbm>>
    tpu.enqueue_indirect_dma source(%dma_start3A_54 : memref<10240x128xf32, #tpu.memory_space<hbm>>) target(%dma_start3A_48 : memref<128x128xf32, #tpu.memory_space<vmem>>) offsets(%dma_start3A_51 : memref<128xi32, #tpu.memory_space<vmem>>) semaphore(%arg9 : memref<!tpu.dma_semaphore, #tpu.memory_space<semaphore_mem>>)
    %scan3A_55 = arith.constant 0 : i32
    %scan3A_56 = arith.constant 1 : i32
    %scan3A_57 = arith.constant 0 : i32
    %scan3A_58 = arith.constant 0 : i32
    %scan3A_59 = arith.constant 19 : i32
    %scan3A_60 = arith.addi %scan3A_58, %scan3A_59 : i32
    %scan3A_61 = arith.constant 1 : i32
    %scan3A_62 = scf.for %scan3A_157 = %scan3A_58 to %scan3A_60 step %scan3A_61 iter_args(%scan3A_158 = %scan3A_57) -> (i32)  : i32 {
      %mul3A_159 = arith.constant 2 : i32
      %mul3A_160 = arith.muli %scan3A_157, %mul3A_159 : i32
      %add3A_161 = arith.constant 0 : i32
      %add3A_162 = arith.addi %mul3A_160, %add3A_161 : i32
      %dma_wait3A_163 = arith.constant 0 : i32
      %dma_wait3A_164 = arith.constant 0 : i32
      %dma_wait3A_165 = tpu.memref_slice %arg7[%scan3A_55, %dma_wait3A_163, %dma_wait3A_164] : memref<2x128x128xf32, #tpu.memory_space<vmem>> -> memref<1x128x128xf32, #tpu.memory_space<vmem>>
      %dma_wait3A_166 = tpu.memref_squeeze %dma_wait3A_165 : memref<1x128x128xf32, #tpu.memory_space<vmem>> -> memref<128x128xf32, #tpu.memory_space<vmem>>
      %dma_wait3A_167 = arith.constant 0 : i32
      %dma_wait3A_168 = tpu.memref_slice %arg5[%add3A_162, %dma_wait3A_167] : memref<40x128xi32, #tpu.memory_space<vmem>> -> memref<1x128xi32, #tpu.memory_space<vmem>>
      %dma_wait3A_169 = tpu.memref_squeeze %dma_wait3A_168 : memref<1x128xi32, #tpu.memory_space<vmem>> -> memref<128xi32, #tpu.memory_space<vmem>>
      %dma_wait3A_170 = arith.constant 0 : i32
      %dma_wait3A_171 = arith.constant 0 : i32
      %dma_wait3A_172 = tpu.memref_slice %arg2[%dma_wait3A_170, %dma_wait3A_171] : memref<10240x128xf32, #tpu.memory_space<hbm>> -> memref<10240x128xf32, #tpu.memory_space<hbm>>
      tpu.wait_indirect_dma semaphore(%arg8 : memref<!tpu.dma_semaphore, #tpu.memory_space<semaphore_mem>>) src(%dma_wait3A_172 : memref<10240x128xf32, #tpu.memory_space<hbm>>) dst(%dma_wait3A_166 : memref<128x128xf32, #tpu.memory_space<vmem>>)
      "tpu.region"() ({
        %run_scoped3A_212 = tpu.sem_alloc : memref<!tpu.dma_semaphore, #tpu.memory_space<semaphore_mem>>
        %dma_start3A_213 = arith.constant 0 : i32
        %dma_start3A_214 = arith.constant 0 : i32
        %dma_start3A_215 = tpu.memref_slice %arg7[%scan3A_55, %dma_start3A_213, %dma_start3A_214] : memref<2x128x128xf32, #tpu.memory_space<vmem>> -> memref<1x128x128xf32, #tpu.memory_space<vmem>>
        %dma_start3A_216 = tpu.memref_squeeze %dma_start3A_215 : memref<1x128x128xf32, #tpu.memory_space<vmem>> -> memref<128x128xf32, #tpu.memory_space<vmem>>
        %dma_start3A_217 = arith.constant 0 : i32
        %dma_start3A_218 = tpu.memref_slice %arg6[%add3A_162, %dma_start3A_217] : memref<40x128xi32, #tpu.memory_space<vmem>> -> memref<1x128xi32, #tpu.memory_space<vmem>>
        %dma_start3A_219 = tpu.memref_squeeze %dma_start3A_218 : memref<1x128xi32, #tpu.memory_space<vmem>> -> memref<128xi32, #tpu.memory_space<vmem>>
        %dma_start3A_220 = arith.constant 0 : i32
        %dma_start3A_221 = arith.constant 0 : i32
        %dma_start3A_222 = tpu.memref_slice %arg10[%dma_start3A_220, %dma_start3A_221] : memref<10240x128xf32, #tpu.memory_space<vmem_shared>> -> memref<10240x128xf32, #tpu.memory_space<vmem_shared>>
        tpu.enqueue_indirect_dma source(%dma_start3A_216 : memref<128x128xf32, #tpu.memory_space<vmem>>) target(%dma_start3A_222 : memref<10240x128xf32, #tpu.memory_space<vmem_shared>>) offsets(%dma_start3A_219 : memref<128xi32, #tpu.memory_space<vmem>>) semaphore(%run_scoped3A_212 : memref<!tpu.dma_semaphore, #tpu.memory_space<semaphore_mem>>) {add = true}
        %dma_wait3A_223 = arith.constant 0 : i32
        %dma_wait3A_224 = arith.constant 0 : i32
        %dma_wait3A_225 = tpu.memref_slice %arg7[%scan3A_55, %dma_wait3A_223, %dma_wait3A_224] : memref<2x128x128xf32, #tpu.memory_space<vmem>> -> memref<1x128x128xf32, #tpu.memory_space<vmem>>
        %dma_wait3A_226 = tpu.memref_squeeze %dma_wait3A_225 : memref<1x128x128xf32, #tpu.memory_space<vmem>> -> memref<128x128xf32, #tpu.memory_space<vmem>>
        %dma_wait3A_227 = arith.constant 0 : i32
        %dma_wait3A_228 = tpu.memref_slice %arg6[%add3A_162, %dma_wait3A_227] : memref<40x128xi32, #tpu.memory_space<vmem>> -> memref<1x128xi32, #tpu.memory_space<vmem>>
        %dma_wait3A_229 = tpu.memref_squeeze %dma_wait3A_228 : memref<1x128xi32, #tpu.memory_space<vmem>> -> memref<128xi32, #tpu.memory_space<vmem>>
        %dma_wait3A_230 = arith.constant 0 : i32
        %dma_wait3A_231 = arith.constant 0 : i32
        %dma_wait3A_232 = tpu.memref_slice %arg10[%dma_wait3A_230, %dma_wait3A_231] : memref<10240x128xf32, #tpu.memory_space<vmem_shared>> -> memref<10240x128xf32, #tpu.memory_space<vmem_shared>>
        tpu.wait_indirect_dma semaphore(%run_scoped3A_212 : memref<!tpu.dma_semaphore, #tpu.memory_space<semaphore_mem>>) src(%dma_wait3A_226 : memref<128x128xf32, #tpu.memory_space<vmem>>) dst(%dma_wait3A_232 : memref<10240x128xf32, #tpu.memory_space<vmem_shared>>)
        tpu.yield
      }) : () -> ()
      %add3A_173 = arith.constant 2 : i32
      %add3A_174 = arith.addi %add3A_162, %add3A_173 : i32
      %dma_start3A_175 = arith.constant 0 : i32
      %dma_start3A_176 = arith.constant 0 : i32
      %dma_start3A_177 = tpu.memref_slice %arg7[%scan3A_55, %dma_start3A_175, %dma_start3A_176] : memref<2x128x128xf32, #tpu.memory_space<vmem>> -> memref<1x128x128xf32, #tpu.memory_space<vmem>>
      %dma_start3A_178 = tpu.memref_squeeze %dma_start3A_177 : memref<1x128x128xf32, #tpu.memory_space<vmem>> -> memref<128x128xf32, #tpu.memory_space<vmem>>
      %dma_start3A_179 = arith.constant 0 : i32
      %dma_start3A_180 = tpu.memref_slice %arg5[%add3A_174, %dma_start3A_179] : memref<40x128xi32, #tpu.memory_space<vmem>> -> memref<1x128xi32, #tpu.memory_space<vmem>>
      %dma_start3A_181 = tpu.memref_squeeze %dma_start3A_180 : memref<1x128xi32, #tpu.memory_space<vmem>> -> memref<128xi32, #tpu.memory_space<vmem>>
      %dma_start3A_182 = arith.constant 0 : i32
      %dma_start3A_183 = arith.constant 0 : i32
      %dma_start3A_184 = tpu.memref_slice %arg2[%dma_start3A_182, %dma_start3A_183] : memref<10240x128xf32, #tpu.memory_space<hbm>> -> memref<10240x128xf32, #tpu.memory_space<hbm>>
      tpu.enqueue_indirect_dma source(%dma_start3A_184 : memref<10240x128xf32, #tpu.memory_space<hbm>>) target(%dma_start3A_178 : memref<128x128xf32, #tpu.memory_space<vmem>>) offsets(%dma_start3A_181 : memref<128xi32, #tpu.memory_space<vmem>>) semaphore(%arg8 : memref<!tpu.dma_semaphore, #tpu.memory_space<semaphore_mem>>)
      %mul3A_185 = arith.constant 2 : i32
      %mul3A_186 = arith.muli %scan3A_157, %mul3A_185 : i32
      %add3A_187 = arith.constant 1 : i32
      %add3A_188 = arith.addi %mul3A_186, %add3A_187 : i32
      %dma_wait3A_189 = arith.constant 0 : i32
      %dma_wait3A_190 = arith.constant 0 : i32
      %dma_wait3A_191 = tpu.memref_slice %arg7[%scan3A_56, %dma_wait3A_189, %dma_wait3A_190] : memref<2x128x128xf32, #tpu.memory_space<vmem>> -> memref<1x128x128xf32, #tpu.memory_space<vmem>>
      %dma_wait3A_192 = tpu.memref_squeeze %dma_wait3A_191 : memref<1x128x128xf32, #tpu.memory_space<vmem>> -> memref<128x128xf32, #tpu.memory_space<vmem>>
      %dma_wait3A_193 = arith.constant 0 : i32
      %dma_wait3A_194 = tpu.memref_slice %arg5[%add3A_188, %dma_wait3A_193] : memref<40x128xi32, #tpu.memory_space<vmem>> -> memref<1x128xi32, #tpu.memory_space<vmem>>
      %dma_wait3A_195 = tpu.memref_squeeze %dma_wait3A_194 : memref<1x128xi32, #tpu.memory_space<vmem>> -> memref<128xi32, #tpu.memory_space<vmem>>
      %dma_wait3A_196 = arith.constant 0 : i32
      %dma_wait3A_197 = arith.constant 0 : i32
      %dma_wait3A_198 = tpu.memref_slice %arg2[%dma_wait3A_196, %dma_wait3A_197] : memref<10240x128xf32, #tpu.memory_space<hbm>> -> memref<10240x128xf32, #tpu.memory_space<hbm>>
      tpu.wait_indirect_dma semaphore(%arg9 : memref<!tpu.dma_semaphore, #tpu.memory_space<semaphore_mem>>) src(%dma_wait3A_198 : memref<10240x128xf32, #tpu.memory_space<hbm>>) dst(%dma_wait3A_192 : memref<128x128xf32, #tpu.memory_space<vmem>>)
      "tpu.region"() ({
        %run_scoped3A_212 = tpu.sem_alloc : memref<!tpu.dma_semaphore, #tpu.memory_space<semaphore_mem>>
        %dma_start3A_213 = arith.constant 0 : i32
        %dma_start3A_214 = arith.constant 0 : i32
        %dma_start3A_215 = tpu.memref_slice %arg7[%scan3A_56, %dma_start3A_213, %dma_start3A_214] : memref<2x128x128xf32, #tpu.memory_space<vmem>> -> memref<1x128x128xf32, #tpu.memory_space<vmem>>
        %dma_start3A_216 = tpu.memref_squeeze %dma_start3A_215 : memref<1x128x128xf32, #tpu.memory_space<vmem>> -> memref<128x128xf32, #tpu.memory_space<vmem>>
        %dma_start3A_217 = arith.constant 0 : i32
        %dma_start3A_218 = tpu.memref_slice %arg6[%add3A_188, %dma_start3A_217] : memref<40x128xi32, #tpu.memory_space<vmem>> -> memref<1x128xi32, #tpu.memory_space<vmem>>
        %dma_start3A_219 = tpu.memref_squeeze %dma_start3A_218 : memref<1x128xi32, #tpu.memory_space<vmem>> -> memref<128xi32, #tpu.memory_space<vmem>>
        %dma_start3A_220 = arith.constant 0 : i32
        %dma_start3A_221 = arith.constant 0 : i32
        %dma_start3A_222 = tpu.memref_slice %arg10[%dma_start3A_220, %dma_start3A_221] : memref<10240x128xf32, #tpu.memory_space<vmem_shared>> -> memref<10240x128xf32, #tpu.memory_space<vmem_shared>>
        tpu.enqueue_indirect_dma source(%dma_start3A_216 : memref<128x128xf32, #tpu.memory_space<vmem>>) target(%dma_start3A_222 : memref<10240x128xf32, #tpu.memory_space<vmem_shared>>) offsets(%dma_start3A_219 : memref<128xi32, #tpu.memory_space<vmem>>) semaphore(%run_scoped3A_212 : memref<!tpu.dma_semaphore, #tpu.memory_space<semaphore_mem>>) {add = true}
        %dma_wait3A_223 = arith.constant 0 : i32
        %dma_wait3A_224 = arith.constant 0 : i32
        %dma_wait3A_225 = tpu.memref_slice %arg7[%scan3A_56, %dma_wait3A_223, %dma_wait3A_224] : memref<2x128x128xf32, #tpu.memory_space<vmem>> -> memref<1x128x128xf32, #tpu.memory_space<vmem>>
        %dma_wait3A_226 = tpu.memref_squeeze %dma_wait3A_225 : memref<1x128x128xf32, #tpu.memory_space<vmem>> -> memref<128x128xf32, #tpu.memory_space<vmem>>
        %dma_wait3A_227 = arith.constant 0 : i32
        %dma_wait3A_228 = tpu.memref_slice %arg6[%add3A_188, %dma_wait3A_227] : memref<40x128xi32, #tpu.memory_space<vmem>> -> memref<1x128xi32, #tpu.memory_space<vmem>>
        %dma_wait3A_229 = tpu.memref_squeeze %dma_wait3A_228 : memref<1x128xi32, #tpu.memory_space<vmem>> -> memref<128xi32, #tpu.memory_space<vmem>>
        %dma_wait3A_230 = arith.constant 0 : i32
        %dma_wait3A_231 = arith.constant 0 : i32
        %dma_wait3A_232 = tpu.memref_slice %arg10[%dma_wait3A_230, %dma_wait3A_231] : memref<10240x128xf32, #tpu.memory_space<vmem_shared>> -> memref<10240x128xf32, #tpu.memory_space<vmem_shared>>
        tpu.wait_indirect_dma semaphore(%run_scoped3A_212 : memref<!tpu.dma_semaphore, #tpu.memory_space<semaphore_mem>>) src(%dma_wait3A_226 : memref<128x128xf32, #tpu.memory_space<vmem>>) dst(%dma_wait3A_232 : memref<10240x128xf32, #tpu.memory_space<vmem_shared>>)
        tpu.yield
      }) : () -> ()
      %add3A_199 = arith.constant 2 : i32
      %add3A_200 = arith.addi %add3A_188, %add3A_199 : i32
      %dma_start3A_201 = arith.constant 0 : i32
      %dma_start3A_202 = arith.constant 0 : i32
      %dma_start3A_203 = tpu.memref_slice %arg7[%scan3A_56, %dma_start3A_201, %dma_start3A_202] : memref<2x128x128xf32, #tpu.memory_space<vmem>> -> memref<1x128x128xf32, #tpu.memory_space<vmem>>
      %dma_start3A_204 = tpu.memref_squeeze %dma_start3A_203 : memref<1x128x128xf32, #tpu.memory_space<vmem>> -> memref<128x128xf32, #tpu.memory_space<vmem>>
      %dma_start3A_205 = arith.constant 0 : i32
      %dma_start3A_206 = tpu.memref_slice %arg5[%add3A_200, %dma_start3A_205] : memref<40x128xi32, #tpu.memory_space<vmem>> -> memref<1x128xi32, #tpu.memory_space<vmem>>
      %dma_start3A_207 = tpu.memref_squeeze %dma_start3A_206 : memref<1x128xi32, #tpu.memory_space<vmem>> -> memref<128xi32, #tpu.memory_space<vmem>>
      %dma_start3A_208 = arith.constant 0 : i32
      %dma_start3A_209 = arith.constant 0 : i32
      %dma_start3A_210 = tpu.memref_slice %arg2[%dma_start3A_208, %dma_start3A_209] : memref<10240x128xf32, #tpu.memory_space<hbm>> -> memref<10240x128xf32, #tpu.memory_space<hbm>>
      tpu.enqueue_indirect_dma source(%dma_start3A_210 : memref<10240x128xf32, #tpu.memory_space<hbm>>) target(%dma_start3A_204 : memref<128x128xf32, #tpu.memory_space<vmem>>) offsets(%dma_start3A_207 : memref<128xi32, #tpu.memory_space<vmem>>) semaphore(%arg9 : memref<!tpu.dma_semaphore, #tpu.memory_space<semaphore_mem>>)
      %scan3A_211 = arith.constant 0 : i32
      scf.yield %scan3A_211 : i32
    }
    %scan3A_63 = arith.constant 19 : i32
    %dma_wait3A = arith.constant 38 : i32
    %dma_wait3A_64 = arith.constant 0 : i32
    %dma_wait3A_65 = arith.constant 0 : i32
    %dma_wait3A_66 = arith.constant 0 : i32
    %dma_wait3A_67 = tpu.memref_slice %arg7[%dma_wait3A_64, %dma_wait3A_65, %dma_wait3A_66] : memref<2x128x128xf32, #tpu.memory_space<vmem>> -> memref<1x128x128xf32, #tpu.memory_space<vmem>>
    %dma_wait3A_68 = tpu.memref_squeeze %dma_wait3A_67 : memref<1x128x128xf32, #tpu.memory_space<vmem>> -> memref<128x128xf32, #tpu.memory_space<vmem>>
    %dma_wait3A_69 = arith.constant 0 : i32
    %dma_wait3A_70 = tpu.memref_slice %arg5[%dma_wait3A, %dma_wait3A_69] : memref<40x128xi32, #tpu.memory_space<vmem>> -> memref<1x128xi32, #tpu.memory_space<vmem>>
    %dma_wait3A_71 = tpu.memref_squeeze %dma_wait3A_70 : memref<1x128xi32, #tpu.memory_space<vmem>> -> memref<128xi32, #tpu.memory_space<vmem>>
    %dma_wait3A_72 = arith.constant 0 : i32
    %dma_wait3A_73 = arith.constant 0 : i32
    %dma_wait3A_74 = tpu.memref_slice %arg2[%dma_wait3A_72, %dma_wait3A_73] : memref<10240x128xf32, #tpu.memory_space<hbm>> -> memref<10240x128xf32, #tpu.memory_space<hbm>>
    tpu.wait_indirect_dma semaphore(%arg8 : memref<!tpu.dma_semaphore, #tpu.memory_space<semaphore_mem>>) src(%dma_wait3A_74 : memref<10240x128xf32, #tpu.memory_space<hbm>>) dst(%dma_wait3A_68 : memref<128x128xf32, #tpu.memory_space<vmem>>)
    %run_scoped3A_75 = arith.constant 0 : i32
    %run_scoped3A_76 = arith.constant 38 : i32
    "tpu.region"() ({
      %run_scoped3A_157 = tpu.sem_alloc : memref<!tpu.dma_semaphore, #tpu.memory_space<semaphore_mem>>
      %dma_start3A_158 = arith.constant 0 : i32
      %dma_start3A_159 = arith.constant 0 : i32
      %dma_start3A_160 = tpu.memref_slice %arg7[%run_scoped3A_75, %dma_start3A_158, %dma_start3A_159] : memref<2x128x128xf32, #tpu.memory_space<vmem>> -> memref<1x128x128xf32, #tpu.memory_space<vmem>>
      %dma_start3A_161 = tpu.memref_squeeze %dma_start3A_160 : memref<1x128x128xf32, #tpu.memory_space<vmem>> -> memref<128x128xf32, #tpu.memory_space<vmem>>
      %dma_start3A_162 = arith.constant 0 : i32
      %dma_start3A_163 = tpu.memref_slice %arg6[%run_scoped3A_76, %dma_start3A_162] : memref<40x128xi32, #tpu.memory_space<vmem>> -> memref<1x128xi32, #tpu.memory_space<vmem>>
      %dma_start3A_164 = tpu.memref_squeeze %dma_start3A_163 : memref<1x128xi32, #tpu.memory_space<vmem>> -> memref<128xi32, #tpu.memory_space<vmem>>
      %dma_start3A_165 = arith.constant 0 : i32
      %dma_start3A_166 = arith.constant 0 : i32
      %dma_start3A_167 = tpu.memref_slice %arg10[%dma_start3A_165, %dma_start3A_166] : memref<10240x128xf32, #tpu.memory_space<vmem_shared>> -> memref<10240x128xf32, #tpu.memory_space<vmem_shared>>
      tpu.enqueue_indirect_dma source(%dma_start3A_161 : memref<128x128xf32, #tpu.memory_space<vmem>>) target(%dma_start3A_167 : memref<10240x128xf32, #tpu.memory_space<vmem_shared>>) offsets(%dma_start3A_164 : memref<128xi32, #tpu.memory_space<vmem>>) semaphore(%run_scoped3A_157 : memref<!tpu.dma_semaphore, #tpu.memory_space<semaphore_mem>>) {add = true}
      %dma_wait3A_168 = arith.constant 0 : i32
      %dma_wait3A_169 = arith.constant 0 : i32
      %dma_wait3A_170 = tpu.memref_slice %arg7[%run_scoped3A_75, %dma_wait3A_168, %dma_wait3A_169] : memref<2x128x128xf32, #tpu.memory_space<vmem>> -> memref<1x128x128xf32, #tpu.memory_space<vmem>>
      %dma_wait3A_171 = tpu.memref_squeeze %dma_wait3A_170 : memref<1x128x128xf32, #tpu.memory_space<vmem>> -> memref<128x128xf32, #tpu.memory_space<vmem>>
      %dma_wait3A_172 = arith.constant 0 : i32
      %dma_wait3A_173 = tpu.memref_slice %arg6[%run_scoped3A_76, %dma_wait3A_172] : memref<40x128xi32, #tpu.memory_space<vmem>> -> memref<1x128xi32, #tpu.memory_space<vmem>>
      %dma_wait3A_174 = tpu.memref_squeeze %dma_wait3A_173 : memref<1x128xi32, #tpu.memory_space<vmem>> -> memref<128xi32, #tpu.memory_space<vmem>>
      %dma_wait3A_175 = arith.constant 0 : i32
      %dma_wait3A_176 = arith.constant 0 : i32
      %dma_wait3A_177 = tpu.memref_slice %arg10[%dma_wait3A_175, %dma_wait3A_176] : memref<10240x128xf32, #tpu.memory_space<vmem_shared>> -> memref<10240x128xf32, #tpu.memory_space<vmem_shared>>
      tpu.wait_indirect_dma semaphore(%run_scoped3A_157 : memref<!tpu.dma_semaphore, #tpu.memory_space<semaphore_mem>>) src(%dma_wait3A_171 : memref<128x128xf32, #tpu.memory_space<vmem>>) dst(%dma_wait3A_177 : memref<10240x128xf32, #tpu.memory_space<vmem_shared>>)
      tpu.yield
    }) : () -> ()
    %dma_wait3A_77 = arith.constant 39 : i32
    %dma_wait3A_78 = arith.constant 1 : i32
    %dma_wait3A_79 = arith.constant 0 : i32
    %dma_wait3A_80 = arith.constant 0 : i32
    %dma_wait3A_81 = tpu.memref_slice %arg7[%dma_wait3A_78, %dma_wait3A_79, %dma_wait3A_80] : memref<2x128x128xf32, #tpu.memory_space<vmem>> -> memref<1x128x128xf32, #tpu.memory_space<vmem>>
    %dma_wait3A_82 = tpu.memref_squeeze %dma_wait3A_81 : memref<1x128x128xf32, #tpu.memory_space<vmem>> -> memref<128x128xf32, #tpu.memory_space<vmem>>
    %dma_wait3A_83 = arith.constant 0 : i32
    %dma_wait3A_84 = tpu.memref_slice %arg5[%dma_wait3A_77, %dma_wait3A_83] : memref<40x128xi32, #tpu.memory_space<vmem>> -> memref<1x128xi32, #tpu.memory_space<vmem>>
    %dma_wait3A_85 = tpu.memref_squeeze %dma_wait3A_84 : memref<1x128xi32, #tpu.memory_space<vmem>> -> memref<128xi32, #tpu.memory_space<vmem>>
    %dma_wait3A_86 = arith.constant 0 : i32
    %dma_wait3A_87 = arith.constant 0 : i32
    %dma_wait3A_88 = tpu.memref_slice %arg2[%dma_wait3A_86, %dma_wait3A_87] : memref<10240x128xf32, #tpu.memory_space<hbm>> -> memref<10240x128xf32, #tpu.memory_space<hbm>>
    tpu.wait_indirect_dma semaphore(%arg9 : memref<!tpu.dma_semaphore, #tpu.memory_space<semaphore_mem>>) src(%dma_wait3A_88 : memref<10240x128xf32, #tpu.memory_space<hbm>>) dst(%dma_wait3A_82 : memref<128x128xf32, #tpu.memory_space<vmem>>)
    %run_scoped3A_89 = arith.constant 1 : i32
    %run_scoped3A_90 = arith.constant 39 : i32
    "tpu.region"() ({
      %run_scoped3A_157 = tpu.sem_alloc : memref<!tpu.dma_semaphore, #tpu.memory_space<semaphore_mem>>
      %dma_start3A_158 = arith.constant 0 : i32
      %dma_start3A_159 = arith.constant 0 : i32
      %dma_start3A_160 = tpu.memref_slice %arg7[%run_scoped3A_89, %dma_start3A_158, %dma_start3A_159] : memref<2x128x128xf32, #tpu.memory_space<vmem>> -> memref<1x128x128xf32, #tpu.memory_space<vmem>>
      %dma_start3A_161 = tpu.memref_squeeze %dma_start3A_160 : memref<1x128x128xf32, #tpu.memory_space<vmem>> -> memref<128x128xf32, #tpu.memory_space<vmem>>
      %dma_start3A_162 = arith.constant 0 : i32
      %dma_start3A_163 = tpu.memref_slice %arg6[%run_scoped3A_90, %dma_start3A_162] : memref<40x128xi32, #tpu.memory_space<vmem>> -> memref<1x128xi32, #tpu.memory_space<vmem>>
      %dma_start3A_164 = tpu.memref_squeeze %dma_start3A_163 : memref<1x128xi32, #tpu.memory_space<vmem>> -> memref<128xi32, #tpu.memory_space<vmem>>
      %dma_start3A_165 = arith.constant 0 : i32
      %dma_start3A_166 = arith.constant 0 : i32
      %dma_start3A_167 = tpu.memref_slice %arg10[%dma_start3A_165, %dma_start3A_166] : memref<10240x128xf32, #tpu.memory_space<vmem_shared>> -> memref<10240x128xf32, #tpu.memory_space<vmem_shared>>
      tpu.enqueue_indirect_dma source(%dma_start3A_161 : memref<128x128xf32, #tpu.memory_space<vmem>>) target(%dma_start3A_167 : memref<10240x128xf32, #tpu.memory_space<vmem_shared>>) offsets(%dma_start3A_164 : memref<128xi32, #tpu.memory_space<vmem>>) semaphore(%run_scoped3A_157 : memref<!tpu.dma_semaphore, #tpu.memory_space<semaphore_mem>>) {add = true}
      %dma_wait3A_168 = arith.constant 0 : i32
      %dma_wait3A_169 = arith.constant 0 : i32
      %dma_wait3A_170 = tpu.memref_slice %arg7[%run_scoped3A_89, %dma_wait3A_168, %dma_wait3A_169] : memref<2x128x128xf32, #tpu.memory_space<vmem>> -> memref<1x128x128xf32, #tpu.memory_space<vmem>>
      %dma_wait3A_171 = tpu.memref_squeeze %dma_wait3A_170 : memref<1x128x128xf32, #tpu.memory_space<vmem>> -> memref<128x128xf32, #tpu.memory_space<vmem>>
      %dma_wait3A_172 = arith.constant 0 : i32
      %dma_wait3A_173 = tpu.memref_slice %arg6[%run_scoped3A_90, %dma_wait3A_172] : memref<40x128xi32, #tpu.memory_space<vmem>> -> memref<1x128xi32, #tpu.memory_space<vmem>>
      %dma_wait3A_174 = tpu.memref_squeeze %dma_wait3A_173 : memref<1x128xi32, #tpu.memory_space<vmem>> -> memref<128xi32, #tpu.memory_space<vmem>>
      %dma_wait3A_175 = arith.constant 0 : i32
      %dma_wait3A_176 = arith.constant 0 : i32
      %dma_wait3A_177 = tpu.memref_slice %arg10[%dma_wait3A_175, %dma_wait3A_176] : memref<10240x128xf32, #tpu.memory_space<vmem_shared>> -> memref<10240x128xf32, #tpu.memory_space<vmem_shared>>
      tpu.wait_indirect_dma semaphore(%run_scoped3A_157 : memref<!tpu.dma_semaphore, #tpu.memory_space<semaphore_mem>>) src(%dma_wait3A_171 : memref<128x128xf32, #tpu.memory_space<vmem>>) dst(%dma_wait3A_177 : memref<10240x128xf32, #tpu.memory_space<vmem_shared>>)
      tpu.yield
    }) : () -> ()
    %run_scoped3A_91 = arith.constant 0 : i32
    "tpu.region"() ({
      %run_scoped3A_157 = tpu.sem_alloc : memref<!tpu.dma_semaphore, #tpu.memory_space<semaphore_mem>>
      %dma_start3A_158 = arith.constant 40 : i32
      %dma_start3A_159 = arith.constant 0 : i32
      %dma_start3A_160 = tpu.memref_slice %arg3[%run_scoped3A_91, %arg0, %arg1, %dma_start3A_158, %dma_start3A_159] : memref<2x2x16x80x128xi32, #tpu.memory_space<hbm>> -> memref<1x1x1x40x128xi32, #tpu.memory_space<hbm>>
      %dma_start3A_161 = tpu.memref_squeeze %dma_start3A_160 : memref<1x1x1x40x128xi32, #tpu.memory_space<hbm>> -> memref<40x128xi32, #tpu.memory_space<hbm>>
      %dma_start3A_162 = arith.constant 40 : i32
      %dma_start3A_163 = arith.constant 0 : i32
      %dma_start3A_164 = tpu.memref_slice %arg3[%run_scoped3A_91, %arg0, %arg1, %dma_start3A_162, %dma_start3A_163] : memref<2x2x16x80x128xi32, #tpu.memory_space<hbm>> -> memref<1x1x1x40x128xi32, #tpu.memory_space<hbm>>
      %dma_start3A_165 = tpu.memref_squeeze %dma_start3A_164 : memref<1x1x1x40x128xi32, #tpu.memory_space<hbm>> -> memref<40x128xi32, #tpu.memory_space<hbm>>
      tpu.enqueue_dma source(%dma_start3A_165 : memref<40x128xi32, #tpu.memory_space<hbm>>) target(%arg5 : memref<40x128xi32, #tpu.memory_space<vmem>>) target_semaphore(%run_scoped3A_157 : memref<!tpu.dma_semaphore, #tpu.memory_space<semaphore_mem>>)
      %dma_wait3A_166 = arith.constant 40 : i32
      %dma_wait3A_167 = arith.constant 0 : i32
      %dma_wait3A_168 = tpu.memref_slice %arg3[%run_scoped3A_91, %arg0, %arg1, %dma_wait3A_166, %dma_wait3A_167] : memref<2x2x16x80x128xi32, #tpu.memory_space<hbm>> -> memref<1x1x1x40x128xi32, #tpu.memory_space<hbm>>
      %dma_wait3A_169 = tpu.memref_squeeze %dma_wait3A_168 : memref<1x1x1x40x128xi32, #tpu.memory_space<hbm>> -> memref<40x128xi32, #tpu.memory_space<hbm>>
      %dma_wait3A_170 = arith.constant 40 : i32
      %dma_wait3A_171 = arith.constant 0 : i32
      %dma_wait3A_172 = tpu.memref_slice %arg3[%run_scoped3A_91, %arg0, %arg1, %dma_wait3A_170, %dma_wait3A_171] : memref<2x2x16x80x128xi32, #tpu.memory_space<hbm>> -> memref<1x1x1x40x128xi32, #tpu.memory_space<hbm>>
      %dma_wait3A_173 = tpu.memref_squeeze %dma_wait3A_172 : memref<1x1x1x40x128xi32, #tpu.memory_space<hbm>> -> memref<40x128xi32, #tpu.memory_space<hbm>>
      tpu.wait_dma2 semaphore(%run_scoped3A_157 : memref<!tpu.dma_semaphore, #tpu.memory_space<semaphore_mem>>) src(%dma_wait3A_173 : memref<40x128xi32, #tpu.memory_space<hbm>>) dst(%arg5 : memref<40x128xi32, #tpu.memory_space<vmem>>)
      tpu.yield
    }) : () -> ()
    %run_scoped3A_92 = arith.constant 1 : i32
    "tpu.region"() ({
      %run_scoped3A_157 = tpu.sem_alloc : memref<!tpu.dma_semaphore, #tpu.memory_space<semaphore_mem>>
      %dma_start3A_158 = arith.constant 40 : i32
      %dma_start3A_159 = arith.constant 0 : i32
      %dma_start3A_160 = tpu.memref_slice %arg3[%run_scoped3A_92, %arg0, %arg1, %dma_start3A_158, %dma_start3A_159] : memref<2x2x16x80x128xi32, #tpu.memory_space<hbm>> -> memref<1x1x1x40x128xi32, #tpu.memory_space<hbm>>
      %dma_start3A_161 = tpu.memref_squeeze %dma_start3A_160 : memref<1x1x1x40x128xi32, #tpu.memory_space<hbm>> -> memref<40x128xi32, #tpu.memory_space<hbm>>
      %dma_start3A_162 = arith.constant 40 : i32
      %dma_start3A_163 = arith.constant 0 : i32
      %dma_start3A_164 = tpu.memref_slice %arg3[%run_scoped3A_92, %arg0, %arg1, %dma_start3A_162, %dma_start3A_163] : memref<2x2x16x80x128xi32, #tpu.memory_space<hbm>> -> memref<1x1x1x40x128xi32, #tpu.memory_space<hbm>>
      %dma_start3A_165 = tpu.memref_squeeze %dma_start3A_164 : memref<1x1x1x40x128xi32, #tpu.memory_space<hbm>> -> memref<40x128xi32, #tpu.memory_space<hbm>>
      tpu.enqueue_dma source(%dma_start3A_165 : memref<40x128xi32, #tpu.memory_space<hbm>>) target(%arg6 : memref<40x128xi32, #tpu.memory_space<vmem>>) target_semaphore(%run_scoped3A_157 : memref<!tpu.dma_semaphore, #tpu.memory_space<semaphore_mem>>)
      %dma_wait3A_166 = arith.constant 40 : i32
      %dma_wait3A_167 = arith.constant 0 : i32
      %dma_wait3A_168 = tpu.memref_slice %arg3[%run_scoped3A_92, %arg0, %arg1, %dma_wait3A_166, %dma_wait3A_167] : memref<2x2x16x80x128xi32, #tpu.memory_space<hbm>> -> memref<1x1x1x40x128xi32, #tpu.memory_space<hbm>>
      %dma_wait3A_169 = tpu.memref_squeeze %dma_wait3A_168 : memref<1x1x1x40x128xi32, #tpu.memory_space<hbm>> -> memref<40x128xi32, #tpu.memory_space<hbm>>
      %dma_wait3A_170 = arith.constant 40 : i32
      %dma_wait3A_171 = arith.constant 0 : i32
      %dma_wait3A_172 = tpu.memref_slice %arg3[%run_scoped3A_92, %arg0, %arg1, %dma_wait3A_170, %dma_wait3A_171] : memref<2x2x16x80x128xi32, #tpu.memory_space<hbm>> -> memref<1x1x1x40x128xi32, #tpu.memory_space<hbm>>
      %dma_wait3A_173 = tpu.memref_squeeze %dma_wait3A_172 : memref<1x1x1x40x128xi32, #tpu.memory_space<hbm>> -> memref<40x128xi32, #tpu.memory_space<hbm>>
      tpu.wait_dma2 semaphore(%run_scoped3A_157 : memref<!tpu.dma_semaphore, #tpu.memory_space<semaphore_mem>>) src(%dma_wait3A_173 : memref<40x128xi32, #tpu.memory_space<hbm>>) dst(%arg6 : memref<40x128xi32, #tpu.memory_space<vmem>>)
      tpu.yield
    }) : () -> ()
    %dma_start3A_93 = arith.constant 0 : i32
    %dma_start3A_94 = arith.constant 0 : i32
    %dma_start3A_95 = arith.constant 0 : i32
    %dma_start3A_96 = arith.constant 0 : i32
    %dma_start3A_97 = tpu.memref_slice %arg7[%dma_start3A_94, %dma_start3A_95, %dma_start3A_96] : memref<2x128x128xf32, #tpu.memory_space<vmem>> -> memref<1x128x128xf32, #tpu.memory_space<vmem>>
    %dma_start3A_98 = tpu.memref_squeeze %dma_start3A_97 : memref<1x128x128xf32, #tpu.memory_space<vmem>> -> memref<128x128xf32, #tpu.memory_space<vmem>>
    %dma_start3A_99 = arith.constant 0 : i32
    %dma_start3A_100 = tpu.memref_slice %arg5[%dma_start3A_93, %dma_start3A_99] : memref<40x128xi32, #tpu.memory_space<vmem>> -> memref<1x128xi32, #tpu.memory_space<vmem>>
    %dma_start3A_101 = tpu.memref_squeeze %dma_start3A_100 : memref<1x128xi32, #tpu.memory_space<vmem>> -> memref<128xi32, #tpu.memory_space<vmem>>
    %dma_start3A_102 = arith.constant 0 : i32
    %dma_start3A_103 = arith.constant 0 : i32
    %dma_start3A_104 = tpu.memref_slice %arg2[%dma_start3A_102, %dma_start3A_103] : memref<10240x128xf32, #tpu.memory_space<hbm>> -> memref<10240x128xf32, #tpu.memory_space<hbm>>
    tpu.enqueue_indirect_dma source(%dma_start3A_104 : memref<10240x128xf32, #tpu.memory_space<hbm>>) target(%dma_start3A_98 : memref<128x128xf32, #tpu.memory_space<vmem>>) offsets(%dma_start3A_101 : memref<128xi32, #tpu.memory_space<vmem>>) semaphore(%arg8 : memref<!tpu.dma_semaphore, #tpu.memory_space<semaphore_mem>>)
    %dma_start3A_105 = arith.constant 1 : i32
    %dma_start3A_106 = arith.constant 1 : i32
    %dma_start3A_107 = arith.constant 0 : i32
    %dma_start3A_108 = arith.constant 0 : i32
    %dma_start3A_109 = tpu.memref_slice %arg7[%dma_start3A_106, %dma_start3A_107, %dma_start3A_108] : memref<2x128x128xf32, #tpu.memory_space<vmem>> -> memref<1x128x128xf32, #tpu.memory_space<vmem>>
    %dma_start3A_110 = tpu.memref_squeeze %dma_start3A_109 : memref<1x128x128xf32, #tpu.memory_space<vmem>> -> memref<128x128xf32, #tpu.memory_space<vmem>>
    %dma_start3A_111 = arith.constant 0 : i32
    %dma_start3A_112 = tpu.memref_slice %arg5[%dma_start3A_105, %dma_start3A_111] : memref<40x128xi32, #tpu.memory_space<vmem>> -> memref<1x128xi32, #tpu.memory_space<vmem>>
    %dma_start3A_113 = tpu.memref_squeeze %dma_start3A_112 : memref<1x128xi32, #tpu.memory_space<vmem>> -> memref<128xi32, #tpu.memory_space<vmem>>
    %dma_start3A_114 = arith.constant 0 : i32
    %dma_start3A_115 = arith.constant 0 : i32
    %dma_start3A_116 = tpu.memref_slice %arg2[%dma_start3A_114, %dma_start3A_115] : memref<10240x128xf32, #tpu.memory_space<hbm>> -> memref<10240x128xf32, #tpu.memory_space<hbm>>
    tpu.enqueue_indirect_dma source(%dma_start3A_116 : memref<10240x128xf32, #tpu.memory_space<hbm>>) target(%dma_start3A_110 : memref<128x128xf32, #tpu.memory_space<vmem>>) offsets(%dma_start3A_113 : memref<128xi32, #tpu.memory_space<vmem>>) semaphore(%arg9 : memref<!tpu.dma_semaphore, #tpu.memory_space<semaphore_mem>>)
    %scan3A_117 = arith.constant 0 : i32
    %scan3A_118 = arith.constant 1 : i32
    %scan3A_119 = arith.constant 0 : i32
    %scan3A_120 = arith.constant 0 : i32
    %scan3A_121 = arith.constant 19 : i32
    %scan3A_122 = arith.addi %scan3A_120, %scan3A_121 : i32
    %scan3A_123 = arith.constant 1 : i32
    %scan3A_124 = scf.for %scan3A_157 = %scan3A_120 to %scan3A_122 step %scan3A_123 iter_args(%scan3A_158 = %scan3A_119) -> (i32)  : i32 {
      %mul3A_159 = arith.constant 2 : i32
      %mul3A_160 = arith.muli %scan3A_157, %mul3A_159 : i32
      %add3A_161 = arith.constant 0 : i32
      %add3A_162 = arith.addi %mul3A_160, %add3A_161 : i32
      %dma_wait3A_163 = arith.constant 0 : i32
      %dma_wait3A_164 = arith.constant 0 : i32
      %dma_wait3A_165 = tpu.memref_slice %arg7[%scan3A_117, %dma_wait3A_163, %dma_wait3A_164] : memref<2x128x128xf32, #tpu.memory_space<vmem>> -> memref<1x128x128xf32, #tpu.memory_space<vmem>>
      %dma_wait3A_166 = tpu.memref_squeeze %dma_wait3A_165 : memref<1x128x128xf32, #tpu.memory_space<vmem>> -> memref<128x128xf32, #tpu.memory_space<vmem>>
      %dma_wait3A_167 = arith.constant 0 : i32
      %dma_wait3A_168 = tpu.memref_slice %arg5[%add3A_162, %dma_wait3A_167] : memref<40x128xi32, #tpu.memory_space<vmem>> -> memref<1x128xi32, #tpu.memory_space<vmem>>
      %dma_wait3A_169 = tpu.memref_squeeze %dma_wait3A_168 : memref<1x128xi32, #tpu.memory_space<vmem>> -> memref<128xi32, #tpu.memory_space<vmem>>
      %dma_wait3A_170 = arith.constant 0 : i32
      %dma_wait3A_171 = arith.constant 0 : i32
      %dma_wait3A_172 = tpu.memref_slice %arg2[%dma_wait3A_170, %dma_wait3A_171] : memref<10240x128xf32, #tpu.memory_space<hbm>> -> memref<10240x128xf32, #tpu.memory_space<hbm>>
      tpu.wait_indirect_dma semaphore(%arg8 : memref<!tpu.dma_semaphore, #tpu.memory_space<semaphore_mem>>) src(%dma_wait3A_172 : memref<10240x128xf32, #tpu.memory_space<hbm>>) dst(%dma_wait3A_166 : memref<128x128xf32, #tpu.memory_space<vmem>>)
      "tpu.region"() ({
        %run_scoped3A_212 = tpu.sem_alloc : memref<!tpu.dma_semaphore, #tpu.memory_space<semaphore_mem>>
        %dma_start3A_213 = arith.constant 0 : i32
        %dma_start3A_214 = arith.constant 0 : i32
        %dma_start3A_215 = tpu.memref_slice %arg7[%scan3A_117, %dma_start3A_213, %dma_start3A_214] : memref<2x128x128xf32, #tpu.memory_space<vmem>> -> memref<1x128x128xf32, #tpu.memory_space<vmem>>
        %dma_start3A_216 = tpu.memref_squeeze %dma_start3A_215 : memref<1x128x128xf32, #tpu.memory_space<vmem>> -> memref<128x128xf32, #tpu.memory_space<vmem>>
        %dma_start3A_217 = arith.constant 0 : i32
        %dma_start3A_218 = tpu.memref_slice %arg6[%add3A_162, %dma_start3A_217] : memref<40x128xi32, #tpu.memory_space<vmem>> -> memref<1x128xi32, #tpu.memory_space<vmem>>
        %dma_start3A_219 = tpu.memref_squeeze %dma_start3A_218 : memref<1x128xi32, #tpu.memory_space<vmem>> -> memref<128xi32, #tpu.memory_space<vmem>>
        %dma_start3A_220 = arith.constant 0 : i32
        %dma_start3A_221 = arith.constant 0 : i32
        %dma_start3A_222 = tpu.memref_slice %arg10[%dma_start3A_220, %dma_start3A_221] : memref<10240x128xf32, #tpu.memory_space<vmem_shared>> -> memref<10240x128xf32, #tpu.memory_space<vmem_shared>>
        tpu.enqueue_indirect_dma source(%dma_start3A_216 : memref<128x128xf32, #tpu.memory_space<vmem>>) target(%dma_start3A_222 : memref<10240x128xf32, #tpu.memory_space<vmem_shared>>) offsets(%dma_start3A_219 : memref<128xi32, #tpu.memory_space<vmem>>) semaphore(%run_scoped3A_212 : memref<!tpu.dma_semaphore, #tpu.memory_space<semaphore_mem>>) {add = true}
        %dma_wait3A_223 = arith.constant 0 : i32
        %dma_wait3A_224 = arith.constant 0 : i32
        %dma_wait3A_225 = tpu.memref_slice %arg7[%scan3A_117, %dma_wait3A_223, %dma_wait3A_224] : memref<2x128x128xf32, #tpu.memory_space<vmem>> -> memref<1x128x128xf32, #tpu.memory_space<vmem>>
        %dma_wait3A_226 = tpu.memref_squeeze %dma_wait3A_225 : memref<1x128x128xf32, #tpu.memory_space<vmem>> -> memref<128x128xf32, #tpu.memory_space<vmem>>
        %dma_wait3A_227 = arith.constant 0 : i32
        %dma_wait3A_228 = tpu.memref_slice %arg6[%add3A_162, %dma_wait3A_227] : memref<40x128xi32, #tpu.memory_space<vmem>> -> memref<1x128xi32, #tpu.memory_space<vmem>>
        %dma_wait3A_229 = tpu.memref_squeeze %dma_wait3A_228 : memref<1x128xi32, #tpu.memory_space<vmem>> -> memref<128xi32, #tpu.memory_space<vmem>>
        %dma_wait3A_230 = arith.constant 0 : i32
        %dma_wait3A_231 = arith.constant 0 : i32
        %dma_wait3A_232 = tpu.memref_slice %arg10[%dma_wait3A_230, %dma_wait3A_231] : memref<10240x128xf32, #tpu.memory_space<vmem_shared>> -> memref<10240x128xf32, #tpu.memory_space<vmem_shared>>
        tpu.wait_indirect_dma semaphore(%run_scoped3A_212 : memref<!tpu.dma_semaphore, #tpu.memory_space<semaphore_mem>>) src(%dma_wait3A_226 : memref<128x128xf32, #tpu.memory_space<vmem>>) dst(%dma_wait3A_232 : memref<10240x128xf32, #tpu.memory_space<vmem_shared>>)
        tpu.yield
      }) : () -> ()
      %add3A_173 = arith.constant 2 : i32
      %add3A_174 = arith.addi %add3A_162, %add3A_173 : i32
      %dma_start3A_175 = arith.constant 0 : i32
      %dma_start3A_176 = arith.constant 0 : i32
      %dma_start3A_177 = tpu.memref_slice %arg7[%scan3A_117, %dma_start3A_175, %dma_start3A_176] : memref<2x128x128xf32, #tpu.memory_space<vmem>> -> memref<1x128x128xf32, #tpu.memory_space<vmem>>
      %dma_start3A_178 = tpu.memref_squeeze %dma_start3A_177 : memref<1x128x128xf32, #tpu.memory_space<vmem>> -> memref<128x128xf32, #tpu.memory_space<vmem>>
      %dma_start3A_179 = arith.constant 0 : i32
      %dma_start3A_180 = tpu.memref_slice %arg5[%add3A_174, %dma_start3A_179] : memref<40x128xi32, #tpu.memory_space<vmem>> -> memref<1x128xi32, #tpu.memory_space<vmem>>
      %dma_start3A_181 = tpu.memref_squeeze %dma_start3A_180 : memref<1x128xi32, #tpu.memory_space<vmem>> -> memref<128xi32, #tpu.memory_space<vmem>>
      %dma_start3A_182 = arith.constant 0 : i32
      %dma_start3A_183 = arith.constant 0 : i32
      %dma_start3A_184 = tpu.memref_slice %arg2[%dma_start3A_182, %dma_start3A_183] : memref<10240x128xf32, #tpu.memory_space<hbm>> -> memref<10240x128xf32, #tpu.memory_space<hbm>>
      tpu.enqueue_indirect_dma source(%dma_start3A_184 : memref<10240x128xf32, #tpu.memory_space<hbm>>) target(%dma_start3A_178 : memref<128x128xf32, #tpu.memory_space<vmem>>) offsets(%dma_start3A_181 : memref<128xi32, #tpu.memory_space<vmem>>) semaphore(%arg8 : memref<!tpu.dma_semaphore, #tpu.memory_space<semaphore_mem>>)
      %mul3A_185 = arith.constant 2 : i32
      %mul3A_186 = arith.muli %scan3A_157, %mul3A_185 : i32
      %add3A_187 = arith.constant 1 : i32
      %add3A_188 = arith.addi %mul3A_186, %add3A_187 : i32
      %dma_wait3A_189 = arith.constant 0 : i32
      %dma_wait3A_190 = arith.constant 0 : i32
      %dma_wait3A_191 = tpu.memref_slice %arg7[%scan3A_118, %dma_wait3A_189, %dma_wait3A_190] : memref<2x128x128xf32, #tpu.memory_space<vmem>> -> memref<1x128x128xf32, #tpu.memory_space<vmem>>
      %dma_wait3A_192 = tpu.memref_squeeze %dma_wait3A_191 : memref<1x128x128xf32, #tpu.memory_space<vmem>> -> memref<128x128xf32, #tpu.memory_space<vmem>>
      %dma_wait3A_193 = arith.constant 0 : i32
      %dma_wait3A_194 = tpu.memref_slice %arg5[%add3A_188, %dma_wait3A_193] : memref<40x128xi32, #tpu.memory_space<vmem>> -> memref<1x128xi32, #tpu.memory_space<vmem>>
      %dma_wait3A_195 = tpu.memref_squeeze %dma_wait3A_194 : memref<1x128xi32, #tpu.memory_space<vmem>> -> memref<128xi32, #tpu.memory_space<vmem>>
      %dma_wait3A_196 = arith.constant 0 : i32
      %dma_wait3A_197 = arith.constant 0 : i32
      %dma_wait3A_198 = tpu.memref_slice %arg2[%dma_wait3A_196, %dma_wait3A_197] : memref<10240x128xf32, #tpu.memory_space<hbm>> -> memref<10240x128xf32, #tpu.memory_space<hbm>>
      tpu.wait_indirect_dma semaphore(%arg9 : memref<!tpu.dma_semaphore, #tpu.memory_space<semaphore_mem>>) src(%dma_wait3A_198 : memref<10240x128xf32, #tpu.memory_space<hbm>>) dst(%dma_wait3A_192 : memref<128x128xf32, #tpu.memory_space<vmem>>)
      "tpu.region"() ({
        %run_scoped3A_212 = tpu.sem_alloc : memref<!tpu.dma_semaphore, #tpu.memory_space<semaphore_mem>>
        %dma_start3A_213 = arith.constant 0 : i32
        %dma_start3A_214 = arith.constant 0 : i32
        %dma_start3A_215 = tpu.memref_slice %arg7[%scan3A_118, %dma_start3A_213, %dma_start3A_214] : memref<2x128x128xf32, #tpu.memory_space<vmem>> -> memref<1x128x128xf32, #tpu.memory_space<vmem>>
        %dma_start3A_216 = tpu.memref_squeeze %dma_start3A_215 : memref<1x128x128xf32, #tpu.memory_space<vmem>> -> memref<128x128xf32, #tpu.memory_space<vmem>>
        %dma_start3A_217 = arith.constant 0 : i32
        %dma_start3A_218 = tpu.memref_slice %arg6[%add3A_188, %dma_start3A_217] : memref<40x128xi32, #tpu.memory_space<vmem>> -> memref<1x128xi32, #tpu.memory_space<vmem>>
        %dma_start3A_219 = tpu.memref_squeeze %dma_start3A_218 : memref<1x128xi32, #tpu.memory_space<vmem>> -> memref<128xi32, #tpu.memory_space<vmem>>
        %dma_start3A_220 = arith.constant 0 : i32
        %dma_start3A_221 = arith.constant 0 : i32
        %dma_start3A_222 = tpu.memref_slice %arg10[%dma_start3A_220, %dma_start3A_221] : memref<10240x128xf32, #tpu.memory_space<vmem_shared>> -> memref<10240x128xf32, #tpu.memory_space<vmem_shared>>
        tpu.enqueue_indirect_dma source(%dma_start3A_216 : memref<128x128xf32, #tpu.memory_space<vmem>>) target(%dma_start3A_222 : memref<10240x128xf32, #tpu.memory_space<vmem_shared>>) offsets(%dma_start3A_219 : memref<128xi32, #tpu.memory_space<vmem>>) semaphore(%run_scoped3A_212 : memref<!tpu.dma_semaphore, #tpu.memory_space<semaphore_mem>>) {add = true}
        %dma_wait3A_223 = arith.constant 0 : i32
        %dma_wait3A_224 = arith.constant 0 : i32
        %dma_wait3A_225 = tpu.memref_slice %arg7[%scan3A_118, %dma_wait3A_223, %dma_wait3A_224] : memref<2x128x128xf32, #tpu.memory_space<vmem>> -> memref<1x128x128xf32, #tpu.memory_space<vmem>>
        %dma_wait3A_226 = tpu.memref_squeeze %dma_wait3A_225 : memref<1x128x128xf32, #tpu.memory_space<vmem>> -> memref<128x128xf32, #tpu.memory_space<vmem>>
        %dma_wait3A_227 = arith.constant 0 : i32
        %dma_wait3A_228 = tpu.memref_slice %arg6[%add3A_188, %dma_wait3A_227] : memref<40x128xi32, #tpu.memory_space<vmem>> -> memref<1x128xi32, #tpu.memory_space<vmem>>
        %dma_wait3A_229 = tpu.memref_squeeze %dma_wait3A_228 : memref<1x128xi32, #tpu.memory_space<vmem>> -> memref<128xi32, #tpu.memory_space<vmem>>
        %dma_wait3A_230 = arith.constant 0 : i32
        %dma_wait3A_231 = arith.constant 0 : i32
        %dma_wait3A_232 = tpu.memref_slice %arg10[%dma_wait3A_230, %dma_wait3A_231] : memref<10240x128xf32, #tpu.memory_space<vmem_shared>> -> memref<10240x128xf32, #tpu.memory_space<vmem_shared>>
        tpu.wait_indirect_dma semaphore(%run_scoped3A_212 : memref<!tpu.dma_semaphore, #tpu.memory_space<semaphore_mem>>) src(%dma_wait3A_226 : memref<128x128xf32, #tpu.memory_space<vmem>>) dst(%dma_wait3A_232 : memref<10240x128xf32, #tpu.memory_space<vmem_shared>>)
        tpu.yield
      }) : () -> ()
      %add3A_199 = arith.constant 2 : i32
      %add3A_200 = arith.addi %add3A_188, %add3A_199 : i32
      %dma_start3A_201 = arith.constant 0 : i32
      %dma_start3A_202 = arith.constant 0 : i32
      %dma_start3A_203 = tpu.memref_slice %arg7[%scan3A_118, %dma_start3A_201, %dma_start3A_202] : memref<2x128x128xf32, #tpu.memory_space<vmem>> -> memref<1x128x128xf32, #tpu.memory_space<vmem>>
      %dma_start3A_204 = tpu.memref_squeeze %dma_start3A_203 : memref<1x128x128xf32, #tpu.memory_space<vmem>> -> memref<128x128xf32, #tpu.memory_space<vmem>>
      %dma_start3A_205 = arith.constant 0 : i32
      %dma_start3A_206 = tpu.memref_slice %arg5[%add3A_200, %dma_start3A_205] : memref<40x128xi32, #tpu.memory_space<vmem>> -> memref<1x128xi32, #tpu.memory_space<vmem>>
      %dma_start3A_207 = tpu.memref_squeeze %dma_start3A_206 : memref<1x128xi32, #tpu.memory_space<vmem>> -> memref<128xi32, #tpu.memory_space<vmem>>
      %dma_start3A_208 = arith.constant 0 : i32
      %dma_start3A_209 = arith.constant 0 : i32
      %dma_start3A_210 = tpu.memref_slice %arg2[%dma_start3A_208, %dma_start3A_209] : memref<10240x128xf32, #tpu.memory_space<hbm>> -> memref<10240x128xf32, #tpu.memory_space<hbm>>
      tpu.enqueue_indirect_dma source(%dma_start3A_210 : memref<10240x128xf32, #tpu.memory_space<hbm>>) target(%dma_start3A_204 : memref<128x128xf32, #tpu.memory_space<vmem>>) offsets(%dma_start3A_207 : memref<128xi32, #tpu.memory_space<vmem>>) semaphore(%arg9 : memref<!tpu.dma_semaphore, #tpu.memory_space<semaphore_mem>>)
      %scan3A_211 = arith.constant 0 : i32
      scf.yield %scan3A_211 : i32
    }
    %scan3A_125 = arith.constant 19 : i32
    %dma_wait3A_126 = arith.constant 38 : i32
    %dma_wait3A_127 = arith.constant 0 : i32
    %dma_wait3A_128 = arith.constant 0 : i32
    %dma_wait3A_129 = arith.constant 0 : i32
    %dma_wait3A_130 = tpu.memref_slice %arg7[%dma_wait3A_127, %dma_wait3A_128, %dma_wait3A_129] : memref<2x128x128xf32, #tpu.memory_space<vmem>> -> memref<1x128x128xf32, #tpu.memory_space<vmem>>
    %dma_wait3A_131 = tpu.memref_squeeze %dma_wait3A_130 : memref<1x128x128xf32, #tpu.memory_space<vmem>> -> memref<128x128xf32, #tpu.memory_space<vmem>>
    %dma_wait3A_132 = arith.constant 0 : i32
    %dma_wait3A_133 = tpu.memref_slice %arg5[%dma_wait3A_126, %dma_wait3A_132] : memref<40x128xi32, #tpu.memory_space<vmem>> -> memref<1x128xi32, #tpu.memory_space<vmem>>
    %dma_wait3A_134 = tpu.memref_squeeze %dma_wait3A_133 : memref<1x128xi32, #tpu.memory_space<vmem>> -> memref<128xi32, #tpu.memory_space<vmem>>
    %dma_wait3A_135 = arith.constant 0 : i32
    %dma_wait3A_136 = arith.constant 0 : i32
    %dma_wait3A_137 = tpu.memref_slice %arg2[%dma_wait3A_135, %dma_wait3A_136] : memref<10240x128xf32, #tpu.memory_space<hbm>> -> memref<10240x128xf32, #tpu.memory_space<hbm>>
    tpu.wait_indirect_dma semaphore(%arg8 : memref<!tpu.dma_semaphore, #tpu.memory_space<semaphore_mem>>) src(%dma_wait3A_137 : memref<10240x128xf32, #tpu.memory_space<hbm>>) dst(%dma_wait3A_131 : memref<128x128xf32, #tpu.memory_space<vmem>>)
    %run_scoped3A_138 = arith.constant 0 : i32
    %run_scoped3A_139 = arith.constant 38 : i32
    "tpu.region"() ({
      %run_scoped3A_157 = tpu.sem_alloc : memref<!tpu.dma_semaphore, #tpu.memory_space<semaphore_mem>>
      %dma_start3A_158 = arith.constant 0 : i32
      %dma_start3A_159 = arith.constant 0 : i32
      %dma_start3A_160 = tpu.memref_slice %arg7[%run_scoped3A_138, %dma_start3A_158, %dma_start3A_159] : memref<2x128x128xf32, #tpu.memory_space<vmem>> -> memref<1x128x128xf32, #tpu.memory_space<vmem>>
      %dma_start3A_161 = tpu.memref_squeeze %dma_start3A_160 : memref<1x128x128xf32, #tpu.memory_space<vmem>> -> memref<128x128xf32, #tpu.memory_space<vmem>>
      %dma_start3A_162 = arith.constant 0 : i32
      %dma_start3A_163 = tpu.memref_slice %arg6[%run_scoped3A_139, %dma_start3A_162] : memref<40x128xi32, #tpu.memory_space<vmem>> -> memref<1x128xi32, #tpu.memory_space<vmem>>
      %dma_start3A_164 = tpu.memref_squeeze %dma_start3A_163 : memref<1x128xi32, #tpu.memory_space<vmem>> -> memref<128xi32, #tpu.memory_space<vmem>>
      %dma_start3A_165 = arith.constant 0 : i32
      %dma_start3A_166 = arith.constant 0 : i32
      %dma_start3A_167 = tpu.memref_slice %arg10[%dma_start3A_165, %dma_start3A_166] : memref<10240x128xf32, #tpu.memory_space<vmem_shared>> -> memref<10240x128xf32, #tpu.memory_space<vmem_shared>>
      tpu.enqueue_indirect_dma source(%dma_start3A_161 : memref<128x128xf32, #tpu.memory_space<vmem>>) target(%dma_start3A_167 : memref<10240x128xf32, #tpu.memory_space<vmem_shared>>) offsets(%dma_start3A_164 : memref<128xi32, #tpu.memory_space<vmem>>) semaphore(%run_scoped3A_157 : memref<!tpu.dma_semaphore, #tpu.memory_space<semaphore_mem>>) {add = true}
      %dma_wait3A_168 = arith.constant 0 : i32
      %dma_wait3A_169 = arith.constant 0 : i32
      %dma_wait3A_170 = tpu.memref_slice %arg7[%run_scoped3A_138, %dma_wait3A_168, %dma_wait3A_169] : memref<2x128x128xf32, #tpu.memory_space<vmem>> -> memref<1x128x128xf32, #tpu.memory_space<vmem>>
      %dma_wait3A_171 = tpu.memref_squeeze %dma_wait3A_170 : memref<1x128x128xf32, #tpu.memory_space<vmem>> -> memref<128x128xf32, #tpu.memory_space<vmem>>
      %dma_wait3A_172 = arith.constant 0 : i32
      %dma_wait3A_173 = tpu.memref_slice %arg6[%run_scoped3A_139, %dma_wait3A_172] : memref<40x128xi32, #tpu.memory_space<vmem>> -> memref<1x128xi32, #tpu.memory_space<vmem>>
      %dma_wait3A_174 = tpu.memref_squeeze %dma_wait3A_173 : memref<1x128xi32, #tpu.memory_space<vmem>> -> memref<128xi32, #tpu.memory_space<vmem>>
      %dma_wait3A_175 = arith.constant 0 : i32
      %dma_wait3A_176 = arith.constant 0 : i32
      %dma_wait3A_177 = tpu.memref_slice %arg10[%dma_wait3A_175, %dma_wait3A_176] : memref<10240x128xf32, #tpu.memory_space<vmem_shared>> -> memref<10240x128xf32, #tpu.memory_space<vmem_shared>>
      tpu.wait_indirect_dma semaphore(%run_scoped3A_157 : memref<!tpu.dma_semaphore, #tpu.memory_space<semaphore_mem>>) src(%dma_wait3A_171 : memref<128x128xf32, #tpu.memory_space<vmem>>) dst(%dma_wait3A_177 : memref<10240x128xf32, #tpu.memory_space<vmem_shared>>)
      tpu.yield
    }) : () -> ()
    %dma_wait3A_140 = arith.constant 39 : i32
    %dma_wait3A_141 = arith.constant 1 : i32
    %dma_wait3A_142 = arith.constant 0 : i32
    %dma_wait3A_143 = arith.constant 0 : i32
    %dma_wait3A_144 = tpu.memref_slice %arg7[%dma_wait3A_141, %dma_wait3A_142, %dma_wait3A_143] : memref<2x128x128xf32, #tpu.memory_space<vmem>> -> memref<1x128x128xf32, #tpu.memory_space<vmem>>
    %dma_wait3A_145 = tpu.memref_squeeze %dma_wait3A_144 : memref<1x128x128xf32, #tpu.memory_space<vmem>> -> memref<128x128xf32, #tpu.memory_space<vmem>>
    %dma_wait3A_146 = arith.constant 0 : i32
    %dma_wait3A_147 = tpu.memref_slice %arg5[%dma_wait3A_140, %dma_wait3A_146] : memref<40x128xi32, #tpu.memory_space<vmem>> -> memref<1x128xi32, #tpu.memory_space<vmem>>
    %dma_wait3A_148 = tpu.memref_squeeze %dma_wait3A_147 : memref<1x128xi32, #tpu.memory_space<vmem>> -> memref<128xi32, #tpu.memory_space<vmem>>
    %dma_wait3A_149 = arith.constant 0 : i32
    %dma_wait3A_150 = arith.constant 0 : i32
    %dma_wait3A_151 = tpu.memref_slice %arg2[%dma_wait3A_149, %dma_wait3A_150] : memref<10240x128xf32, #tpu.memory_space<hbm>> -> memref<10240x128xf32, #tpu.memory_space<hbm>>
    tpu.wait_indirect_dma semaphore(%arg9 : memref<!tpu.dma_semaphore, #tpu.memory_space<semaphore_mem>>) src(%dma_wait3A_151 : memref<10240x128xf32, #tpu.memory_space<hbm>>) dst(%dma_wait3A_145 : memref<128x128xf32, #tpu.memory_space<vmem>>)
    %run_scoped3A_152 = arith.constant 1 : i32
    %run_scoped3A_153 = arith.constant 39 : i32
    "tpu.region"() ({
      %run_scoped3A_157 = tpu.sem_alloc : memref<!tpu.dma_semaphore, #tpu.memory_space<semaphore_mem>>
      %dma_start3A_158 = arith.constant 0 : i32
      %dma_start3A_159 = arith.constant 0 : i32
      %dma_start3A_160 = tpu.memref_slice %arg7[%run_scoped3A_152, %dma_start3A_158, %dma_start3A_159] : memref<2x128x128xf32, #tpu.memory_space<vmem>> -> memref<1x128x128xf32, #tpu.memory_space<vmem>>
      %dma_start3A_161 = tpu.memref_squeeze %dma_start3A_160 : memref<1x128x128xf32, #tpu.memory_space<vmem>> -> memref<128x128xf32, #tpu.memory_space<vmem>>
      %dma_start3A_162 = arith.constant 0 : i32
      %dma_start3A_163 = tpu.memref_slice %arg6[%run_scoped3A_153, %dma_start3A_162] : memref<40x128xi32, #tpu.memory_space<vmem>> -> memref<1x128xi32, #tpu.memory_space<vmem>>
      %dma_start3A_164 = tpu.memref_squeeze %dma_start3A_163 : memref<1x128xi32, #tpu.memory_space<vmem>> -> memref<128xi32, #tpu.memory_space<vmem>>
      %dma_start3A_165 = arith.constant 0 : i32
      %dma_start3A_166 = arith.constant 0 : i32
      %dma_start3A_167 = tpu.memref_slice %arg10[%dma_start3A_165, %dma_start3A_166] : memref<10240x128xf32, #tpu.memory_space<vmem_shared>> -> memref<10240x128xf32, #tpu.memory_space<vmem_shared>>
      tpu.enqueue_indirect_dma source(%dma_start3A_161 : memref<128x128xf32, #tpu.memory_space<vmem>>) target(%dma_start3A_167 : memref<10240x128xf32, #tpu.memory_space<vmem_shared>>) offsets(%dma_start3A_164 : memref<128xi32, #tpu.memory_space<vmem>>) semaphore(%run_scoped3A_157 : memref<!tpu.dma_semaphore, #tpu.memory_space<semaphore_mem>>) {add = true}
      %dma_wait3A_168 = arith.constant 0 : i32
      %dma_wait3A_169 = arith.constant 0 : i32
      %dma_wait3A_170 = tpu.memref_slice %arg7[%run_scoped3A_152, %dma_wait3A_168, %dma_wait3A_169] : memref<2x128x128xf32, #tpu.memory_space<vmem>> -> memref<1x128x128xf32, #tpu.memory_space<vmem>>
      %dma_wait3A_171 = tpu.memref_squeeze %dma_wait3A_170 : memref<1x128x128xf32, #tpu.memory_space<vmem>> -> memref<128x128xf32, #tpu.memory_space<vmem>>
      %dma_wait3A_172 = arith.constant 0 : i32
      %dma_wait3A_173 = tpu.memref_slice %arg6[%run_scoped3A_153, %dma_wait3A_172] : memref<40x128xi32, #tpu.memory_space<vmem>> -> memref<1x128xi32, #tpu.memory_space<vmem>>
      %dma_wait3A_174 = tpu.memref_squeeze %dma_wait3A_173 : memref<1x128xi32, #tpu.memory_space<vmem>> -> memref<128xi32, #tpu.memory_space<vmem>>
      %dma_wait3A_175 = arith.constant 0 : i32
      %dma_wait3A_176 = arith.constant 0 : i32
      %dma_wait3A_177 = tpu.memref_slice %arg10[%dma_wait3A_175, %dma_wait3A_176] : memref<10240x128xf32, #tpu.memory_space<vmem_shared>> -> memref<10240x128xf32, #tpu.memory_space<vmem_shared>>
      tpu.wait_indirect_dma semaphore(%run_scoped3A_157 : memref<!tpu.dma_semaphore, #tpu.memory_space<semaphore_mem>>) src(%dma_wait3A_171 : memref<128x128xf32, #tpu.memory_space<vmem>>) dst(%dma_wait3A_177 : memref<10240x128xf32, #tpu.memory_space<vmem_shared>>)
      tpu.yield
    }) : () -> ()
    %barrier3A_154 = arith.constant 0 : index
    tpu.barrier barrier_id(%barrier3A_154)
    %mul3A_155 = arith.constant 640 : i32
    %mul3A_156 = arith.muli %arg1, %mul3A_155 : i32
    "tpu.region"() ({
      %run_scoped3A_157 = tpu.sem_alloc : memref<!tpu.dma_semaphore, #tpu.memory_space<semaphore_mem>>
      %dma_start3A_158 = arith.constant 0 : i32
      %dma_start3A_159 = tpu.memref_slice %arg4[%arg0, %mul3A_156, %dma_start3A_158] : memref<2x10240x128xf32, #tpu.memory_space<hbm>> -> memref<1x640x128xf32, #tpu.memory_space<hbm>>
      %dma_start3A_160 = tpu.memref_squeeze %dma_start3A_159 : memref<1x640x128xf32, #tpu.memory_space<hbm>> -> memref<640x128xf32, #tpu.memory_space<hbm>>
      %dma_start3A_161 = arith.constant 0 : i32
      %dma_start3A_162 = tpu.memref_slice %arg10[%mul3A_156, %dma_start3A_161] : memref<10240x128xf32, #tpu.memory_space<vmem_shared>> -> memref<640x128xf32, #tpu.memory_space<vmem_shared>>
      tpu.enqueue_dma source(%dma_start3A_162 : memref<640x128xf32, #tpu.memory_space<vmem_shared>>) target(%dma_start3A_160 : memref<640x128xf32, #tpu.memory_space<hbm>>) target_semaphore(%run_scoped3A_157 : memref<!tpu.dma_semaphore, #tpu.memory_space<semaphore_mem>>)
      %dma_wait3A_163 = arith.constant 0 : i32
      %dma_wait3A_164 = tpu.memref_slice %arg4[%arg0, %mul3A_156, %dma_wait3A_163] : memref<2x10240x128xf32, #tpu.memory_space<hbm>> -> memref<1x640x128xf32, #tpu.memory_space<hbm>>
      %dma_wait3A_165 = tpu.memref_squeeze %dma_wait3A_164 : memref<1x640x128xf32, #tpu.memory_space<hbm>> -> memref<640x128xf32, #tpu.memory_space<hbm>>
      %dma_wait3A_166 = arith.constant 0 : i32
      %dma_wait3A_167 = tpu.memref_slice %arg10[%mul3A_156, %dma_wait3A_166] : memref<10240x128xf32, #tpu.memory_space<vmem_shared>> -> memref<640x128xf32, #tpu.memory_space<vmem_shared>>
      tpu.wait_dma2 semaphore(%run_scoped3A_157 : memref<!tpu.dma_semaphore, #tpu.memory_space<semaphore_mem>>) src(%dma_wait3A_167 : memref<640x128xf32, #tpu.memory_space<vmem_shared>>) dst(%dma_wait3A_165 : memref<640x128xf32, #tpu.memory_space<hbm>>)
      tpu.yield
    }) : () -> ()
    return
  }
}

#map = affine_map<(d0, d1) -> (0, 0)>
#map1 = affine_map<(d0, d1) -> (0, 0, 0, 0, 0)>
#map2 = affine_map<(d0, d1) -> (0, 0, 0)>
module attributes {stable_mosaic.version = 14 : i64} {
  func.func @_agg_body(%arg0: i32, %arg1: i32, %arg2: memref<10240x128xf32, #tpu.memory_space<hbm>>, %arg3: memref<2x2x16x80x128xi32, #tpu.memory_space<hbm>>, %arg4: memref<2x10240x128xf32, #tpu.memory_space<hbm>>, %arg5: memref<40x128xi32, #tpu.memory_space<vmem>>, %arg6: memref<40x128xi32, #tpu.memory_space<vmem>>, %arg7: memref<2x128x128xf32, #tpu.memory_space<vmem>>, %arg8: memref<!tpu.dma_semaphore, #tpu.memory_space<semaphore_mem>>, %arg9: memref<!tpu.dma_semaphore, #tpu.memory_space<semaphore_mem>>, %arg10: memref<10240x128xf32, #tpu.memory_space<vmem_shared>>) attributes {dimension_semantics = [#tpu.dimension_semantics<core_parallel>, #tpu.dimension_semantics<subcore_parallel>], iteration_bounds = array<i64: 2, 16>, scalar_prefetch = 0 : i64, scratch_operands = 6 : i64, tpu.core_type = #tpu.core_type<sc_vector_subcore>, window_params = [{transform_indices = #map}, {transform_indices = #map1}, {transform_indices = #map2}]} {
    %broadcast_in_dim3A = arith.constant 0.000000e+00 : f32
    %broadcast_in_dim3A_0 = vector.broadcast %broadcast_in_dim3A : f32 to vector<16xf32>
    %scan3A = arith.constant 0 : i32
    %scan3A_1 = arith.constant 0 : i32
    %scan3A_2 = arith.constant 0 : i32
    %scan3A_3 = arith.constant 128 : i32
    %scan3A_4 = arith.addi %scan3A_2, %scan3A_3 : i32
    %scan3A_5 = arith.constant 1 : i32
    %scan3A_6 = scf.for %scan3A_157 = %scan3A_2 to %scan3A_4 step %scan3A_5 iter_args(%scan3A_158 = %scan3A_1) -> (i32)  : i32 {
      %swap3A = arith.constant 0 : i32
      %swap3A_159 = arith.constant 0 : i32
      %swap3A_160 = tpu.memref_slice %arg7[%scan3A, %swap3A, %swap3A_159] : memref<2x128x128xf32, #tpu.memory_space<vmem>> -> memref<1x128x128xf32, #tpu.memory_space<vmem>>
      %swap3A_161 = tpu.memref_squeeze %swap3A_160 : memref<1x128x128xf32, #tpu.memory_space<vmem>> -> memref<128x128xf32, #tpu.memory_space<vmem>>
      %swap3A_162 = arith.index_cast %scan3A_157 : i32 to index
      %swap3A_163 = arith.constant 0 : index
      %swap3A_164 = tpu.vector_load %swap3A_161[%swap3A_162, %swap3A_163] {strides = array<i32>} : memref<128x128xf32, #tpu.memory_space<vmem>>, vector<1x16xf32>,
      %swap3A_165 = vector.shape_cast %swap3A_164 : vector<1x16xf32> to vector<16xf32>
      %swap3A_166 = vector.shape_cast %broadcast_in_dim3A_0 : vector<16xf32> to vector<1x16xf32>
      tpu.vector_store %swap3A_161[%swap3A_162, %swap3A_163], %swap3A_166 {strides = array<i32>} : memref<128x128xf32, #tpu.memory_space<vmem>>, vector<1x16xf32>,
      %swap3A_167 = arith.constant 0 : i32
      %swap3A_168 = arith.constant 0 : i32
      %swap3A_169 = tpu.memref_slice %arg7[%scan3A, %swap3A_167, %swap3A_168] : memref<2x128x128xf32, #tpu.memory_space<vmem>> -> memref<1x128x128xf32, #tpu.memory_space<vmem>>
      %swap3A_170 = tpu.memref_squeeze %swap3A_169 : memref<1x128x128xf32, #tpu.memory_space<vmem>> -> memref<128x128xf32, #tpu.memory_space<vmem>>
      %swap3A_171 = arith.index_cast %scan3A_157 : i32 to index
      %swap3A_172 = arith.constant 16 : index
      %swap3A_173 = tpu.vector_load %swap3A_170[%swap3A_171, %swap3A_172] {strides = array<i32>} : memref<128x128xf32, #tpu.memory_space<vmem>>, vector<1x16xf32>,
      %swap3A_174 = vector.shape_cast %swap3A_173 : vector<1x16xf32> to vector<16xf32>
      %swap3A_175 = vector.shape_cast %broadcast_in_dim3A_0 : vector<16xf32> to vector<1x16xf32>
      tpu.vector_store %swap3A_170[%swap3A_171, %swap3A_172], %swap3A_175 {strides = array<i32>} : memref<128x128xf32, #tpu.memory_space<vmem>>, vector<1x16xf32>,
      %swap3A_176 = arith.constant 0 : i32
      %swap3A_177 = arith.constant 0 : i32
      %swap3A_178 = tpu.memref_slice %arg7[%scan3A, %swap3A_176, %swap3A_177] : memref<2x128x128xf32, #tpu.memory_space<vmem>> -> memref<1x128x128xf32, #tpu.memory_space<vmem>>
      %swap3A_179 = tpu.memref_squeeze %swap3A_178 : memref<1x128x128xf32, #tpu.memory_space<vmem>> -> memref<128x128xf32, #tpu.memory_space<vmem>>
      %swap3A_180 = arith.index_cast %scan3A_157 : i32 to index
      %swap3A_181 = arith.constant 32 : index
      %swap3A_182 = tpu.vector_load %swap3A_179[%swap3A_180, %swap3A_181] {strides = array<i32>} : memref<128x128xf32, #tpu.memory_space<vmem>>, vector<1x16xf32>,
      %swap3A_183 = vector.shape_cast %swap3A_182 : vector<1x16xf32> to vector<16xf32>
      %swap3A_184 = vector.shape_cast %broadcast_in_dim3A_0 : vector<16xf32> to vector<1x16xf32>
      tpu.vector_store %swap3A_179[%swap3A_180, %swap3A_181], %swap3A_184 {strides = array<i32>} : memref<128x128xf32, #tpu.memory_space<vmem>>, vector<1x16xf32>,
      %swap3A_185 = arith.constant 0 : i32
      %swap3A_186 = arith.constant 0 : i32
      %swap3A_187 = tpu.memref_slice %arg7[%scan3A, %swap3A_185, %swap3A_186] : memref<2x128x128xf32, #tpu.memory_space<vmem>> -> memref<1x128x128xf32, #tpu.memory_space<vmem>>
      %swap3A_188 = tpu.memref_squeeze %swap3A_187 : memref<1x128x128xf32, #tpu.memory_space<vmem>> -> memref<128x128xf32, #tpu.memory_space<vmem>>
      %swap3A_189 = arith.index_cast %scan3A_157 : i32 to index
      %swap3A_190 = arith.constant 48 : index
      %swap3A_191 = tpu.vector_load %swap3A_188[%swap3A_189, %swap3A_190] {strides = array<i32>} : memref<128x128xf32, #tpu.memory_space<vmem>>, vector<1x16xf32>,
      %swap3A_192 = vector.shape_cast %swap3A_191 : vector<1x16xf32> to vector<16xf32>
      %swap3A_193 = vector.shape_cast %broadcast_in_dim3A_0 : vector<16xf32> to vector<1x16xf32>
      tpu.vector_store %swap3A_188[%swap3A_189, %swap3A_190], %swap3A_193 {strides = array<i32>} : memref<128x128xf32, #tpu.memory_space<vmem>>, vector<1x16xf32>,
      %swap3A_194 = arith.constant 0 : i32
      %swap3A_195 = arith.constant 0 : i32
      %swap3A_196 = tpu.memref_slice %arg7[%scan3A, %swap3A_194, %swap3A_195] : memref<2x128x128xf32, #tpu.memory_space<vmem>> -> memref<1x128x128xf32, #tpu.memory_space<vmem>>
      %swap3A_197 = tpu.memref_squeeze %swap3A_196 : memref<1x128x128xf32, #tpu.memory_space<vmem>> -> memref<128x128xf32, #tpu.memory_space<vmem>>
      %swap3A_198 = arith.index_cast %scan3A_157 : i32 to index
      %swap3A_199 = arith.constant 64 : index
      %swap3A_200 = tpu.vector_load %swap3A_197[%swap3A_198, %swap3A_199] {strides = array<i32>} : memref<128x128xf32, #tpu.memory_space<vmem>>, vector<1x16xf32>,
      %swap3A_201 = vector.shape_cast %swap3A_200 : vector<1x16xf32> to vector<16xf32>
      %swap3A_202 = vector.shape_cast %broadcast_in_dim3A_0 : vector<16xf32> to vector<1x16xf32>
      tpu.vector_store %swap3A_197[%swap3A_198, %swap3A_199], %swap3A_202 {strides = array<i32>} : memref<128x128xf32, #tpu.memory_space<vmem>>, vector<1x16xf32>,
      %swap3A_203 = arith.constant 0 : i32
      %swap3A_204 = arith.constant 0 : i32
      %swap3A_205 = tpu.memref_slice %arg7[%scan3A, %swap3A_203, %swap3A_204] : memref<2x128x128xf32, #tpu.memory_space<vmem>> -> memref<1x128x128xf32, #tpu.memory_space<vmem>>
      %swap3A_206 = tpu.memref_squeeze %swap3A_205 : memref<1x128x128xf32, #tpu.memory_space<vmem>> -> memref<128x128xf32, #tpu.memory_space<vmem>>
      %swap3A_207 = arith.index_cast %scan3A_157 : i32 to index
      %swap3A_208 = arith.constant 80 : index
      %swap3A_209 = tpu.vector_load %swap3A_206[%swap3A_207, %swap3A_208] {strides = array<i32>} : memref<128x128xf32, #tpu.memory_space<vmem>>, vector<1x16xf32>,
      %swap3A_210 = vector.shape_cast %swap3A_209 : vector<1x16xf32> to vector<16xf32>
      %swap3A_211 = vector.shape_cast %broadcast_in_dim3A_0 : vector<16xf32> to vector<1x16xf32>
      tpu.vector_store %swap3A_206[%swap3A_207, %swap3A_208], %swap3A_211 {strides = array<i32>} : memref<128x128xf32, #tpu.memory_space<vmem>>, vector<1x16xf32>,
      %swap3A_212 = arith.constant 0 : i32
      %swap3A_213 = arith.constant 0 : i32
      %swap3A_214 = tpu.memref_slice %arg7[%scan3A, %swap3A_212, %swap3A_213] : memref<2x128x128xf32, #tpu.memory_space<vmem>> -> memref<1x128x128xf32, #tpu.memory_space<vmem>>
      %swap3A_215 = tpu.memref_squeeze %swap3A_214 : memref<1x128x128xf32, #tpu.memory_space<vmem>> -> memref<128x128xf32, #tpu.memory_space<vmem>>
      %swap3A_216 = arith.index_cast %scan3A_157 : i32 to index
      %swap3A_217 = arith.constant 96 : index
      %swap3A_218 = tpu.vector_load %swap3A_215[%swap3A_216, %swap3A_217] {strides = array<i32>} : memref<128x128xf32, #tpu.memory_space<vmem>>, vector<1x16xf32>,
      %swap3A_219 = vector.shape_cast %swap3A_218 : vector<1x16xf32> to vector<16xf32>
      %swap3A_220 = vector.shape_cast %broadcast_in_dim3A_0 : vector<16xf32> to vector<1x16xf32>
      tpu.vector_store %swap3A_215[%swap3A_216, %swap3A_217], %swap3A_220 {strides = array<i32>} : memref<128x128xf32, #tpu.memory_space<vmem>>, vector<1x16xf32>,
      %swap3A_221 = arith.constant 0 : i32
      %swap3A_222 = arith.constant 0 : i32
      %swap3A_223 = tpu.memref_slice %arg7[%scan3A, %swap3A_221, %swap3A_222] : memref<2x128x128xf32, #tpu.memory_space<vmem>> -> memref<1x128x128xf32, #tpu.memory_space<vmem>>
      %swap3A_224 = tpu.memref_squeeze %swap3A_223 : memref<1x128x128xf32, #tpu.memory_space<vmem>> -> memref<128x128xf32, #tpu.memory_space<vmem>>
      %swap3A_225 = arith.index_cast %scan3A_157 : i32 to index
      %swap3A_226 = arith.constant 112 : index
      %swap3A_227 = tpu.vector_load %swap3A_224[%swap3A_225, %swap3A_226] {strides = array<i32>} : memref<128x128xf32, #tpu.memory_space<vmem>>, vector<1x16xf32>,
      %swap3A_228 = vector.shape_cast %swap3A_227 : vector<1x16xf32> to vector<16xf32>
      %swap3A_229 = vector.shape_cast %broadcast_in_dim3A_0 : vector<16xf32> to vector<1x16xf32>
      tpu.vector_store %swap3A_224[%swap3A_225, %swap3A_226], %swap3A_229 {strides = array<i32>} : memref<128x128xf32, #tpu.memory_space<vmem>>, vector<1x16xf32>,
      %scan3A_230 = arith.constant 0 : i32
      scf.yield %scan3A_230 : i32
    }
    %scan3A_7 = arith.constant 128 : i32
    %mul3A = arith.constant 640 : i32
    %mul3A_8 = arith.muli %arg1, %mul3A : i32
    %add3A = arith.constant 0 : i32
    %add3A_9 = arith.addi %mul3A_8, %add3A : i32
    %run_scoped3A = arith.constant 0 : i32
    "tpu.region"() ({
      %run_scoped3A_157 = tpu.sem_alloc : memref<!tpu.dma_semaphore, #tpu.memory_space<semaphore_mem>>
      %dma_start3A_158 = arith.constant 0 : i32
      %dma_start3A_159 = arith.constant 0 : i32
      %dma_start3A_160 = tpu.memref_slice %arg7[%run_scoped3A, %dma_start3A_158, %dma_start3A_159] : memref<2x128x128xf32, #tpu.memory_space<vmem>> -> memref<1x128x128xf32, #tpu.memory_space<vmem>>
      %dma_start3A_161 = tpu.memref_squeeze %dma_start3A_160 : memref<1x128x128xf32, #tpu.memory_space<vmem>> -> memref<128x128xf32, #tpu.memory_space<vmem>>
      %dma_start3A_162 = arith.constant 0 : i32
      %dma_start3A_163 = tpu.memref_slice %arg10[%add3A_9, %dma_start3A_162] : memref<10240x128xf32, #tpu.memory_space<vmem_shared>> -> memref<128x128xf32, #tpu.memory_space<vmem_shared>>
      %dma_start3A_164 = arith.constant 0 : i32
      %dma_start3A_165 = tpu.memref_slice %arg10[%add3A_9, %dma_start3A_164] : memref<10240x128xf32, #tpu.memory_space<vmem_shared>> -> memref<128x128xf32, #tpu.memory_space<vmem_shared>>
      %dma_start3A_166 = arith.constant 0 : i32
      %dma_start3A_167 = arith.constant 0 : i32
      %dma_start3A_168 = tpu.memref_slice %arg7[%run_scoped3A, %dma_start3A_166, %dma_start3A_167] : memref<2x128x128xf32, #tpu.memory_space<vmem>> -> memref<1x128x128xf32, #tpu.memory_space<vmem>>
      %dma_start3A_169 = tpu.memref_squeeze %dma_start3A_168 : memref<1x128x128xf32, #tpu.memory_space<vmem>> -> memref<128x128xf32, #tpu.memory_space<vmem>>
      tpu.enqueue_dma source(%dma_start3A_169 : memref<128x128xf32, #tpu.memory_space<vmem>>) target(%dma_start3A_165 : memref<128x128xf32, #tpu.memory_space<vmem_shared>>) target_semaphore(%run_scoped3A_157 : memref<!tpu.dma_semaphore, #tpu.memory_space<semaphore_mem>>)
      %dma_wait3A_170 = arith.constant 0 : i32
      %dma_wait3A_171 = arith.constant 0 : i32
      %dma_wait3A_172 = tpu.memref_slice %arg7[%run_scoped3A, %dma_wait3A_170, %dma_wait3A_171] : memref<2x128x128xf32, #tpu.memory_space<vmem>> -> memref<1x128x128xf32, #tpu.memory_space<vmem>>
      %dma_wait3A_173 = tpu.memref_squeeze %dma_wait3A_172 : memref<1x128x128xf32, #tpu.memory_space<vmem>> -> memref<128x128xf32, #tpu.memory_space<vmem>>
      %dma_wait3A_174 = arith.constant 0 : i32
      %dma_wait3A_175 = tpu.memref_slice %arg10[%add3A_9, %dma_wait3A_174] : memref<10240x128xf32, #tpu.memory_space<vmem_shared>> -> memref<128x128xf32, #tpu.memory_space<vmem_shared>>
      %dma_wait3A_176 = arith.constant 0 : i32
      %dma_wait3A_177 = tpu.memref_slice %arg10[%add3A_9, %dma_wait3A_176] : memref<10240x128xf32, #tpu.memory_space<vmem_shared>> -> memref<128x128xf32, #tpu.memory_space<vmem_shared>>
      %dma_wait3A_178 = arith.constant 0 : i32
      %dma_wait3A_179 = arith.constant 0 : i32
      %dma_wait3A_180 = tpu.memref_slice %arg7[%run_scoped3A, %dma_wait3A_178, %dma_wait3A_179] : memref<2x128x128xf32, #tpu.memory_space<vmem>> -> memref<1x128x128xf32, #tpu.memory_space<vmem>>
      %dma_wait3A_181 = tpu.memref_squeeze %dma_wait3A_180 : memref<1x128x128xf32, #tpu.memory_space<vmem>> -> memref<128x128xf32, #tpu.memory_space<vmem>>
      tpu.wait_dma2 semaphore(%run_scoped3A_157 : memref<!tpu.dma_semaphore, #tpu.memory_space<semaphore_mem>>) src(%dma_wait3A_181 : memref<128x128xf32, #tpu.memory_space<vmem>>) dst(%dma_wait3A_177 : memref<128x128xf32, #tpu.memory_space<vmem_shared>>)
      tpu.yield
    }) : () -> ()
    %mul3A_10 = arith.constant 640 : i32
    %mul3A_11 = arith.muli %arg1, %mul3A_10 : i32
    %add3A_12 = arith.constant 128 : i32
    %add3A_13 = arith.addi %mul3A_11, %add3A_12 : i32
    %run_scoped3A_14 = arith.constant 0 : i32
    "tpu.region"() ({
      %run_scoped3A_157 = tpu.sem_alloc : memref<!tpu.dma_semaphore, #tpu.memory_space<semaphore_mem>>
      %dma_start3A_158 = arith.constant 0 : i32
      %dma_start3A_159 = arith.constant 0 : i32
      %dma_start3A_160 = tpu.memref_slice %arg7[%run_scoped3A_14, %dma_start3A_158, %dma_start3A_159] : memref<2x128x128xf32, #tpu.memory_space<vmem>> -> memref<1x128x128xf32, #tpu.memory_space<vmem>>
      %dma_start3A_161 = tpu.memref_squeeze %dma_start3A_160 : memref<1x128x128xf32, #tpu.memory_space<vmem>> -> memref<128x128xf32, #tpu.memory_space<vmem>>
      %dma_start3A_162 = arith.constant 0 : i32
      %dma_start3A_163 = tpu.memref_slice %arg10[%add3A_13, %dma_start3A_162] : memref<10240x128xf32, #tpu.memory_space<vmem_shared>> -> memref<128x128xf32, #tpu.memory_space<vmem_shared>>
      %dma_start3A_164 = arith.constant 0 : i32
      %dma_start3A_165 = tpu.memref_slice %arg10[%add3A_13, %dma_start3A_164] : memref<10240x128xf32, #tpu.memory_space<vmem_shared>> -> memref<128x128xf32, #tpu.memory_space<vmem_shared>>
      %dma_start3A_166 = arith.constant 0 : i32
      %dma_start3A_167 = arith.constant 0 : i32
      %dma_start3A_168 = tpu.memref_slice %arg7[%run_scoped3A_14, %dma_start3A_166, %dma_start3A_167] : memref<2x128x128xf32, #tpu.memory_space<vmem>> -> memref<1x128x128xf32, #tpu.memory_space<vmem>>
      %dma_start3A_169 = tpu.memref_squeeze %dma_start3A_168 : memref<1x128x128xf32, #tpu.memory_space<vmem>> -> memref<128x128xf32, #tpu.memory_space<vmem>>
      tpu.enqueue_dma source(%dma_start3A_169 : memref<128x128xf32, #tpu.memory_space<vmem>>) target(%dma_start3A_165 : memref<128x128xf32, #tpu.memory_space<vmem_shared>>) target_semaphore(%run_scoped3A_157 : memref<!tpu.dma_semaphore, #tpu.memory_space<semaphore_mem>>)
      %dma_wait3A_170 = arith.constant 0 : i32
      %dma_wait3A_171 = arith.constant 0 : i32
      %dma_wait3A_172 = tpu.memref_slice %arg7[%run_scoped3A_14, %dma_wait3A_170, %dma_wait3A_171] : memref<2x128x128xf32, #tpu.memory_space<vmem>> -> memref<1x128x128xf32, #tpu.memory_space<vmem>>
      %dma_wait3A_173 = tpu.memref_squeeze %dma_wait3A_172 : memref<1x128x128xf32, #tpu.memory_space<vmem>> -> memref<128x128xf32, #tpu.memory_space<vmem>>
      %dma_wait3A_174 = arith.constant 0 : i32
      %dma_wait3A_175 = tpu.memref_slice %arg10[%add3A_13, %dma_wait3A_174] : memref<10240x128xf32, #tpu.memory_space<vmem_shared>> -> memref<128x128xf32, #tpu.memory_space<vmem_shared>>
      %dma_wait3A_176 = arith.constant 0 : i32
      %dma_wait3A_177 = tpu.memref_slice %arg10[%add3A_13, %dma_wait3A_176] : memref<10240x128xf32, #tpu.memory_space<vmem_shared>> -> memref<128x128xf32, #tpu.memory_space<vmem_shared>>
      %dma_wait3A_178 = arith.constant 0 : i32
      %dma_wait3A_179 = arith.constant 0 : i32
      %dma_wait3A_180 = tpu.memref_slice %arg7[%run_scoped3A_14, %dma_wait3A_178, %dma_wait3A_179] : memref<2x128x128xf32, #tpu.memory_space<vmem>> -> memref<1x128x128xf32, #tpu.memory_space<vmem>>
      %dma_wait3A_181 = tpu.memref_squeeze %dma_wait3A_180 : memref<1x128x128xf32, #tpu.memory_space<vmem>> -> memref<128x128xf32, #tpu.memory_space<vmem>>
      tpu.wait_dma2 semaphore(%run_scoped3A_157 : memref<!tpu.dma_semaphore, #tpu.memory_space<semaphore_mem>>) src(%dma_wait3A_181 : memref<128x128xf32, #tpu.memory_space<vmem>>) dst(%dma_wait3A_177 : memref<128x128xf32, #tpu.memory_space<vmem_shared>>)
      tpu.yield
    }) : () -> ()
    %mul3A_15 = arith.constant 640 : i32
    %mul3A_16 = arith.muli %arg1, %mul3A_15 : i32
    %add3A_17 = arith.constant 256 : i32
    %add3A_18 = arith.addi %mul3A_16, %add3A_17 : i32
    %run_scoped3A_19 = arith.constant 0 : i32
    "tpu.region"() ({
      %run_scoped3A_157 = tpu.sem_alloc : memref<!tpu.dma_semaphore, #tpu.memory_space<semaphore_mem>>
      %dma_start3A_158 = arith.constant 0 : i32
      %dma_start3A_159 = arith.constant 0 : i32
      %dma_start3A_160 = tpu.memref_slice %arg7[%run_scoped3A_19, %dma_start3A_158, %dma_start3A_159] : memref<2x128x128xf32, #tpu.memory_space<vmem>> -> memref<1x128x128xf32, #tpu.memory_space<vmem>>
      %dma_start3A_161 = tpu.memref_squeeze %dma_start3A_160 : memref<1x128x128xf32, #tpu.memory_space<vmem>> -> memref<128x128xf32, #tpu.memory_space<vmem>>
      %dma_start3A_162 = arith.constant 0 : i32
      %dma_start3A_163 = tpu.memref_slice %arg10[%add3A_18, %dma_start3A_162] : memref<10240x128xf32, #tpu.memory_space<vmem_shared>> -> memref<128x128xf32, #tpu.memory_space<vmem_shared>>
      %dma_start3A_164 = arith.constant 0 : i32
      %dma_start3A_165 = tpu.memref_slice %arg10[%add3A_18, %dma_start3A_164] : memref<10240x128xf32, #tpu.memory_space<vmem_shared>> -> memref<128x128xf32, #tpu.memory_space<vmem_shared>>
      %dma_start3A_166 = arith.constant 0 : i32
      %dma_start3A_167 = arith.constant 0 : i32
      %dma_start3A_168 = tpu.memref_slice %arg7[%run_scoped3A_19, %dma_start3A_166, %dma_start3A_167] : memref<2x128x128xf32, #tpu.memory_space<vmem>> -> memref<1x128x128xf32, #tpu.memory_space<vmem>>
      %dma_start3A_169 = tpu.memref_squeeze %dma_start3A_168 : memref<1x128x128xf32, #tpu.memory_space<vmem>> -> memref<128x128xf32, #tpu.memory_space<vmem>>
      tpu.enqueue_dma source(%dma_start3A_169 : memref<128x128xf32, #tpu.memory_space<vmem>>) target(%dma_start3A_165 : memref<128x128xf32, #tpu.memory_space<vmem_shared>>) target_semaphore(%run_scoped3A_157 : memref<!tpu.dma_semaphore, #tpu.memory_space<semaphore_mem>>)
      %dma_wait3A_170 = arith.constant 0 : i32
      %dma_wait3A_171 = arith.constant 0 : i32
      %dma_wait3A_172 = tpu.memref_slice %arg7[%run_scoped3A_19, %dma_wait3A_170, %dma_wait3A_171] : memref<2x128x128xf32, #tpu.memory_space<vmem>> -> memref<1x128x128xf32, #tpu.memory_space<vmem>>
      %dma_wait3A_173 = tpu.memref_squeeze %dma_wait3A_172 : memref<1x128x128xf32, #tpu.memory_space<vmem>> -> memref<128x128xf32, #tpu.memory_space<vmem>>
      %dma_wait3A_174 = arith.constant 0 : i32
      %dma_wait3A_175 = tpu.memref_slice %arg10[%add3A_18, %dma_wait3A_174] : memref<10240x128xf32, #tpu.memory_space<vmem_shared>> -> memref<128x128xf32, #tpu.memory_space<vmem_shared>>
      %dma_wait3A_176 = arith.constant 0 : i32
      %dma_wait3A_177 = tpu.memref_slice %arg10[%add3A_18, %dma_wait3A_176] : memref<10240x128xf32, #tpu.memory_space<vmem_shared>> -> memref<128x128xf32, #tpu.memory_space<vmem_shared>>
      %dma_wait3A_178 = arith.constant 0 : i32
      %dma_wait3A_179 = arith.constant 0 : i32
      %dma_wait3A_180 = tpu.memref_slice %arg7[%run_scoped3A_19, %dma_wait3A_178, %dma_wait3A_179] : memref<2x128x128xf32, #tpu.memory_space<vmem>> -> memref<1x128x128xf32, #tpu.memory_space<vmem>>
      %dma_wait3A_181 = tpu.memref_squeeze %dma_wait3A_180 : memref<1x128x128xf32, #tpu.memory_space<vmem>> -> memref<128x128xf32, #tpu.memory_space<vmem>>
      tpu.wait_dma2 semaphore(%run_scoped3A_157 : memref<!tpu.dma_semaphore, #tpu.memory_space<semaphore_mem>>) src(%dma_wait3A_181 : memref<128x128xf32, #tpu.memory_space<vmem>>) dst(%dma_wait3A_177 : memref<128x128xf32, #tpu.memory_space<vmem_shared>>)
      tpu.yield
    }) : () -> ()
    %mul3A_20 = arith.constant 640 : i32
    %mul3A_21 = arith.muli %arg1, %mul3A_20 : i32
    %add3A_22 = arith.constant 384 : i32
    %add3A_23 = arith.addi %mul3A_21, %add3A_22 : i32
    %run_scoped3A_24 = arith.constant 0 : i32
    "tpu.region"() ({
      %run_scoped3A_157 = tpu.sem_alloc : memref<!tpu.dma_semaphore, #tpu.memory_space<semaphore_mem>>
      %dma_start3A_158 = arith.constant 0 : i32
      %dma_start3A_159 = arith.constant 0 : i32
      %dma_start3A_160 = tpu.memref_slice %arg7[%run_scoped3A_24, %dma_start3A_158, %dma_start3A_159] : memref<2x128x128xf32, #tpu.memory_space<vmem>> -> memref<1x128x128xf32, #tpu.memory_space<vmem>>
      %dma_start3A_161 = tpu.memref_squeeze %dma_start3A_160 : memref<1x128x128xf32, #tpu.memory_space<vmem>> -> memref<128x128xf32, #tpu.memory_space<vmem>>
      %dma_start3A_162 = arith.constant 0 : i32
      %dma_start3A_163 = tpu.memref_slice %arg10[%add3A_23, %dma_start3A_162] : memref<10240x128xf32, #tpu.memory_space<vmem_shared>> -> memref<128x128xf32, #tpu.memory_space<vmem_shared>>
      %dma_start3A_164 = arith.constant 0 : i32
      %dma_start3A_165 = tpu.memref_slice %arg10[%add3A_23, %dma_start3A_164] : memref<10240x128xf32, #tpu.memory_space<vmem_shared>> -> memref<128x128xf32, #tpu.memory_space<vmem_shared>>
      %dma_start3A_166 = arith.constant 0 : i32
      %dma_start3A_167 = arith.constant 0 : i32
      %dma_start3A_168 = tpu.memref_slice %arg7[%run_scoped3A_24, %dma_start3A_166, %dma_start3A_167] : memref<2x128x128xf32, #tpu.memory_space<vmem>> -> memref<1x128x128xf32, #tpu.memory_space<vmem>>
      %dma_start3A_169 = tpu.memref_squeeze %dma_start3A_168 : memref<1x128x128xf32, #tpu.memory_space<vmem>> -> memref<128x128xf32, #tpu.memory_space<vmem>>
      tpu.enqueue_dma source(%dma_start3A_169 : memref<128x128xf32, #tpu.memory_space<vmem>>) target(%dma_start3A_165 : memref<128x128xf32, #tpu.memory_space<vmem_shared>>) target_semaphore(%run_scoped3A_157 : memref<!tpu.dma_semaphore, #tpu.memory_space<semaphore_mem>>)
      %dma_wait3A_170 = arith.constant 0 : i32
      %dma_wait3A_171 = arith.constant 0 : i32
      %dma_wait3A_172 = tpu.memref_slice %arg7[%run_scoped3A_24, %dma_wait3A_170, %dma_wait3A_171] : memref<2x128x128xf32, #tpu.memory_space<vmem>> -> memref<1x128x128xf32, #tpu.memory_space<vmem>>
      %dma_wait3A_173 = tpu.memref_squeeze %dma_wait3A_172 : memref<1x128x128xf32, #tpu.memory_space<vmem>> -> memref<128x128xf32, #tpu.memory_space<vmem>>
      %dma_wait3A_174 = arith.constant 0 : i32
      %dma_wait3A_175 = tpu.memref_slice %arg10[%add3A_23, %dma_wait3A_174] : memref<10240x128xf32, #tpu.memory_space<vmem_shared>> -> memref<128x128xf32, #tpu.memory_space<vmem_shared>>
      %dma_wait3A_176 = arith.constant 0 : i32
      %dma_wait3A_177 = tpu.memref_slice %arg10[%add3A_23, %dma_wait3A_176] : memref<10240x128xf32, #tpu.memory_space<vmem_shared>> -> memref<128x128xf32, #tpu.memory_space<vmem_shared>>
      %dma_wait3A_178 = arith.constant 0 : i32
      %dma_wait3A_179 = arith.constant 0 : i32
      %dma_wait3A_180 = tpu.memref_slice %arg7[%run_scoped3A_24, %dma_wait3A_178, %dma_wait3A_179] : memref<2x128x128xf32, #tpu.memory_space<vmem>> -> memref<1x128x128xf32, #tpu.memory_space<vmem>>
      %dma_wait3A_181 = tpu.memref_squeeze %dma_wait3A_180 : memref<1x128x128xf32, #tpu.memory_space<vmem>> -> memref<128x128xf32, #tpu.memory_space<vmem>>
      tpu.wait_dma2 semaphore(%run_scoped3A_157 : memref<!tpu.dma_semaphore, #tpu.memory_space<semaphore_mem>>) src(%dma_wait3A_181 : memref<128x128xf32, #tpu.memory_space<vmem>>) dst(%dma_wait3A_177 : memref<128x128xf32, #tpu.memory_space<vmem_shared>>)
      tpu.yield
    }) : () -> ()
    %mul3A_25 = arith.constant 640 : i32
    %mul3A_26 = arith.muli %arg1, %mul3A_25 : i32
    %add3A_27 = arith.constant 512 : i32
    %add3A_28 = arith.addi %mul3A_26, %add3A_27 : i32
    %run_scoped3A_29 = arith.constant 0 : i32
    "tpu.region"() ({
      %run_scoped3A_157 = tpu.sem_alloc : memref<!tpu.dma_semaphore, #tpu.memory_space<semaphore_mem>>
      %dma_start3A_158 = arith.constant 0 : i32
      %dma_start3A_159 = arith.constant 0 : i32
      %dma_start3A_160 = tpu.memref_slice %arg7[%run_scoped3A_29, %dma_start3A_158, %dma_start3A_159] : memref<2x128x128xf32, #tpu.memory_space<vmem>> -> memref<1x128x128xf32, #tpu.memory_space<vmem>>
      %dma_start3A_161 = tpu.memref_squeeze %dma_start3A_160 : memref<1x128x128xf32, #tpu.memory_space<vmem>> -> memref<128x128xf32, #tpu.memory_space<vmem>>
      %dma_start3A_162 = arith.constant 0 : i32
      %dma_start3A_163 = tpu.memref_slice %arg10[%add3A_28, %dma_start3A_162] : memref<10240x128xf32, #tpu.memory_space<vmem_shared>> -> memref<128x128xf32, #tpu.memory_space<vmem_shared>>
      %dma_start3A_164 = arith.constant 0 : i32
      %dma_start3A_165 = tpu.memref_slice %arg10[%add3A_28, %dma_start3A_164] : memref<10240x128xf32, #tpu.memory_space<vmem_shared>> -> memref<128x128xf32, #tpu.memory_space<vmem_shared>>
      %dma_start3A_166 = arith.constant 0 : i32
      %dma_start3A_167 = arith.constant 0 : i32
      %dma_start3A_168 = tpu.memref_slice %arg7[%run_scoped3A_29, %dma_start3A_166, %dma_start3A_167] : memref<2x128x128xf32, #tpu.memory_space<vmem>> -> memref<1x128x128xf32, #tpu.memory_space<vmem>>
      %dma_start3A_169 = tpu.memref_squeeze %dma_start3A_168 : memref<1x128x128xf32, #tpu.memory_space<vmem>> -> memref<128x128xf32, #tpu.memory_space<vmem>>
      tpu.enqueue_dma source(%dma_start3A_169 : memref<128x128xf32, #tpu.memory_space<vmem>>) target(%dma_start3A_165 : memref<128x128xf32, #tpu.memory_space<vmem_shared>>) target_semaphore(%run_scoped3A_157 : memref<!tpu.dma_semaphore, #tpu.memory_space<semaphore_mem>>)
      %dma_wait3A_170 = arith.constant 0 : i32
      %dma_wait3A_171 = arith.constant 0 : i32
      %dma_wait3A_172 = tpu.memref_slice %arg7[%run_scoped3A_29, %dma_wait3A_170, %dma_wait3A_171] : memref<2x128x128xf32, #tpu.memory_space<vmem>> -> memref<1x128x128xf32, #tpu.memory_space<vmem>>
      %dma_wait3A_173 = tpu.memref_squeeze %dma_wait3A_172 : memref<1x128x128xf32, #tpu.memory_space<vmem>> -> memref<128x128xf32, #tpu.memory_space<vmem>>
      %dma_wait3A_174 = arith.constant 0 : i32
      %dma_wait3A_175 = tpu.memref_slice %arg10[%add3A_28, %dma_wait3A_174] : memref<10240x128xf32, #tpu.memory_space<vmem_shared>> -> memref<128x128xf32, #tpu.memory_space<vmem_shared>>
      %dma_wait3A_176 = arith.constant 0 : i32
      %dma_wait3A_177 = tpu.memref_slice %arg10[%add3A_28, %dma_wait3A_176] : memref<10240x128xf32, #tpu.memory_space<vmem_shared>> -> memref<128x128xf32, #tpu.memory_space<vmem_shared>>
      %dma_wait3A_178 = arith.constant 0 : i32
      %dma_wait3A_179 = arith.constant 0 : i32
      %dma_wait3A_180 = tpu.memref_slice %arg7[%run_scoped3A_29, %dma_wait3A_178, %dma_wait3A_179] : memref<2x128x128xf32, #tpu.memory_space<vmem>> -> memref<1x128x128xf32, #tpu.memory_space<vmem>>
      %dma_wait3A_181 = tpu.memref_squeeze %dma_wait3A_180 : memref<1x128x128xf32, #tpu.memory_space<vmem>> -> memref<128x128xf32, #tpu.memory_space<vmem>>
      tpu.wait_dma2 semaphore(%run_scoped3A_157 : memref<!tpu.dma_semaphore, #tpu.memory_space<semaphore_mem>>) src(%dma_wait3A_181 : memref<128x128xf32, #tpu.memory_space<vmem>>) dst(%dma_wait3A_177 : memref<128x128xf32, #tpu.memory_space<vmem_shared>>)
      tpu.yield
    }) : () -> ()
    %barrier3A = arith.constant 0 : index
    tpu.barrier barrier_id(%barrier3A)
    %run_scoped3A_30 = arith.constant 0 : i32
    "tpu.region"() ({
      %run_scoped3A_157 = tpu.sem_alloc : memref<!tpu.dma_semaphore, #tpu.memory_space<semaphore_mem>>
      %dma_start3A_158 = arith.constant 0 : i32
      %dma_start3A_159 = arith.constant 0 : i32
      %dma_start3A_160 = tpu.memref_slice %arg3[%run_scoped3A_30, %arg0, %arg1, %dma_start3A_158, %dma_start3A_159] : memref<2x2x16x80x128xi32, #tpu.memory_space<hbm>> -> memref<1x1x1x40x128xi32, #tpu.memory_space<hbm>>
      %dma_start3A_161 = tpu.memref_squeeze %dma_start3A_160 : memref<1x1x1x40x128xi32, #tpu.memory_space<hbm>> -> memref<40x128xi32, #tpu.memory_space<hbm>>
      %dma_start3A_162 = arith.constant 0 : i32
      %dma_start3A_163 = arith.constant 0 : i32
      %dma_start3A_164 = tpu.memref_slice %arg3[%run_scoped3A_30, %arg0, %arg1, %dma_start3A_162, %dma_start3A_163] : memref<2x2x16x80x128xi32, #tpu.memory_space<hbm>> -> memref<1x1x1x40x128xi32, #tpu.memory_space<hbm>>
      %dma_start3A_165 = tpu.memref_squeeze %dma_start3A_164 : memref<1x1x1x40x128xi32, #tpu.memory_space<hbm>> -> memref<40x128xi32, #tpu.memory_space<hbm>>
      tpu.enqueue_dma source(%dma_start3A_165 : memref<40x128xi32, #tpu.memory_space<hbm>>) target(%arg5 : memref<40x128xi32, #tpu.memory_space<vmem>>) target_semaphore(%run_scoped3A_157 : memref<!tpu.dma_semaphore, #tpu.memory_space<semaphore_mem>>)
      %dma_wait3A_166 = arith.constant 0 : i32
      %dma_wait3A_167 = arith.constant 0 : i32
      %dma_wait3A_168 = tpu.memref_slice %arg3[%run_scoped3A_30, %arg0, %arg1, %dma_wait3A_166, %dma_wait3A_167] : memref<2x2x16x80x128xi32, #tpu.memory_space<hbm>> -> memref<1x1x1x40x128xi32, #tpu.memory_space<hbm>>
      %dma_wait3A_169 = tpu.memref_squeeze %dma_wait3A_168 : memref<1x1x1x40x128xi32, #tpu.memory_space<hbm>> -> memref<40x128xi32, #tpu.memory_space<hbm>>
      %dma_wait3A_170 = arith.constant 0 : i32
      %dma_wait3A_171 = arith.constant 0 : i32
      %dma_wait3A_172 = tpu.memref_slice %arg3[%run_scoped3A_30, %arg0, %arg1, %dma_wait3A_170, %dma_wait3A_171] : memref<2x2x16x80x128xi32, #tpu.memory_space<hbm>> -> memref<1x1x1x40x128xi32, #tpu.memory_space<hbm>>
      %dma_wait3A_173 = tpu.memref_squeeze %dma_wait3A_172 : memref<1x1x1x40x128xi32, #tpu.memory_space<hbm>> -> memref<40x128xi32, #tpu.memory_space<hbm>>
      tpu.wait_dma2 semaphore(%run_scoped3A_157 : memref<!tpu.dma_semaphore, #tpu.memory_space<semaphore_mem>>) src(%dma_wait3A_173 : memref<40x128xi32, #tpu.memory_space<hbm>>) dst(%arg5 : memref<40x128xi32, #tpu.memory_space<vmem>>)
      tpu.yield
    }) : () -> ()
    %run_scoped3A_31 = arith.constant 1 : i32
    "tpu.region"() ({
      %run_scoped3A_157 = tpu.sem_alloc : memref<!tpu.dma_semaphore, #tpu.memory_space<semaphore_mem>>
      %dma_start3A_158 = arith.constant 0 : i32
      %dma_start3A_159 = arith.constant 0 : i32
      %dma_start3A_160 = tpu.memref_slice %arg3[%run_scoped3A_31, %arg0, %arg1, %dma_start3A_158, %dma_start3A_159] : memref<2x2x16x80x128xi32, #tpu.memory_space<hbm>> -> memref<1x1x1x40x128xi32, #tpu.memory_space<hbm>>
      %dma_start3A_161 = tpu.memref_squeeze %dma_start3A_160 : memref<1x1x1x40x128xi32, #tpu.memory_space<hbm>> -> memref<40x128xi32, #tpu.memory_space<hbm>>
      %dma_start3A_162 = arith.constant 0 : i32
      %dma_start3A_163 = arith.constant 0 : i32
      %dma_start3A_164 = tpu.memref_slice %arg3[%run_scoped3A_31, %arg0, %arg1, %dma_start3A_162, %dma_start3A_163] : memref<2x2x16x80x128xi32, #tpu.memory_space<hbm>> -> memref<1x1x1x40x128xi32, #tpu.memory_space<hbm>>
      %dma_start3A_165 = tpu.memref_squeeze %dma_start3A_164 : memref<1x1x1x40x128xi32, #tpu.memory_space<hbm>> -> memref<40x128xi32, #tpu.memory_space<hbm>>
      tpu.enqueue_dma source(%dma_start3A_165 : memref<40x128xi32, #tpu.memory_space<hbm>>) target(%arg6 : memref<40x128xi32, #tpu.memory_space<vmem>>) target_semaphore(%run_scoped3A_157 : memref<!tpu.dma_semaphore, #tpu.memory_space<semaphore_mem>>)
      %dma_wait3A_166 = arith.constant 0 : i32
      %dma_wait3A_167 = arith.constant 0 : i32
      %dma_wait3A_168 = tpu.memref_slice %arg3[%run_scoped3A_31, %arg0, %arg1, %dma_wait3A_166, %dma_wait3A_167] : memref<2x2x16x80x128xi32, #tpu.memory_space<hbm>> -> memref<1x1x1x40x128xi32, #tpu.memory_space<hbm>>
      %dma_wait3A_169 = tpu.memref_squeeze %dma_wait3A_168 : memref<1x1x1x40x128xi32, #tpu.memory_space<hbm>> -> memref<40x128xi32, #tpu.memory_space<hbm>>
      %dma_wait3A_170 = arith.constant 0 : i32
      %dma_wait3A_171 = arith.constant 0 : i32
      %dma_wait3A_172 = tpu.memref_slice %arg3[%run_scoped3A_31, %arg0, %arg1, %dma_wait3A_170, %dma_wait3A_171] : memref<2x2x16x80x128xi32, #tpu.memory_space<hbm>> -> memref<1x1x1x40x128xi32, #tpu.memory_space<hbm>>
      %dma_wait3A_173 = tpu.memref_squeeze %dma_wait3A_172 : memref<1x1x1x40x128xi32, #tpu.memory_space<hbm>> -> memref<40x128xi32, #tpu.memory_space<hbm>>
      tpu.wait_dma2 semaphore(%run_scoped3A_157 : memref<!tpu.dma_semaphore, #tpu.memory_space<semaphore_mem>>) src(%dma_wait3A_173 : memref<40x128xi32, #tpu.memory_space<hbm>>) dst(%arg6 : memref<40x128xi32, #tpu.memory_space<vmem>>)
      tpu.yield
    }) : () -> ()
    %dma_start3A = arith.constant 0 : i32
    %dma_start3A_32 = arith.constant 0 : i32
    %dma_start3A_33 = arith.constant 0 : i32
    %dma_start3A_34 = arith.constant 0 : i32
    %dma_start3A_35 = tpu.memref_slice %arg7[%dma_start3A_32, %dma_start3A_33, %dma_start3A_34] : memref<2x128x128xf32, #tpu.memory_space<vmem>> -> memref<1x128x128xf32, #tpu.memory_space<vmem>>
    %dma_start3A_36 = tpu.memref_squeeze %dma_start3A_35 : memref<1x128x128xf32, #tpu.memory_space<vmem>> -> memref<128x128xf32, #tpu.memory_space<vmem>>
    %dma_start3A_37 = arith.constant 0 : i32
    %dma_start3A_38 = tpu.memref_slice %arg5[%dma_start3A, %dma_start3A_37] : memref<40x128xi32, #tpu.memory_space<vmem>> -> memref<1x128xi32, #tpu.memory_space<vmem>>
    %dma_start3A_39 = tpu.memref_squeeze %dma_start3A_38 : memref<1x128xi32, #tpu.memory_space<vmem>> -> memref<128xi32, #tpu.memory_space<vmem>>
    %dma_start3A_40 = arith.constant 0 : i32
    %dma_start3A_41 = arith.constant 0 : i32
    %dma_start3A_42 = tpu.memref_slice %arg2[%dma_start3A_40, %dma_start3A_41] : memref<10240x128xf32, #tpu.memory_space<hbm>> -> memref<10240x128xf32, #tpu.memory_space<hbm>>
    tpu.enqueue_indirect_dma source(%dma_start3A_42 : memref<10240x128xf32, #tpu.memory_space<hbm>>) target(%dma_start3A_36 : memref<128x128xf32, #tpu.memory_space<vmem>>) offsets(%dma_start3A_39 : memref<128xi32, #tpu.memory_space<vmem>>) semaphore(%arg8 : memref<!tpu.dma_semaphore, #tpu.memory_space<semaphore_mem>>)
    %dma_start3A_43 = arith.constant 1 : i32
    %dma_start3A_44 = arith.constant 1 : i32
    %dma_start3A_45 = arith.constant 0 : i32
    %dma_start3A_46 = arith.constant 0 : i32
    %dma_start3A_47 = tpu.memref_slice %arg7[%dma_start3A_44, %dma_start3A_45, %dma_start3A_46] : memref<2x128x128xf32, #tpu.memory_space<vmem>> -> memref<1x128x128xf32, #tpu.memory_space<vmem>>
    %dma_start3A_48 = tpu.memref_squeeze %dma_start3A_47 : memref<1x128x128xf32, #tpu.memory_space<vmem>> -> memref<128x128xf32, #tpu.memory_space<vmem>>
    %dma_start3A_49 = arith.constant 0 : i32
    %dma_start3A_50 = tpu.memref_slice %arg5[%dma_start3A_43, %dma_start3A_49] : memref<40x128xi32, #tpu.memory_space<vmem>> -> memref<1x128xi32, #tpu.memory_space<vmem>>
    %dma_start3A_51 = tpu.memref_squeeze %dma_start3A_50 : memref<1x128xi32, #tpu.memory_space<vmem>> -> memref<128xi32, #tpu.memory_space<vmem>>
    %dma_start3A_52 = arith.constant 0 : i32
    %dma_start3A_53 = arith.constant 0 : i32
    %dma_start3A_54 = tpu.memref_slice %arg2[%dma_start3A_52, %dma_start3A_53] : memref<10240x128xf32, #tpu.memory_space<hbm>> -> memref<10240x128xf32, #tpu.memory_space<hbm>>
    tpu.enqueue_indirect_dma source(%dma_start3A_54 : memref<10240x128xf32, #tpu.memory_space<hbm>>) target(%dma_start3A_48 : memref<128x128xf32, #tpu.memory_space<vmem>>) offsets(%dma_start3A_51 : memref<128xi32, #tpu.memory_space<vmem>>) semaphore(%arg9 : memref<!tpu.dma_semaphore, #tpu.memory_space<semaphore_mem>>)
    %scan3A_55 = arith.constant 0 : i32
    %scan3A_56 = arith.constant 1 : i32
    %scan3A_57 = arith.constant 0 : i32
    %scan3A_58 = arith.constant 0 : i32
    %scan3A_59 = arith.constant 19 : i32
    %scan3A_60 = arith.addi %scan3A_58, %scan3A_59 : i32
    %scan3A_61 = arith.constant 1 : i32
    %scan3A_62 = scf.for %scan3A_157 = %scan3A_58 to %scan3A_60 step %scan3A_61 iter_args(%scan3A_158 = %scan3A_57) -> (i32)  : i32 {
      %mul3A_159 = arith.constant 2 : i32
      %mul3A_160 = arith.muli %scan3A_157, %mul3A_159 : i32
      %add3A_161 = arith.constant 0 : i32
      %add3A_162 = arith.addi %mul3A_160, %add3A_161 : i32
      %dma_wait3A_163 = arith.constant 0 : i32
      %dma_wait3A_164 = arith.constant 0 : i32
      %dma_wait3A_165 = tpu.memref_slice %arg7[%scan3A_55, %dma_wait3A_163, %dma_wait3A_164] : memref<2x128x128xf32, #tpu.memory_space<vmem>> -> memref<1x128x128xf32, #tpu.memory_space<vmem>>
      %dma_wait3A_166 = tpu.memref_squeeze %dma_wait3A_165 : memref<1x128x128xf32, #tpu.memory_space<vmem>> -> memref<128x128xf32, #tpu.memory_space<vmem>>
      %dma_wait3A_167 = arith.constant 0 : i32
      %dma_wait3A_168 = tpu.memref_slice %arg5[%add3A_162, %dma_wait3A_167] : memref<40x128xi32, #tpu.memory_space<vmem>> -> memref<1x128xi32, #tpu.memory_space<vmem>>
      %dma_wait3A_169 = tpu.memref_squeeze %dma_wait3A_168 : memref<1x128xi32, #tpu.memory_space<vmem>> -> memref<128xi32, #tpu.memory_space<vmem>>
      %dma_wait3A_170 = arith.constant 0 : i32
      %dma_wait3A_171 = arith.constant 0 : i32
      %dma_wait3A_172 = tpu.memref_slice %arg2[%dma_wait3A_170, %dma_wait3A_171] : memref<10240x128xf32, #tpu.memory_space<hbm>> -> memref<10240x128xf32, #tpu.memory_space<hbm>>
      tpu.wait_indirect_dma semaphore(%arg8 : memref<!tpu.dma_semaphore, #tpu.memory_space<semaphore_mem>>) src(%dma_wait3A_172 : memref<10240x128xf32, #tpu.memory_space<hbm>>) dst(%dma_wait3A_166 : memref<128x128xf32, #tpu.memory_space<vmem>>)
      "tpu.region"() ({
        %run_scoped3A_212 = tpu.sem_alloc : memref<!tpu.dma_semaphore, #tpu.memory_space<semaphore_mem>>
        %dma_start3A_213 = arith.constant 0 : i32
        %dma_start3A_214 = arith.constant 0 : i32
        %dma_start3A_215 = tpu.memref_slice %arg7[%scan3A_55, %dma_start3A_213, %dma_start3A_214] : memref<2x128x128xf32, #tpu.memory_space<vmem>> -> memref<1x128x128xf32, #tpu.memory_space<vmem>>
        %dma_start3A_216 = tpu.memref_squeeze %dma_start3A_215 : memref<1x128x128xf32, #tpu.memory_space<vmem>> -> memref<128x128xf32, #tpu.memory_space<vmem>>
        %dma_start3A_217 = arith.constant 0 : i32
        %dma_start3A_218 = tpu.memref_slice %arg6[%add3A_162, %dma_start3A_217] : memref<40x128xi32, #tpu.memory_space<vmem>> -> memref<1x128xi32, #tpu.memory_space<vmem>>
        %dma_start3A_219 = tpu.memref_squeeze %dma_start3A_218 : memref<1x128xi32, #tpu.memory_space<vmem>> -> memref<128xi32, #tpu.memory_space<vmem>>
        %dma_start3A_220 = arith.constant 0 : i32
        %dma_start3A_221 = arith.constant 0 : i32
        %dma_start3A_222 = tpu.memref_slice %arg10[%dma_start3A_220, %dma_start3A_221] : memref<10240x128xf32, #tpu.memory_space<vmem_shared>> -> memref<10240x128xf32, #tpu.memory_space<vmem_shared>>
        tpu.enqueue_indirect_dma source(%dma_start3A_216 : memref<128x128xf32, #tpu.memory_space<vmem>>) target(%dma_start3A_222 : memref<10240x128xf32, #tpu.memory_space<vmem_shared>>) offsets(%dma_start3A_219 : memref<128xi32, #tpu.memory_space<vmem>>) semaphore(%run_scoped3A_212 : memref<!tpu.dma_semaphore, #tpu.memory_space<semaphore_mem>>) {add = true}
        %dma_wait3A_223 = arith.constant 0 : i32
        %dma_wait3A_224 = arith.constant 0 : i32
        %dma_wait3A_225 = tpu.memref_slice %arg7[%scan3A_55, %dma_wait3A_223, %dma_wait3A_224] : memref<2x128x128xf32, #tpu.memory_space<vmem>> -> memref<1x128x128xf32, #tpu.memory_space<vmem>>
        %dma_wait3A_226 = tpu.memref_squeeze %dma_wait3A_225 : memref<1x128x128xf32, #tpu.memory_space<vmem>> -> memref<128x128xf32, #tpu.memory_space<vmem>>
        %dma_wait3A_227 = arith.constant 0 : i32
        %dma_wait3A_228 = tpu.memref_slice %arg6[%add3A_162, %dma_wait3A_227] : memref<40x128xi32, #tpu.memory_space<vmem>> -> memref<1x128xi32, #tpu.memory_space<vmem>>
        %dma_wait3A_229 = tpu.memref_squeeze %dma_wait3A_228 : memref<1x128xi32, #tpu.memory_space<vmem>> -> memref<128xi32, #tpu.memory_space<vmem>>
        %dma_wait3A_230 = arith.constant 0 : i32
        %dma_wait3A_231 = arith.constant 0 : i32
        %dma_wait3A_232 = tpu.memref_slice %arg10[%dma_wait3A_230, %dma_wait3A_231] : memref<10240x128xf32, #tpu.memory_space<vmem_shared>> -> memref<10240x128xf32, #tpu.memory_space<vmem_shared>>
        tpu.wait_indirect_dma semaphore(%run_scoped3A_212 : memref<!tpu.dma_semaphore, #tpu.memory_space<semaphore_mem>>) src(%dma_wait3A_226 : memref<128x128xf32, #tpu.memory_space<vmem>>) dst(%dma_wait3A_232 : memref<10240x128xf32, #tpu.memory_space<vmem_shared>>)
        tpu.yield
      }) : () -> ()
      %add3A_173 = arith.constant 2 : i32
      %add3A_174 = arith.addi %add3A_162, %add3A_173 : i32
      %dma_start3A_175 = arith.constant 0 : i32
      %dma_start3A_176 = arith.constant 0 : i32
      %dma_start3A_177 = tpu.memref_slice %arg7[%scan3A_55, %dma_start3A_175, %dma_start3A_176] : memref<2x128x128xf32, #tpu.memory_space<vmem>> -> memref<1x128x128xf32, #tpu.memory_space<vmem>>
      %dma_start3A_178 = tpu.memref_squeeze %dma_start3A_177 : memref<1x128x128xf32, #tpu.memory_space<vmem>> -> memref<128x128xf32, #tpu.memory_space<vmem>>
      %dma_start3A_179 = arith.constant 0 : i32
      %dma_start3A_180 = tpu.memref_slice %arg5[%add3A_174, %dma_start3A_179] : memref<40x128xi32, #tpu.memory_space<vmem>> -> memref<1x128xi32, #tpu.memory_space<vmem>>
      %dma_start3A_181 = tpu.memref_squeeze %dma_start3A_180 : memref<1x128xi32, #tpu.memory_space<vmem>> -> memref<128xi32, #tpu.memory_space<vmem>>
      %dma_start3A_182 = arith.constant 0 : i32
      %dma_start3A_183 = arith.constant 0 : i32
      %dma_start3A_184 = tpu.memref_slice %arg2[%dma_start3A_182, %dma_start3A_183] : memref<10240x128xf32, #tpu.memory_space<hbm>> -> memref<10240x128xf32, #tpu.memory_space<hbm>>
      tpu.enqueue_indirect_dma source(%dma_start3A_184 : memref<10240x128xf32, #tpu.memory_space<hbm>>) target(%dma_start3A_178 : memref<128x128xf32, #tpu.memory_space<vmem>>) offsets(%dma_start3A_181 : memref<128xi32, #tpu.memory_space<vmem>>) semaphore(%arg8 : memref<!tpu.dma_semaphore, #tpu.memory_space<semaphore_mem>>)
      %mul3A_185 = arith.constant 2 : i32
      %mul3A_186 = arith.muli %scan3A_157, %mul3A_185 : i32
      %add3A_187 = arith.constant 1 : i32
      %add3A_188 = arith.addi %mul3A_186, %add3A_187 : i32
      %dma_wait3A_189 = arith.constant 0 : i32
      %dma_wait3A_190 = arith.constant 0 : i32
      %dma_wait3A_191 = tpu.memref_slice %arg7[%scan3A_56, %dma_wait3A_189, %dma_wait3A_190] : memref<2x128x128xf32, #tpu.memory_space<vmem>> -> memref<1x128x128xf32, #tpu.memory_space<vmem>>
      %dma_wait3A_192 = tpu.memref_squeeze %dma_wait3A_191 : memref<1x128x128xf32, #tpu.memory_space<vmem>> -> memref<128x128xf32, #tpu.memory_space<vmem>>
      %dma_wait3A_193 = arith.constant 0 : i32
      %dma_wait3A_194 = tpu.memref_slice %arg5[%add3A_188, %dma_wait3A_193] : memref<40x128xi32, #tpu.memory_space<vmem>> -> memref<1x128xi32, #tpu.memory_space<vmem>>
      %dma_wait3A_195 = tpu.memref_squeeze %dma_wait3A_194 : memref<1x128xi32, #tpu.memory_space<vmem>> -> memref<128xi32, #tpu.memory_space<vmem>>
      %dma_wait3A_196 = arith.constant 0 : i32
      %dma_wait3A_197 = arith.constant 0 : i32
      %dma_wait3A_198 = tpu.memref_slice %arg2[%dma_wait3A_196, %dma_wait3A_197] : memref<10240x128xf32, #tpu.memory_space<hbm>> -> memref<10240x128xf32, #tpu.memory_space<hbm>>
      tpu.wait_indirect_dma semaphore(%arg9 : memref<!tpu.dma_semaphore, #tpu.memory_space<semaphore_mem>>) src(%dma_wait3A_198 : memref<10240x128xf32, #tpu.memory_space<hbm>>) dst(%dma_wait3A_192 : memref<128x128xf32, #tpu.memory_space<vmem>>)
      "tpu.region"() ({
        %run_scoped3A_212 = tpu.sem_alloc : memref<!tpu.dma_semaphore, #tpu.memory_space<semaphore_mem>>
        %dma_start3A_213 = arith.constant 0 : i32
        %dma_start3A_214 = arith.constant 0 : i32
        %dma_start3A_215 = tpu.memref_slice %arg7[%scan3A_56, %dma_start3A_213, %dma_start3A_214] : memref<2x128x128xf32, #tpu.memory_space<vmem>> -> memref<1x128x128xf32, #tpu.memory_space<vmem>>
        %dma_start3A_216 = tpu.memref_squeeze %dma_start3A_215 : memref<1x128x128xf32, #tpu.memory_space<vmem>> -> memref<128x128xf32, #tpu.memory_space<vmem>>
        %dma_start3A_217 = arith.constant 0 : i32
        %dma_start3A_218 = tpu.memref_slice %arg6[%add3A_188, %dma_start3A_217] : memref<40x128xi32, #tpu.memory_space<vmem>> -> memref<1x128xi32, #tpu.memory_space<vmem>>
        %dma_start3A_219 = tpu.memref_squeeze %dma_start3A_218 : memref<1x128xi32, #tpu.memory_space<vmem>> -> memref<128xi32, #tpu.memory_space<vmem>>
        %dma_start3A_220 = arith.constant 0 : i32
        %dma_start3A_221 = arith.constant 0 : i32
        %dma_start3A_222 = tpu.memref_slice %arg10[%dma_start3A_220, %dma_start3A_221] : memref<10240x128xf32, #tpu.memory_space<vmem_shared>> -> memref<10240x128xf32, #tpu.memory_space<vmem_shared>>
        tpu.enqueue_indirect_dma source(%dma_start3A_216 : memref<128x128xf32, #tpu.memory_space<vmem>>) target(%dma_start3A_222 : memref<10240x128xf32, #tpu.memory_space<vmem_shared>>) offsets(%dma_start3A_219 : memref<128xi32, #tpu.memory_space<vmem>>) semaphore(%run_scoped3A_212 : memref<!tpu.dma_semaphore, #tpu.memory_space<semaphore_mem>>) {add = true}
        %dma_wait3A_223 = arith.constant 0 : i32
        %dma_wait3A_224 = arith.constant 0 : i32
        %dma_wait3A_225 = tpu.memref_slice %arg7[%scan3A_56, %dma_wait3A_223, %dma_wait3A_224] : memref<2x128x128xf32, #tpu.memory_space<vmem>> -> memref<1x128x128xf32, #tpu.memory_space<vmem>>
        %dma_wait3A_226 = tpu.memref_squeeze %dma_wait3A_225 : memref<1x128x128xf32, #tpu.memory_space<vmem>> -> memref<128x128xf32, #tpu.memory_space<vmem>>
        %dma_wait3A_227 = arith.constant 0 : i32
        %dma_wait3A_228 = tpu.memref_slice %arg6[%add3A_188, %dma_wait3A_227] : memref<40x128xi32, #tpu.memory_space<vmem>> -> memref<1x128xi32, #tpu.memory_space<vmem>>
        %dma_wait3A_229 = tpu.memref_squeeze %dma_wait3A_228 : memref<1x128xi32, #tpu.memory_space<vmem>> -> memref<128xi32, #tpu.memory_space<vmem>>
        %dma_wait3A_230 = arith.constant 0 : i32
        %dma_wait3A_231 = arith.constant 0 : i32
        %dma_wait3A_232 = tpu.memref_slice %arg10[%dma_wait3A_230, %dma_wait3A_231] : memref<10240x128xf32, #tpu.memory_space<vmem_shared>> -> memref<10240x128xf32, #tpu.memory_space<vmem_shared>>
        tpu.wait_indirect_dma semaphore(%run_scoped3A_212 : memref<!tpu.dma_semaphore, #tpu.memory_space<semaphore_mem>>) src(%dma_wait3A_226 : memref<128x128xf32, #tpu.memory_space<vmem>>) dst(%dma_wait3A_232 : memref<10240x128xf32, #tpu.memory_space<vmem_shared>>)
        tpu.yield
      }) : () -> ()
      %add3A_199 = arith.constant 2 : i32
      %add3A_200 = arith.addi %add3A_188, %add3A_199 : i32
      %dma_start3A_201 = arith.constant 0 : i32
      %dma_start3A_202 = arith.constant 0 : i32
      %dma_start3A_203 = tpu.memref_slice %arg7[%scan3A_56, %dma_start3A_201, %dma_start3A_202] : memref<2x128x128xf32, #tpu.memory_space<vmem>> -> memref<1x128x128xf32, #tpu.memory_space<vmem>>
      %dma_start3A_204 = tpu.memref_squeeze %dma_start3A_203 : memref<1x128x128xf32, #tpu.memory_space<vmem>> -> memref<128x128xf32, #tpu.memory_space<vmem>>
      %dma_start3A_205 = arith.constant 0 : i32
      %dma_start3A_206 = tpu.memref_slice %arg5[%add3A_200, %dma_start3A_205] : memref<40x128xi32, #tpu.memory_space<vmem>> -> memref<1x128xi32, #tpu.memory_space<vmem>>
      %dma_start3A_207 = tpu.memref_squeeze %dma_start3A_206 : memref<1x128xi32, #tpu.memory_space<vmem>> -> memref<128xi32, #tpu.memory_space<vmem>>
      %dma_start3A_208 = arith.constant 0 : i32
      %dma_start3A_209 = arith.constant 0 : i32
      %dma_start3A_210 = tpu.memref_slice %arg2[%dma_start3A_208, %dma_start3A_209] : memref<10240x128xf32, #tpu.memory_space<hbm>> -> memref<10240x128xf32, #tpu.memory_space<hbm>>
      tpu.enqueue_indirect_dma source(%dma_start3A_210 : memref<10240x128xf32, #tpu.memory_space<hbm>>) target(%dma_start3A_204 : memref<128x128xf32, #tpu.memory_space<vmem>>) offsets(%dma_start3A_207 : memref<128xi32, #tpu.memory_space<vmem>>) semaphore(%arg9 : memref<!tpu.dma_semaphore, #tpu.memory_space<semaphore_mem>>)
      %scan3A_211 = arith.constant 0 : i32
      scf.yield %scan3A_211 : i32
    }
    %scan3A_63 = arith.constant 19 : i32
    %dma_wait3A = arith.constant 38 : i32
    %dma_wait3A_64 = arith.constant 0 : i32
    %dma_wait3A_65 = arith.constant 0 : i32
    %dma_wait3A_66 = arith.constant 0 : i32
    %dma_wait3A_67 = tpu.memref_slice %arg7[%dma_wait3A_64, %dma_wait3A_65, %dma_wait3A_66] : memref<2x128x128xf32, #tpu.memory_space<vmem>> -> memref<1x128x128xf32, #tpu.memory_space<vmem>>
    %dma_wait3A_68 = tpu.memref_squeeze %dma_wait3A_67 : memref<1x128x128xf32, #tpu.memory_space<vmem>> -> memref<128x128xf32, #tpu.memory_space<vmem>>
    %dma_wait3A_69 = arith.constant 0 : i32
    %dma_wait3A_70 = tpu.memref_slice %arg5[%dma_wait3A, %dma_wait3A_69] : memref<40x128xi32, #tpu.memory_space<vmem>> -> memref<1x128xi32, #tpu.memory_space<vmem>>
    %dma_wait3A_71 = tpu.memref_squeeze %dma_wait3A_70 : memref<1x128xi32, #tpu.memory_space<vmem>> -> memref<128xi32, #tpu.memory_space<vmem>>
    %dma_wait3A_72 = arith.constant 0 : i32
    %dma_wait3A_73 = arith.constant 0 : i32
    %dma_wait3A_74 = tpu.memref_slice %arg2[%dma_wait3A_72, %dma_wait3A_73] : memref<10240x128xf32, #tpu.memory_space<hbm>> -> memref<10240x128xf32, #tpu.memory_space<hbm>>
    tpu.wait_indirect_dma semaphore(%arg8 : memref<!tpu.dma_semaphore, #tpu.memory_space<semaphore_mem>>) src(%dma_wait3A_74 : memref<10240x128xf32, #tpu.memory_space<hbm>>) dst(%dma_wait3A_68 : memref<128x128xf32, #tpu.memory_space<vmem>>)
    %run_scoped3A_75 = arith.constant 0 : i32
    %run_scoped3A_76 = arith.constant 38 : i32
    "tpu.region"() ({
      %run_scoped3A_157 = tpu.sem_alloc : memref<!tpu.dma_semaphore, #tpu.memory_space<semaphore_mem>>
      %dma_start3A_158 = arith.constant 0 : i32
      %dma_start3A_159 = arith.constant 0 : i32
      %dma_start3A_160 = tpu.memref_slice %arg7[%run_scoped3A_75, %dma_start3A_158, %dma_start3A_159] : memref<2x128x128xf32, #tpu.memory_space<vmem>> -> memref<1x128x128xf32, #tpu.memory_space<vmem>>
      %dma_start3A_161 = tpu.memref_squeeze %dma_start3A_160 : memref<1x128x128xf32, #tpu.memory_space<vmem>> -> memref<128x128xf32, #tpu.memory_space<vmem>>
      %dma_start3A_162 = arith.constant 0 : i32
      %dma_start3A_163 = tpu.memref_slice %arg6[%run_scoped3A_76, %dma_start3A_162] : memref<40x128xi32, #tpu.memory_space<vmem>> -> memref<1x128xi32, #tpu.memory_space<vmem>>
      %dma_start3A_164 = tpu.memref_squeeze %dma_start3A_163 : memref<1x128xi32, #tpu.memory_space<vmem>> -> memref<128xi32, #tpu.memory_space<vmem>>
      %dma_start3A_165 = arith.constant 0 : i32
      %dma_start3A_166 = arith.constant 0 : i32
      %dma_start3A_167 = tpu.memref_slice %arg10[%dma_start3A_165, %dma_start3A_166] : memref<10240x128xf32, #tpu.memory_space<vmem_shared>> -> memref<10240x128xf32, #tpu.memory_space<vmem_shared>>
      tpu.enqueue_indirect_dma source(%dma_start3A_161 : memref<128x128xf32, #tpu.memory_space<vmem>>) target(%dma_start3A_167 : memref<10240x128xf32, #tpu.memory_space<vmem_shared>>) offsets(%dma_start3A_164 : memref<128xi32, #tpu.memory_space<vmem>>) semaphore(%run_scoped3A_157 : memref<!tpu.dma_semaphore, #tpu.memory_space<semaphore_mem>>) {add = true}
      %dma_wait3A_168 = arith.constant 0 : i32
      %dma_wait3A_169 = arith.constant 0 : i32
      %dma_wait3A_170 = tpu.memref_slice %arg7[%run_scoped3A_75, %dma_wait3A_168, %dma_wait3A_169] : memref<2x128x128xf32, #tpu.memory_space<vmem>> -> memref<1x128x128xf32, #tpu.memory_space<vmem>>
      %dma_wait3A_171 = tpu.memref_squeeze %dma_wait3A_170 : memref<1x128x128xf32, #tpu.memory_space<vmem>> -> memref<128x128xf32, #tpu.memory_space<vmem>>
      %dma_wait3A_172 = arith.constant 0 : i32
      %dma_wait3A_173 = tpu.memref_slice %arg6[%run_scoped3A_76, %dma_wait3A_172] : memref<40x128xi32, #tpu.memory_space<vmem>> -> memref<1x128xi32, #tpu.memory_space<vmem>>
      %dma_wait3A_174 = tpu.memref_squeeze %dma_wait3A_173 : memref<1x128xi32, #tpu.memory_space<vmem>> -> memref<128xi32, #tpu.memory_space<vmem>>
      %dma_wait3A_175 = arith.constant 0 : i32
      %dma_wait3A_176 = arith.constant 0 : i32
      %dma_wait3A_177 = tpu.memref_slice %arg10[%dma_wait3A_175, %dma_wait3A_176] : memref<10240x128xf32, #tpu.memory_space<vmem_shared>> -> memref<10240x128xf32, #tpu.memory_space<vmem_shared>>
      tpu.wait_indirect_dma semaphore(%run_scoped3A_157 : memref<!tpu.dma_semaphore, #tpu.memory_space<semaphore_mem>>) src(%dma_wait3A_171 : memref<128x128xf32, #tpu.memory_space<vmem>>) dst(%dma_wait3A_177 : memref<10240x128xf32, #tpu.memory_space<vmem_shared>>)
      tpu.yield
    }) : () -> ()
    %dma_wait3A_77 = arith.constant 39 : i32
    %dma_wait3A_78 = arith.constant 1 : i32
    %dma_wait3A_79 = arith.constant 0 : i32
    %dma_wait3A_80 = arith.constant 0 : i32
    %dma_wait3A_81 = tpu.memref_slice %arg7[%dma_wait3A_78, %dma_wait3A_79, %dma_wait3A_80] : memref<2x128x128xf32, #tpu.memory_space<vmem>> -> memref<1x128x128xf32, #tpu.memory_space<vmem>>
    %dma_wait3A_82 = tpu.memref_squeeze %dma_wait3A_81 : memref<1x128x128xf32, #tpu.memory_space<vmem>> -> memref<128x128xf32, #tpu.memory_space<vmem>>
    %dma_wait3A_83 = arith.constant 0 : i32
    %dma_wait3A_84 = tpu.memref_slice %arg5[%dma_wait3A_77, %dma_wait3A_83] : memref<40x128xi32, #tpu.memory_space<vmem>> -> memref<1x128xi32, #tpu.memory_space<vmem>>
    %dma_wait3A_85 = tpu.memref_squeeze %dma_wait3A_84 : memref<1x128xi32, #tpu.memory_space<vmem>> -> memref<128xi32, #tpu.memory_space<vmem>>
    %dma_wait3A_86 = arith.constant 0 : i32
    %dma_wait3A_87 = arith.constant 0 : i32
    %dma_wait3A_88 = tpu.memref_slice %arg2[%dma_wait3A_86, %dma_wait3A_87] : memref<10240x128xf32, #tpu.memory_space<hbm>> -> memref<10240x128xf32, #tpu.memory_space<hbm>>
    tpu.wait_indirect_dma semaphore(%arg9 : memref<!tpu.dma_semaphore, #tpu.memory_space<semaphore_mem>>) src(%dma_wait3A_88 : memref<10240x128xf32, #tpu.memory_space<hbm>>) dst(%dma_wait3A_82 : memref<128x128xf32, #tpu.memory_space<vmem>>)
    %run_scoped3A_89 = arith.constant 1 : i32
    %run_scoped3A_90 = arith.constant 39 : i32
    "tpu.region"() ({
      %run_scoped3A_157 = tpu.sem_alloc : memref<!tpu.dma_semaphore, #tpu.memory_space<semaphore_mem>>
      %dma_start3A_158 = arith.constant 0 : i32
      %dma_start3A_159 = arith.constant 0 : i32
      %dma_start3A_160 = tpu.memref_slice %arg7[%run_scoped3A_89, %dma_start3A_158, %dma_start3A_159] : memref<2x128x128xf32, #tpu.memory_space<vmem>> -> memref<1x128x128xf32, #tpu.memory_space<vmem>>
      %dma_start3A_161 = tpu.memref_squeeze %dma_start3A_160 : memref<1x128x128xf32, #tpu.memory_space<vmem>> -> memref<128x128xf32, #tpu.memory_space<vmem>>
      %dma_start3A_162 = arith.constant 0 : i32
      %dma_start3A_163 = tpu.memref_slice %arg6[%run_scoped3A_90, %dma_start3A_162] : memref<40x128xi32, #tpu.memory_space<vmem>> -> memref<1x128xi32, #tpu.memory_space<vmem>>
      %dma_start3A_164 = tpu.memref_squeeze %dma_start3A_163 : memref<1x128xi32, #tpu.memory_space<vmem>> -> memref<128xi32, #tpu.memory_space<vmem>>
      %dma_start3A_165 = arith.constant 0 : i32
      %dma_start3A_166 = arith.constant 0 : i32
      %dma_start3A_167 = tpu.memref_slice %arg10[%dma_start3A_165, %dma_start3A_166] : memref<10240x128xf32, #tpu.memory_space<vmem_shared>> -> memref<10240x128xf32, #tpu.memory_space<vmem_shared>>
      tpu.enqueue_indirect_dma source(%dma_start3A_161 : memref<128x128xf32, #tpu.memory_space<vmem>>) target(%dma_start3A_167 : memref<10240x128xf32, #tpu.memory_space<vmem_shared>>) offsets(%dma_start3A_164 : memref<128xi32, #tpu.memory_space<vmem>>) semaphore(%run_scoped3A_157 : memref<!tpu.dma_semaphore, #tpu.memory_space<semaphore_mem>>) {add = true}
      %dma_wait3A_168 = arith.constant 0 : i32
      %dma_wait3A_169 = arith.constant 0 : i32
      %dma_wait3A_170 = tpu.memref_slice %arg7[%run_scoped3A_89, %dma_wait3A_168, %dma_wait3A_169] : memref<2x128x128xf32, #tpu.memory_space<vmem>> -> memref<1x128x128xf32, #tpu.memory_space<vmem>>
      %dma_wait3A_171 = tpu.memref_squeeze %dma_wait3A_170 : memref<1x128x128xf32, #tpu.memory_space<vmem>> -> memref<128x128xf32, #tpu.memory_space<vmem>>
      %dma_wait3A_172 = arith.constant 0 : i32
      %dma_wait3A_173 = tpu.memref_slice %arg6[%run_scoped3A_90, %dma_wait3A_172] : memref<40x128xi32, #tpu.memory_space<vmem>> -> memref<1x128xi32, #tpu.memory_space<vmem>>
      %dma_wait3A_174 = tpu.memref_squeeze %dma_wait3A_173 : memref<1x128xi32, #tpu.memory_space<vmem>> -> memref<128xi32, #tpu.memory_space<vmem>>
      %dma_wait3A_175 = arith.constant 0 : i32
      %dma_wait3A_176 = arith.constant 0 : i32
      %dma_wait3A_177 = tpu.memref_slice %arg10[%dma_wait3A_175, %dma_wait3A_176] : memref<10240x128xf32, #tpu.memory_space<vmem_shared>> -> memref<10240x128xf32, #tpu.memory_space<vmem_shared>>
      tpu.wait_indirect_dma semaphore(%run_scoped3A_157 : memref<!tpu.dma_semaphore, #tpu.memory_space<semaphore_mem>>) src(%dma_wait3A_171 : memref<128x128xf32, #tpu.memory_space<vmem>>) dst(%dma_wait3A_177 : memref<10240x128xf32, #tpu.memory_space<vmem_shared>>)
      tpu.yield
    }) : () -> ()
    %run_scoped3A_91 = arith.constant 0 : i32
    "tpu.region"() ({
      %run_scoped3A_157 = tpu.sem_alloc : memref<!tpu.dma_semaphore, #tpu.memory_space<semaphore_mem>>
      %dma_start3A_158 = arith.constant 40 : i32
      %dma_start3A_159 = arith.constant 0 : i32
      %dma_start3A_160 = tpu.memref_slice %arg3[%run_scoped3A_91, %arg0, %arg1, %dma_start3A_158, %dma_start3A_159] : memref<2x2x16x80x128xi32, #tpu.memory_space<hbm>> -> memref<1x1x1x40x128xi32, #tpu.memory_space<hbm>>
      %dma_start3A_161 = tpu.memref_squeeze %dma_start3A_160 : memref<1x1x1x40x128xi32, #tpu.memory_space<hbm>> -> memref<40x128xi32, #tpu.memory_space<hbm>>
      %dma_start3A_162 = arith.constant 40 : i32
      %dma_start3A_163 = arith.constant 0 : i32
      %dma_start3A_164 = tpu.memref_slice %arg3[%run_scoped3A_91, %arg0, %arg1, %dma_start3A_162, %dma_start3A_163] : memref<2x2x16x80x128xi32, #tpu.memory_space<hbm>> -> memref<1x1x1x40x128xi32, #tpu.memory_space<hbm>>
      %dma_start3A_165 = tpu.memref_squeeze %dma_start3A_164 : memref<1x1x1x40x128xi32, #tpu.memory_space<hbm>> -> memref<40x128xi32, #tpu.memory_space<hbm>>
      tpu.enqueue_dma source(%dma_start3A_165 : memref<40x128xi32, #tpu.memory_space<hbm>>) target(%arg5 : memref<40x128xi32, #tpu.memory_space<vmem>>) target_semaphore(%run_scoped3A_157 : memref<!tpu.dma_semaphore, #tpu.memory_space<semaphore_mem>>)
      %dma_wait3A_166 = arith.constant 40 : i32
      %dma_wait3A_167 = arith.constant 0 : i32
      %dma_wait3A_168 = tpu.memref_slice %arg3[%run_scoped3A_91, %arg0, %arg1, %dma_wait3A_166, %dma_wait3A_167] : memref<2x2x16x80x128xi32, #tpu.memory_space<hbm>> -> memref<1x1x1x40x128xi32, #tpu.memory_space<hbm>>
      %dma_wait3A_169 = tpu.memref_squeeze %dma_wait3A_168 : memref<1x1x1x40x128xi32, #tpu.memory_space<hbm>> -> memref<40x128xi32, #tpu.memory_space<hbm>>
      %dma_wait3A_170 = arith.constant 40 : i32
      %dma_wait3A_171 = arith.constant 0 : i32
      %dma_wait3A_172 = tpu.memref_slice %arg3[%run_scoped3A_91, %arg0, %arg1, %dma_wait3A_170, %dma_wait3A_171] : memref<2x2x16x80x128xi32, #tpu.memory_space<hbm>> -> memref<1x1x1x40x128xi32, #tpu.memory_space<hbm>>
      %dma_wait3A_173 = tpu.memref_squeeze %dma_wait3A_172 : memref<1x1x1x40x128xi32, #tpu.memory_space<hbm>> -> memref<40x128xi32, #tpu.memory_space<hbm>>
      tpu.wait_dma2 semaphore(%run_scoped3A_157 : memref<!tpu.dma_semaphore, #tpu.memory_space<semaphore_mem>>) src(%dma_wait3A_173 : memref<40x128xi32, #tpu.memory_space<hbm>>) dst(%arg5 : memref<40x128xi32, #tpu.memory_space<vmem>>)
      tpu.yield
    }) : () -> ()
    %run_scoped3A_92 = arith.constant 1 : i32
    "tpu.region"() ({
      %run_scoped3A_157 = tpu.sem_alloc : memref<!tpu.dma_semaphore, #tpu.memory_space<semaphore_mem>>
      %dma_start3A_158 = arith.constant 40 : i32
      %dma_start3A_159 = arith.constant 0 : i32
      %dma_start3A_160 = tpu.memref_slice %arg3[%run_scoped3A_92, %arg0, %arg1, %dma_start3A_158, %dma_start3A_159] : memref<2x2x16x80x128xi32, #tpu.memory_space<hbm>> -> memref<1x1x1x40x128xi32, #tpu.memory_space<hbm>>
      %dma_start3A_161 = tpu.memref_squeeze %dma_start3A_160 : memref<1x1x1x40x128xi32, #tpu.memory_space<hbm>> -> memref<40x128xi32, #tpu.memory_space<hbm>>
      %dma_start3A_162 = arith.constant 40 : i32
      %dma_start3A_163 = arith.constant 0 : i32
      %dma_start3A_164 = tpu.memref_slice %arg3[%run_scoped3A_92, %arg0, %arg1, %dma_start3A_162, %dma_start3A_163] : memref<2x2x16x80x128xi32, #tpu.memory_space<hbm>> -> memref<1x1x1x40x128xi32, #tpu.memory_space<hbm>>
      %dma_start3A_165 = tpu.memref_squeeze %dma_start3A_164 : memref<1x1x1x40x128xi32, #tpu.memory_space<hbm>> -> memref<40x128xi32, #tpu.memory_space<hbm>>
      tpu.enqueue_dma source(%dma_start3A_165 : memref<40x128xi32, #tpu.memory_space<hbm>>) target(%arg6 : memref<40x128xi32, #tpu.memory_space<vmem>>) target_semaphore(%run_scoped3A_157 : memref<!tpu.dma_semaphore, #tpu.memory_space<semaphore_mem>>)
      %dma_wait3A_166 = arith.constant 40 : i32
      %dma_wait3A_167 = arith.constant 0 : i32
      %dma_wait3A_168 = tpu.memref_slice %arg3[%run_scoped3A_92, %arg0, %arg1, %dma_wait3A_166, %dma_wait3A_167] : memref<2x2x16x80x128xi32, #tpu.memory_space<hbm>> -> memref<1x1x1x40x128xi32, #tpu.memory_space<hbm>>
      %dma_wait3A_169 = tpu.memref_squeeze %dma_wait3A_168 : memref<1x1x1x40x128xi32, #tpu.memory_space<hbm>> -> memref<40x128xi32, #tpu.memory_space<hbm>>
      %dma_wait3A_170 = arith.constant 40 : i32
      %dma_wait3A_171 = arith.constant 0 : i32
      %dma_wait3A_172 = tpu.memref_slice %arg3[%run_scoped3A_92, %arg0, %arg1, %dma_wait3A_170, %dma_wait3A_171] : memref<2x2x16x80x128xi32, #tpu.memory_space<hbm>> -> memref<1x1x1x40x128xi32, #tpu.memory_space<hbm>>
      %dma_wait3A_173 = tpu.memref_squeeze %dma_wait3A_172 : memref<1x1x1x40x128xi32, #tpu.memory_space<hbm>> -> memref<40x128xi32, #tpu.memory_space<hbm>>
      tpu.wait_dma2 semaphore(%run_scoped3A_157 : memref<!tpu.dma_semaphore, #tpu.memory_space<semaphore_mem>>) src(%dma_wait3A_173 : memref<40x128xi32, #tpu.memory_space<hbm>>) dst(%arg6 : memref<40x128xi32, #tpu.memory_space<vmem>>)
      tpu.yield
    }) : () -> ()
    %dma_start3A_93 = arith.constant 0 : i32
    %dma_start3A_94 = arith.constant 0 : i32
    %dma_start3A_95 = arith.constant 0 : i32
    %dma_start3A_96 = arith.constant 0 : i32
    %dma_start3A_97 = tpu.memref_slice %arg7[%dma_start3A_94, %dma_start3A_95, %dma_start3A_96] : memref<2x128x128xf32, #tpu.memory_space<vmem>> -> memref<1x128x128xf32, #tpu.memory_space<vmem>>
    %dma_start3A_98 = tpu.memref_squeeze %dma_start3A_97 : memref<1x128x128xf32, #tpu.memory_space<vmem>> -> memref<128x128xf32, #tpu.memory_space<vmem>>
    %dma_start3A_99 = arith.constant 0 : i32
    %dma_start3A_100 = tpu.memref_slice %arg5[%dma_start3A_93, %dma_start3A_99] : memref<40x128xi32, #tpu.memory_space<vmem>> -> memref<1x128xi32, #tpu.memory_space<vmem>>
    %dma_start3A_101 = tpu.memref_squeeze %dma_start3A_100 : memref<1x128xi32, #tpu.memory_space<vmem>> -> memref<128xi32, #tpu.memory_space<vmem>>
    %dma_start3A_102 = arith.constant 0 : i32
    %dma_start3A_103 = arith.constant 0 : i32
    %dma_start3A_104 = tpu.memref_slice %arg2[%dma_start3A_102, %dma_start3A_103] : memref<10240x128xf32, #tpu.memory_space<hbm>> -> memref<10240x128xf32, #tpu.memory_space<hbm>>
    tpu.enqueue_indirect_dma source(%dma_start3A_104 : memref<10240x128xf32, #tpu.memory_space<hbm>>) target(%dma_start3A_98 : memref<128x128xf32, #tpu.memory_space<vmem>>) offsets(%dma_start3A_101 : memref<128xi32, #tpu.memory_space<vmem>>) semaphore(%arg8 : memref<!tpu.dma_semaphore, #tpu.memory_space<semaphore_mem>>)
    %dma_start3A_105 = arith.constant 1 : i32
    %dma_start3A_106 = arith.constant 1 : i32
    %dma_start3A_107 = arith.constant 0 : i32
    %dma_start3A_108 = arith.constant 0 : i32
    %dma_start3A_109 = tpu.memref_slice %arg7[%dma_start3A_106, %dma_start3A_107, %dma_start3A_108] : memref<2x128x128xf32, #tpu.memory_space<vmem>> -> memref<1x128x128xf32, #tpu.memory_space<vmem>>
    %dma_start3A_110 = tpu.memref_squeeze %dma_start3A_109 : memref<1x128x128xf32, #tpu.memory_space<vmem>> -> memref<128x128xf32, #tpu.memory_space<vmem>>
    %dma_start3A_111 = arith.constant 0 : i32
    %dma_start3A_112 = tpu.memref_slice %arg5[%dma_start3A_105, %dma_start3A_111] : memref<40x128xi32, #tpu.memory_space<vmem>> -> memref<1x128xi32, #tpu.memory_space<vmem>>
    %dma_start3A_113 = tpu.memref_squeeze %dma_start3A_112 : memref<1x128xi32, #tpu.memory_space<vmem>> -> memref<128xi32, #tpu.memory_space<vmem>>
    %dma_start3A_114 = arith.constant 0 : i32
    %dma_start3A_115 = arith.constant 0 : i32
    %dma_start3A_116 = tpu.memref_slice %arg2[%dma_start3A_114, %dma_start3A_115] : memref<10240x128xf32, #tpu.memory_space<hbm>> -> memref<10240x128xf32, #tpu.memory_space<hbm>>
    tpu.enqueue_indirect_dma source(%dma_start3A_116 : memref<10240x128xf32, #tpu.memory_space<hbm>>) target(%dma_start3A_110 : memref<128x128xf32, #tpu.memory_space<vmem>>) offsets(%dma_start3A_113 : memref<128xi32, #tpu.memory_space<vmem>>) semaphore(%arg9 : memref<!tpu.dma_semaphore, #tpu.memory_space<semaphore_mem>>)
    %scan3A_117 = arith.constant 0 : i32
    %scan3A_118 = arith.constant 1 : i32
    %scan3A_119 = arith.constant 0 : i32
    %scan3A_120 = arith.constant 0 : i32
    %scan3A_121 = arith.constant 19 : i32
    %scan3A_122 = arith.addi %scan3A_120, %scan3A_121 : i32
    %scan3A_123 = arith.constant 1 : i32
    %scan3A_124 = scf.for %scan3A_157 = %scan3A_120 to %scan3A_122 step %scan3A_123 iter_args(%scan3A_158 = %scan3A_119) -> (i32)  : i32 {
      %mul3A_159 = arith.constant 2 : i32
      %mul3A_160 = arith.muli %scan3A_157, %mul3A_159 : i32
      %add3A_161 = arith.constant 0 : i32
      %add3A_162 = arith.addi %mul3A_160, %add3A_161 : i32
      %dma_wait3A_163 = arith.constant 0 : i32
      %dma_wait3A_164 = arith.constant 0 : i32
      %dma_wait3A_165 = tpu.memref_slice %arg7[%scan3A_117, %dma_wait3A_163, %dma_wait3A_164] : memref<2x128x128xf32, #tpu.memory_space<vmem>> -> memref<1x128x128xf32, #tpu.memory_space<vmem>>
      %dma_wait3A_166 = tpu.memref_squeeze %dma_wait3A_165 : memref<1x128x128xf32, #tpu.memory_space<vmem>> -> memref<128x128xf32, #tpu.memory_space<vmem>>
      %dma_wait3A_167 = arith.constant 0 : i32
      %dma_wait3A_168 = tpu.memref_slice %arg5[%add3A_162, %dma_wait3A_167] : memref<40x128xi32, #tpu.memory_space<vmem>> -> memref<1x128xi32, #tpu.memory_space<vmem>>
      %dma_wait3A_169 = tpu.memref_squeeze %dma_wait3A_168 : memref<1x128xi32, #tpu.memory_space<vmem>> -> memref<128xi32, #tpu.memory_space<vmem>>
      %dma_wait3A_170 = arith.constant 0 : i32
      %dma_wait3A_171 = arith.constant 0 : i32
      %dma_wait3A_172 = tpu.memref_slice %arg2[%dma_wait3A_170, %dma_wait3A_171] : memref<10240x128xf32, #tpu.memory_space<hbm>> -> memref<10240x128xf32, #tpu.memory_space<hbm>>
      tpu.wait_indirect_dma semaphore(%arg8 : memref<!tpu.dma_semaphore, #tpu.memory_space<semaphore_mem>>) src(%dma_wait3A_172 : memref<10240x128xf32, #tpu.memory_space<hbm>>) dst(%dma_wait3A_166 : memref<128x128xf32, #tpu.memory_space<vmem>>)
      "tpu.region"() ({
        %run_scoped3A_212 = tpu.sem_alloc : memref<!tpu.dma_semaphore, #tpu.memory_space<semaphore_mem>>
        %dma_start3A_213 = arith.constant 0 : i32
        %dma_start3A_214 = arith.constant 0 : i32
        %dma_start3A_215 = tpu.memref_slice %arg7[%scan3A_117, %dma_start3A_213, %dma_start3A_214] : memref<2x128x128xf32, #tpu.memory_space<vmem>> -> memref<1x128x128xf32, #tpu.memory_space<vmem>>
        %dma_start3A_216 = tpu.memref_squeeze %dma_start3A_215 : memref<1x128x128xf32, #tpu.memory_space<vmem>> -> memref<128x128xf32, #tpu.memory_space<vmem>>
        %dma_start3A_217 = arith.constant 0 : i32
        %dma_start3A_218 = tpu.memref_slice %arg6[%add3A_162, %dma_start3A_217] : memref<40x128xi32, #tpu.memory_space<vmem>> -> memref<1x128xi32, #tpu.memory_space<vmem>>
        %dma_start3A_219 = tpu.memref_squeeze %dma_start3A_218 : memref<1x128xi32, #tpu.memory_space<vmem>> -> memref<128xi32, #tpu.memory_space<vmem>>
        %dma_start3A_220 = arith.constant 0 : i32
        %dma_start3A_221 = arith.constant 0 : i32
        %dma_start3A_222 = tpu.memref_slice %arg10[%dma_start3A_220, %dma_start3A_221] : memref<10240x128xf32, #tpu.memory_space<vmem_shared>> -> memref<10240x128xf32, #tpu.memory_space<vmem_shared>>
        tpu.enqueue_indirect_dma source(%dma_start3A_216 : memref<128x128xf32, #tpu.memory_space<vmem>>) target(%dma_start3A_222 : memref<10240x128xf32, #tpu.memory_space<vmem_shared>>) offsets(%dma_start3A_219 : memref<128xi32, #tpu.memory_space<vmem>>) semaphore(%run_scoped3A_212 : memref<!tpu.dma_semaphore, #tpu.memory_space<semaphore_mem>>) {add = true}
        %dma_wait3A_223 = arith.constant 0 : i32
        %dma_wait3A_224 = arith.constant 0 : i32
        %dma_wait3A_225 = tpu.memref_slice %arg7[%scan3A_117, %dma_wait3A_223, %dma_wait3A_224] : memref<2x128x128xf32, #tpu.memory_space<vmem>> -> memref<1x128x128xf32, #tpu.memory_space<vmem>>
        %dma_wait3A_226 = tpu.memref_squeeze %dma_wait3A_225 : memref<1x128x128xf32, #tpu.memory_space<vmem>> -> memref<128x128xf32, #tpu.memory_space<vmem>>
        %dma_wait3A_227 = arith.constant 0 : i32
        %dma_wait3A_228 = tpu.memref_slice %arg6[%add3A_162, %dma_wait3A_227] : memref<40x128xi32, #tpu.memory_space<vmem>> -> memref<1x128xi32, #tpu.memory_space<vmem>>
        %dma_wait3A_229 = tpu.memref_squeeze %dma_wait3A_228 : memref<1x128xi32, #tpu.memory_space<vmem>> -> memref<128xi32, #tpu.memory_space<vmem>>
        %dma_wait3A_230 = arith.constant 0 : i32
        %dma_wait3A_231 = arith.constant 0 : i32
        %dma_wait3A_232 = tpu.memref_slice %arg10[%dma_wait3A_230, %dma_wait3A_231] : memref<10240x128xf32, #tpu.memory_space<vmem_shared>> -> memref<10240x128xf32, #tpu.memory_space<vmem_shared>>
        tpu.wait_indirect_dma semaphore(%run_scoped3A_212 : memref<!tpu.dma_semaphore, #tpu.memory_space<semaphore_mem>>) src(%dma_wait3A_226 : memref<128x128xf32, #tpu.memory_space<vmem>>) dst(%dma_wait3A_232 : memref<10240x128xf32, #tpu.memory_space<vmem_shared>>)
        tpu.yield
      }) : () -> ()
      %add3A_173 = arith.constant 2 : i32
      %add3A_174 = arith.addi %add3A_162, %add3A_173 : i32
      %dma_start3A_175 = arith.constant 0 : i32
      %dma_start3A_176 = arith.constant 0 : i32
      %dma_start3A_177 = tpu.memref_slice %arg7[%scan3A_117, %dma_start3A_175, %dma_start3A_176] : memref<2x128x128xf32, #tpu.memory_space<vmem>> -> memref<1x128x128xf32, #tpu.memory_space<vmem>>
      %dma_start3A_178 = tpu.memref_squeeze %dma_start3A_177 : memref<1x128x128xf32, #tpu.memory_space<vmem>> -> memref<128x128xf32, #tpu.memory_space<vmem>>
      %dma_start3A_179 = arith.constant 0 : i32
      %dma_start3A_180 = tpu.memref_slice %arg5[%add3A_174, %dma_start3A_179] : memref<40x128xi32, #tpu.memory_space<vmem>> -> memref<1x128xi32, #tpu.memory_space<vmem>>
      %dma_start3A_181 = tpu.memref_squeeze %dma_start3A_180 : memref<1x128xi32, #tpu.memory_space<vmem>> -> memref<128xi32, #tpu.memory_space<vmem>>
      %dma_start3A_182 = arith.constant 0 : i32
      %dma_start3A_183 = arith.constant 0 : i32
      %dma_start3A_184 = tpu.memref_slice %arg2[%dma_start3A_182, %dma_start3A_183] : memref<10240x128xf32, #tpu.memory_space<hbm>> -> memref<10240x128xf32, #tpu.memory_space<hbm>>
      tpu.enqueue_indirect_dma source(%dma_start3A_184 : memref<10240x128xf32, #tpu.memory_space<hbm>>) target(%dma_start3A_178 : memref<128x128xf32, #tpu.memory_space<vmem>>) offsets(%dma_start3A_181 : memref<128xi32, #tpu.memory_space<vmem>>) semaphore(%arg8 : memref<!tpu.dma_semaphore, #tpu.memory_space<semaphore_mem>>)
      %mul3A_185 = arith.constant 2 : i32
      %mul3A_186 = arith.muli %scan3A_157, %mul3A_185 : i32
      %add3A_187 = arith.constant 1 : i32
      %add3A_188 = arith.addi %mul3A_186, %add3A_187 : i32
      %dma_wait3A_189 = arith.constant 0 : i32
      %dma_wait3A_190 = arith.constant 0 : i32
      %dma_wait3A_191 = tpu.memref_slice %arg7[%scan3A_118, %dma_wait3A_189, %dma_wait3A_190] : memref<2x128x128xf32, #tpu.memory_space<vmem>> -> memref<1x128x128xf32, #tpu.memory_space<vmem>>
      %dma_wait3A_192 = tpu.memref_squeeze %dma_wait3A_191 : memref<1x128x128xf32, #tpu.memory_space<vmem>> -> memref<128x128xf32, #tpu.memory_space<vmem>>
      %dma_wait3A_193 = arith.constant 0 : i32
      %dma_wait3A_194 = tpu.memref_slice %arg5[%add3A_188, %dma_wait3A_193] : memref<40x128xi32, #tpu.memory_space<vmem>> -> memref<1x128xi32, #tpu.memory_space<vmem>>
      %dma_wait3A_195 = tpu.memref_squeeze %dma_wait3A_194 : memref<1x128xi32, #tpu.memory_space<vmem>> -> memref<128xi32, #tpu.memory_space<vmem>>
      %dma_wait3A_196 = arith.constant 0 : i32
      %dma_wait3A_197 = arith.constant 0 : i32
      %dma_wait3A_198 = tpu.memref_slice %arg2[%dma_wait3A_196, %dma_wait3A_197] : memref<10240x128xf32, #tpu.memory_space<hbm>> -> memref<10240x128xf32, #tpu.memory_space<hbm>>
      tpu.wait_indirect_dma semaphore(%arg9 : memref<!tpu.dma_semaphore, #tpu.memory_space<semaphore_mem>>) src(%dma_wait3A_198 : memref<10240x128xf32, #tpu.memory_space<hbm>>) dst(%dma_wait3A_192 : memref<128x128xf32, #tpu.memory_space<vmem>>)
      "tpu.region"() ({
        %run_scoped3A_212 = tpu.sem_alloc : memref<!tpu.dma_semaphore, #tpu.memory_space<semaphore_mem>>
        %dma_start3A_213 = arith.constant 0 : i32
        %dma_start3A_214 = arith.constant 0 : i32
        %dma_start3A_215 = tpu.memref_slice %arg7[%scan3A_118, %dma_start3A_213, %dma_start3A_214] : memref<2x128x128xf32, #tpu.memory_space<vmem>> -> memref<1x128x128xf32, #tpu.memory_space<vmem>>
        %dma_start3A_216 = tpu.memref_squeeze %dma_start3A_215 : memref<1x128x128xf32, #tpu.memory_space<vmem>> -> memref<128x128xf32, #tpu.memory_space<vmem>>
        %dma_start3A_217 = arith.constant 0 : i32
        %dma_start3A_218 = tpu.memref_slice %arg6[%add3A_188, %dma_start3A_217] : memref<40x128xi32, #tpu.memory_space<vmem>> -> memref<1x128xi32, #tpu.memory_space<vmem>>
        %dma_start3A_219 = tpu.memref_squeeze %dma_start3A_218 : memref<1x128xi32, #tpu.memory_space<vmem>> -> memref<128xi32, #tpu.memory_space<vmem>>
        %dma_start3A_220 = arith.constant 0 : i32
        %dma_start3A_221 = arith.constant 0 : i32
        %dma_start3A_222 = tpu.memref_slice %arg10[%dma_start3A_220, %dma_start3A_221] : memref<10240x128xf32, #tpu.memory_space<vmem_shared>> -> memref<10240x128xf32, #tpu.memory_space<vmem_shared>>
        tpu.enqueue_indirect_dma source(%dma_start3A_216 : memref<128x128xf32, #tpu.memory_space<vmem>>) target(%dma_start3A_222 : memref<10240x128xf32, #tpu.memory_space<vmem_shared>>) offsets(%dma_start3A_219 : memref<128xi32, #tpu.memory_space<vmem>>) semaphore(%run_scoped3A_212 : memref<!tpu.dma_semaphore, #tpu.memory_space<semaphore_mem>>) {add = true}
        %dma_wait3A_223 = arith.constant 0 : i32
        %dma_wait3A_224 = arith.constant 0 : i32
        %dma_wait3A_225 = tpu.memref_slice %arg7[%scan3A_118, %dma_wait3A_223, %dma_wait3A_224] : memref<2x128x128xf32, #tpu.memory_space<vmem>> -> memref<1x128x128xf32, #tpu.memory_space<vmem>>
        %dma_wait3A_226 = tpu.memref_squeeze %dma_wait3A_225 : memref<1x128x128xf32, #tpu.memory_space<vmem>> -> memref<128x128xf32, #tpu.memory_space<vmem>>
        %dma_wait3A_227 = arith.constant 0 : i32
        %dma_wait3A_228 = tpu.memref_slice %arg6[%add3A_188, %dma_wait3A_227] : memref<40x128xi32, #tpu.memory_space<vmem>> -> memref<1x128xi32, #tpu.memory_space<vmem>>
        %dma_wait3A_229 = tpu.memref_squeeze %dma_wait3A_228 : memref<1x128xi32, #tpu.memory_space<vmem>> -> memref<128xi32, #tpu.memory_space<vmem>>
        %dma_wait3A_230 = arith.constant 0 : i32
        %dma_wait3A_231 = arith.constant 0 : i32
        %dma_wait3A_232 = tpu.memref_slice %arg10[%dma_wait3A_230, %dma_wait3A_231] : memref<10240x128xf32, #tpu.memory_space<vmem_shared>> -> memref<10240x128xf32, #tpu.memory_space<vmem_shared>>
        tpu.wait_indirect_dma semaphore(%run_scoped3A_212 : memref<!tpu.dma_semaphore, #tpu.memory_space<semaphore_mem>>) src(%dma_wait3A_226 : memref<128x128xf32, #tpu.memory_space<vmem>>) dst(%dma_wait3A_232 : memref<10240x128xf32, #tpu.memory_space<vmem_shared>>)
        tpu.yield
      }) : () -> ()
      %add3A_199 = arith.constant 2 : i32
      %add3A_200 = arith.addi %add3A_188, %add3A_199 : i32
      %dma_start3A_201 = arith.constant 0 : i32
      %dma_start3A_202 = arith.constant 0 : i32
      %dma_start3A_203 = tpu.memref_slice %arg7[%scan3A_118, %dma_start3A_201, %dma_start3A_202] : memref<2x128x128xf32, #tpu.memory_space<vmem>> -> memref<1x128x128xf32, #tpu.memory_space<vmem>>
      %dma_start3A_204 = tpu.memref_squeeze %dma_start3A_203 : memref<1x128x128xf32, #tpu.memory_space<vmem>> -> memref<128x128xf32, #tpu.memory_space<vmem>>
      %dma_start3A_205 = arith.constant 0 : i32
      %dma_start3A_206 = tpu.memref_slice %arg5[%add3A_200, %dma_start3A_205] : memref<40x128xi32, #tpu.memory_space<vmem>> -> memref<1x128xi32, #tpu.memory_space<vmem>>
      %dma_start3A_207 = tpu.memref_squeeze %dma_start3A_206 : memref<1x128xi32, #tpu.memory_space<vmem>> -> memref<128xi32, #tpu.memory_space<vmem>>
      %dma_start3A_208 = arith.constant 0 : i32
      %dma_start3A_209 = arith.constant 0 : i32
      %dma_start3A_210 = tpu.memref_slice %arg2[%dma_start3A_208, %dma_start3A_209] : memref<10240x128xf32, #tpu.memory_space<hbm>> -> memref<10240x128xf32, #tpu.memory_space<hbm>>
      tpu.enqueue_indirect_dma source(%dma_start3A_210 : memref<10240x128xf32, #tpu.memory_space<hbm>>) target(%dma_start3A_204 : memref<128x128xf32, #tpu.memory_space<vmem>>) offsets(%dma_start3A_207 : memref<128xi32, #tpu.memory_space<vmem>>) semaphore(%arg9 : memref<!tpu.dma_semaphore, #tpu.memory_space<semaphore_mem>>)
      %scan3A_211 = arith.constant 0 : i32
      scf.yield %scan3A_211 : i32
    }
    %scan3A_125 = arith.constant 19 : i32
    %dma_wait3A_126 = arith.constant 38 : i32
    %dma_wait3A_127 = arith.constant 0 : i32
    %dma_wait3A_128 = arith.constant 0 : i32
    %dma_wait3A_129 = arith.constant 0 : i32
    %dma_wait3A_130 = tpu.memref_slice %arg7[%dma_wait3A_127, %dma_wait3A_128, %dma_wait3A_129] : memref<2x128x128xf32, #tpu.memory_space<vmem>> -> memref<1x128x128xf32, #tpu.memory_space<vmem>>
    %dma_wait3A_131 = tpu.memref_squeeze %dma_wait3A_130 : memref<1x128x128xf32, #tpu.memory_space<vmem>> -> memref<128x128xf32, #tpu.memory_space<vmem>>
    %dma_wait3A_132 = arith.constant 0 : i32
    %dma_wait3A_133 = tpu.memref_slice %arg5[%dma_wait3A_126, %dma_wait3A_132] : memref<40x128xi32, #tpu.memory_space<vmem>> -> memref<1x128xi32, #tpu.memory_space<vmem>>
    %dma_wait3A_134 = tpu.memref_squeeze %dma_wait3A_133 : memref<1x128xi32, #tpu.memory_space<vmem>> -> memref<128xi32, #tpu.memory_space<vmem>>
    %dma_wait3A_135 = arith.constant 0 : i32
    %dma_wait3A_136 = arith.constant 0 : i32
    %dma_wait3A_137 = tpu.memref_slice %arg2[%dma_wait3A_135, %dma_wait3A_136] : memref<10240x128xf32, #tpu.memory_space<hbm>> -> memref<10240x128xf32, #tpu.memory_space<hbm>>
    tpu.wait_indirect_dma semaphore(%arg8 : memref<!tpu.dma_semaphore, #tpu.memory_space<semaphore_mem>>) src(%dma_wait3A_137 : memref<10240x128xf32, #tpu.memory_space<hbm>>) dst(%dma_wait3A_131 : memref<128x128xf32, #tpu.memory_space<vmem>>)
    %run_scoped3A_138 = arith.constant 0 : i32
    %run_scoped3A_139 = arith.constant 38 : i32
    "tpu.region"() ({
      %run_scoped3A_157 = tpu.sem_alloc : memref<!tpu.dma_semaphore, #tpu.memory_space<semaphore_mem>>
      %dma_start3A_158 = arith.constant 0 : i32
      %dma_start3A_159 = arith.constant 0 : i32
      %dma_start3A_160 = tpu.memref_slice %arg7[%run_scoped3A_138, %dma_start3A_158, %dma_start3A_159] : memref<2x128x128xf32, #tpu.memory_space<vmem>> -> memref<1x128x128xf32, #tpu.memory_space<vmem>>
      %dma_start3A_161 = tpu.memref_squeeze %dma_start3A_160 : memref<1x128x128xf32, #tpu.memory_space<vmem>> -> memref<128x128xf32, #tpu.memory_space<vmem>>
      %dma_start3A_162 = arith.constant 0 : i32
      %dma_start3A_163 = tpu.memref_slice %arg6[%run_scoped3A_139, %dma_start3A_162] : memref<40x128xi32, #tpu.memory_space<vmem>> -> memref<1x128xi32, #tpu.memory_space<vmem>>
      %dma_start3A_164 = tpu.memref_squeeze %dma_start3A_163 : memref<1x128xi32, #tpu.memory_space<vmem>> -> memref<128xi32, #tpu.memory_space<vmem>>
      %dma_start3A_165 = arith.constant 0 : i32
      %dma_start3A_166 = arith.constant 0 : i32
      %dma_start3A_167 = tpu.memref_slice %arg10[%dma_start3A_165, %dma_start3A_166] : memref<10240x128xf32, #tpu.memory_space<vmem_shared>> -> memref<10240x128xf32, #tpu.memory_space<vmem_shared>>
      tpu.enqueue_indirect_dma source(%dma_start3A_161 : memref<128x128xf32, #tpu.memory_space<vmem>>) target(%dma_start3A_167 : memref<10240x128xf32, #tpu.memory_space<vmem_shared>>) offsets(%dma_start3A_164 : memref<128xi32, #tpu.memory_space<vmem>>) semaphore(%run_scoped3A_157 : memref<!tpu.dma_semaphore, #tpu.memory_space<semaphore_mem>>) {add = true}
      %dma_wait3A_168 = arith.constant 0 : i32
      %dma_wait3A_169 = arith.constant 0 : i32
      %dma_wait3A_170 = tpu.memref_slice %arg7[%run_scoped3A_138, %dma_wait3A_168, %dma_wait3A_169] : memref<2x128x128xf32, #tpu.memory_space<vmem>> -> memref<1x128x128xf32, #tpu.memory_space<vmem>>
      %dma_wait3A_171 = tpu.memref_squeeze %dma_wait3A_170 : memref<1x128x128xf32, #tpu.memory_space<vmem>> -> memref<128x128xf32, #tpu.memory_space<vmem>>
      %dma_wait3A_172 = arith.constant 0 : i32
      %dma_wait3A_173 = tpu.memref_slice %arg6[%run_scoped3A_139, %dma_wait3A_172] : memref<40x128xi32, #tpu.memory_space<vmem>> -> memref<1x128xi32, #tpu.memory_space<vmem>>
      %dma_wait3A_174 = tpu.memref_squeeze %dma_wait3A_173 : memref<1x128xi32, #tpu.memory_space<vmem>> -> memref<128xi32, #tpu.memory_space<vmem>>
      %dma_wait3A_175 = arith.constant 0 : i32
      %dma_wait3A_176 = arith.constant 0 : i32
      %dma_wait3A_177 = tpu.memref_slice %arg10[%dma_wait3A_175, %dma_wait3A_176] : memref<10240x128xf32, #tpu.memory_space<vmem_shared>> -> memref<10240x128xf32, #tpu.memory_space<vmem_shared>>
      tpu.wait_indirect_dma semaphore(%run_scoped3A_157 : memref<!tpu.dma_semaphore, #tpu.memory_space<semaphore_mem>>) src(%dma_wait3A_171 : memref<128x128xf32, #tpu.memory_space<vmem>>) dst(%dma_wait3A_177 : memref<10240x128xf32, #tpu.memory_space<vmem_shared>>)
      tpu.yield
    }) : () -> ()
    %dma_wait3A_140 = arith.constant 39 : i32
    %dma_wait3A_141 = arith.constant 1 : i32
    %dma_wait3A_142 = arith.constant 0 : i32
    %dma_wait3A_143 = arith.constant 0 : i32
    %dma_wait3A_144 = tpu.memref_slice %arg7[%dma_wait3A_141, %dma_wait3A_142, %dma_wait3A_143] : memref<2x128x128xf32, #tpu.memory_space<vmem>> -> memref<1x128x128xf32, #tpu.memory_space<vmem>>
    %dma_wait3A_145 = tpu.memref_squeeze %dma_wait3A_144 : memref<1x128x128xf32, #tpu.memory_space<vmem>> -> memref<128x128xf32, #tpu.memory_space<vmem>>
    %dma_wait3A_146 = arith.constant 0 : i32
    %dma_wait3A_147 = tpu.memref_slice %arg5[%dma_wait3A_140, %dma_wait3A_146] : memref<40x128xi32, #tpu.memory_space<vmem>> -> memref<1x128xi32, #tpu.memory_space<vmem>>
    %dma_wait3A_148 = tpu.memref_squeeze %dma_wait3A_147 : memref<1x128xi32, #tpu.memory_space<vmem>> -> memref<128xi32, #tpu.memory_space<vmem>>
    %dma_wait3A_149 = arith.constant 0 : i32
    %dma_wait3A_150 = arith.constant 0 : i32
    %dma_wait3A_151 = tpu.memref_slice %arg2[%dma_wait3A_149, %dma_wait3A_150] : memref<10240x128xf32, #tpu.memory_space<hbm>> -> memref<10240x128xf32, #tpu.memory_space<hbm>>
    tpu.wait_indirect_dma semaphore(%arg9 : memref<!tpu.dma_semaphore, #tpu.memory_space<semaphore_mem>>) src(%dma_wait3A_151 : memref<10240x128xf32, #tpu.memory_space<hbm>>) dst(%dma_wait3A_145 : memref<128x128xf32, #tpu.memory_space<vmem>>)
    %run_scoped3A_152 = arith.constant 1 : i32
    %run_scoped3A_153 = arith.constant 39 : i32
    "tpu.region"() ({
      %run_scoped3A_157 = tpu.sem_alloc : memref<!tpu.dma_semaphore, #tpu.memory_space<semaphore_mem>>
      %dma_start3A_158 = arith.constant 0 : i32
      %dma_start3A_159 = arith.constant 0 : i32
      %dma_start3A_160 = tpu.memref_slice %arg7[%run_scoped3A_152, %dma_start3A_158, %dma_start3A_159] : memref<2x128x128xf32, #tpu.memory_space<vmem>> -> memref<1x128x128xf32, #tpu.memory_space<vmem>>
      %dma_start3A_161 = tpu.memref_squeeze %dma_start3A_160 : memref<1x128x128xf32, #tpu.memory_space<vmem>> -> memref<128x128xf32, #tpu.memory_space<vmem>>
      %dma_start3A_162 = arith.constant 0 : i32
      %dma_start3A_163 = tpu.memref_slice %arg6[%run_scoped3A_153, %dma_start3A_162] : memref<40x128xi32, #tpu.memory_space<vmem>> -> memref<1x128xi32, #tpu.memory_space<vmem>>
      %dma_start3A_164 = tpu.memref_squeeze %dma_start3A_163 : memref<1x128xi32, #tpu.memory_space<vmem>> -> memref<128xi32, #tpu.memory_space<vmem>>
      %dma_start3A_165 = arith.constant 0 : i32
      %dma_start3A_166 = arith.constant 0 : i32
      %dma_start3A_167 = tpu.memref_slice %arg10[%dma_start3A_165, %dma_start3A_166] : memref<10240x128xf32, #tpu.memory_space<vmem_shared>> -> memref<10240x128xf32, #tpu.memory_space<vmem_shared>>
      tpu.enqueue_indirect_dma source(%dma_start3A_161 : memref<128x128xf32, #tpu.memory_space<vmem>>) target(%dma_start3A_167 : memref<10240x128xf32, #tpu.memory_space<vmem_shared>>) offsets(%dma_start3A_164 : memref<128xi32, #tpu.memory_space<vmem>>) semaphore(%run_scoped3A_157 : memref<!tpu.dma_semaphore, #tpu.memory_space<semaphore_mem>>) {add = true}
      %dma_wait3A_168 = arith.constant 0 : i32
      %dma_wait3A_169 = arith.constant 0 : i32
      %dma_wait3A_170 = tpu.memref_slice %arg7[%run_scoped3A_152, %dma_wait3A_168, %dma_wait3A_169] : memref<2x128x128xf32, #tpu.memory_space<vmem>> -> memref<1x128x128xf32, #tpu.memory_space<vmem>>
      %dma_wait3A_171 = tpu.memref_squeeze %dma_wait3A_170 : memref<1x128x128xf32, #tpu.memory_space<vmem>> -> memref<128x128xf32, #tpu.memory_space<vmem>>
      %dma_wait3A_172 = arith.constant 0 : i32
      %dma_wait3A_173 = tpu.memref_slice %arg6[%run_scoped3A_153, %dma_wait3A_172] : memref<40x128xi32, #tpu.memory_space<vmem>> -> memref<1x128xi32, #tpu.memory_space<vmem>>
      %dma_wait3A_174 = tpu.memref_squeeze %dma_wait3A_173 : memref<1x128xi32, #tpu.memory_space<vmem>> -> memref<128xi32, #tpu.memory_space<vmem>>
      %dma_wait3A_175 = arith.constant 0 : i32
      %dma_wait3A_176 = arith.constant 0 : i32
      %dma_wait3A_177 = tpu.memref_slice %arg10[%dma_wait3A_175, %dma_wait3A_176] : memref<10240x128xf32, #tpu.memory_space<vmem_shared>> -> memref<10240x128xf32, #tpu.memory_space<vmem_shared>>
      tpu.wait_indirect_dma semaphore(%run_scoped3A_157 : memref<!tpu.dma_semaphore, #tpu.memory_space<semaphore_mem>>) src(%dma_wait3A_171 : memref<128x128xf32, #tpu.memory_space<vmem>>) dst(%dma_wait3A_177 : memref<10240x128xf32, #tpu.memory_space<vmem_shared>>)
      tpu.yield
    }) : () -> ()
    %barrier3A_154 = arith.constant 0 : index
    tpu.barrier barrier_id(%barrier3A_154)
    %mul3A_155 = arith.constant 640 : i32
    %mul3A_156 = arith.muli %arg1, %mul3A_155 : i32
    "tpu.region"() ({
      %run_scoped3A_157 = tpu.sem_alloc : memref<!tpu.dma_semaphore, #tpu.memory_space<semaphore_mem>>
      %dma_start3A_158 = arith.constant 0 : i32
      %dma_start3A_159 = tpu.memref_slice %arg4[%arg0, %mul3A_156, %dma_start3A_158] : memref<2x10240x128xf32, #tpu.memory_space<hbm>> -> memref<1x640x128xf32, #tpu.memory_space<hbm>>
      %dma_start3A_160 = tpu.memref_squeeze %dma_start3A_159 : memref<1x640x128xf32, #tpu.memory_space<hbm>> -> memref<640x128xf32, #tpu.memory_space<hbm>>
      %dma_start3A_161 = arith.constant 0 : i32
      %dma_start3A_162 = tpu.memref_slice %arg10[%mul3A_156, %dma_start3A_161] : memref<10240x128xf32, #tpu.memory_space<vmem_shared>> -> memref<640x128xf32, #tpu.memory_space<vmem_shared>>
      tpu.enqueue_dma source(%dma_start3A_162 : memref<640x128xf32, #tpu.memory_space<vmem_shared>>) target(%dma_start3A_160 : memref<640x128xf32, #tpu.memory_space<hbm>>) target_semaphore(%run_scoped3A_157 : memref<!tpu.dma_semaphore, #tpu.memory_space<semaphore_mem>>)
      %dma_wait3A_163 = arith.constant 0 : i32
      %dma_wait3A_164 = tpu.memref_slice %arg4[%arg0, %mul3A_156, %dma_wait3A_163] : memref<2x10240x128xf32, #tpu.memory_space<hbm>> -> memref<1x640x128xf32, #tpu.memory_space<hbm>>
      %dma_wait3A_165 = tpu.memref_squeeze %dma_wait3A_164 : memref<1x640x128xf32, #tpu.memory_space<hbm>> -> memref<640x128xf32, #tpu.memory_space<hbm>>
      %dma_wait3A_166 = arith.constant 0 : i32
      %dma_wait3A_167 = tpu.memref_slice %arg10[%mul3A_156, %dma_wait3A_166] : memref<10240x128xf32, #tpu.memory_space<vmem_shared>> -> memref<640x128xf32, #tpu.memory_space<vmem_shared>>
      tpu.wait_dma2 semaphore(%run_scoped3A_157 : memref<!tpu.dma_semaphore, #tpu.memory_space<semaphore_mem>>) src(%dma_wait3A_167 : memref<640x128xf32, #tpu.memory_space<vmem_shared>>) dst(%dma_wait3A_165 : memref<640x128xf32, #tpu.memory_space<hbm>>)
      tpu.yield
    }) : () -> ()
    return
  }
}

module attributes {stable_mosaic.version = 14 : i64} {
  func.func @_mm1_body(%arg0: i32, %arg1: memref<1280x128xf32, #tpu.memory_space<vmem>>, %arg2: memref<128x128xf32, #tpu.memory_space<vmem>>, %arg3: memref<2x2x1280xf32, #tpu.memory_space<vmem>>, %arg4: memref<1280x128xf32, #tpu.memory_space<vmem>>) attributes {dimension_semantics = [#tpu.dimension_semantics<arbitrary>], iteration_bounds = array<i64: 8>, scalar_prefetch = 0 : i64, scratch_operands = 0 : i64, tpu.core_type = #tpu.core_type<tc>, window_params = [{transform_indices = @transform_0, window_bounds = array<i64: 1280, 128>}, {pipeline_mode = #tpu.pipeline_mode<synchronous>, transform_indices = @transform_1, window_bounds = array<i64: 128, 128>}, {transform_indices = @transform_2, window_bounds = array<i64: 2, 2, 1280>}, {transform_indices = @transform_3, window_bounds = array<i64: 1280, 128>}]} {
    %get3A = arith.constant 0 : index
    %get3A_0 = arith.constant 0 : index
    %get3A_1 = arith.constant 0 : index
    %get3A_2 = vector.load %arg3[%get3A, %get3A_0, %get3A_1] : memref<2x2x1280xf32, #tpu.memory_space<vmem>>, vector<1x1x1280xf32>
    %get3A_3 = vector.shape_cast %get3A_2 : vector<1x1x1280xf32> to vector<1280xf32>
    %get3A_4 = arith.constant 1 : index
    %get3A_5 = arith.constant 0 : index
    %get3A_6 = arith.constant 0 : index
    %get3A_7 = vector.load %arg3[%get3A_4, %get3A_5, %get3A_6] : memref<2x2x1280xf32, #tpu.memory_space<vmem>>, vector<1x1x1280xf32>
    %get3A_8 = vector.shape_cast %get3A_7 : vector<1x1x1280xf32> to vector<1280xf32>
    %add3A = arith.addf %get3A_3, %get3A_8 : vector<1280xf32>
    %get3A_9 = arith.constant 0 : index
    %get3A_10 = arith.constant 0 : index
    %get3A_11 = vector.load %arg1[%get3A_9, %get3A_10] : memref<1280x128xf32, #tpu.memory_space<vmem>>, vector<1280x128xf32>
    %max3A = arith.constant 1.000000e+00 : f32
    %max3A_12 = vector.broadcast %max3A : f32 to vector<1280xf32>
    %max3A_13 = arith.maximumf %add3A, %max3A_12 : vector<1280xf32>
    %rsqrt3A = math.rsqrt %max3A_13 : vector<1280xf32>
    %broadcast_in_dim3A = vector.shape_cast %rsqrt3A : vector<1280xf32> to vector<1280x1xf32>
    %mul3A = vector.broadcast %broadcast_in_dim3A : vector<1280x1xf32> to vector<1280x128xf32>
    %mul3A_14 = arith.mulf %get3A_11, %mul3A : vector<1280x128xf32>
    %get3A_15 = arith.constant 0 : index
    %get3A_16 = arith.constant 0 : index
    %get3A_17 = vector.load %arg2[%get3A_15, %get3A_16] : memref<128x128xf32, #tpu.memory_space<vmem>>, vector<128x128xf32>
    %dot_general3A = arith.constant dense<0.000000e+00> : vector<1280x128xf32>
    %dot_general3A_18 = tpu.matmul %mul3A_14, %get3A_17, %dot_general3A {dimension_numbers = #tpu.dot_dimension_numbers<[1], [0], [0], [1], [0, 0, 1, 1], [], []>, transpose_lhs_hint = false} : vector<1280x128xf32>, vector<128x128xf32>, vector<1280x128xf32> -> vector<1280x128xf32>
    %swap3A = arith.constant 0 : index
    %swap3A_19 = arith.constant 0 : index
    %swap3A_20 = vector.load %arg4[%swap3A, %swap3A_19] : memref<1280x128xf32, #tpu.memory_space<vmem>>, vector<1280x128xf32>
    tpu.vector_store %arg4[%swap3A, %swap3A_19], %dot_general3A_18 {strides = array<i32>} : memref<1280x128xf32, #tpu.memory_space<vmem>>, vector<1280x128xf32>,
    return
  }
  func.func @transform_0(%arg0: i32) -> (i32, i32) {
    %c0_i32 = arith.constant 0 : i32
    %c0_i32_0 = arith.constant 0 : i32
    return %arg0, %c0_i32 : i32, i32
  }
  func.func @transform_1(%arg0: i32) -> (i32, i32) {
    %c0_i32 = arith.constant 0 : i32
    %c0_i32_0 = arith.constant 0 : i32
    %c0_i32_1 = arith.constant 0 : i32
    return %c0_i32, %c0_i32_0 : i32, i32
  }
  func.func @transform_2(%arg0: i32) -> (i32, i32, i32) {
    %c0_i32 = arith.constant 0 : i32
    %c0_i32_0 = arith.constant 0 : i32
    %c0_i32_1 = arith.constant 0 : i32
    return %c0_i32, %c0_i32_0, %arg0 : i32, i32, i32
  }
  func.func @transform_3(%arg0: i32) -> (i32, i32) {
    %c0_i32 = arith.constant 0 : i32
    %c0_i32_0 = arith.constant 0 : i32
    return %arg0, %c0_i32 : i32, i32
  }
}

module attributes {stable_mosaic.version = 14 : i64} {
  func.func @_mid_body(%arg0: i32, %arg1: memref<2x1280x128xf32, #tpu.memory_space<vmem>>, %arg2: memref<2x2x1280xf32, #tpu.memory_space<vmem>>, %arg3: memref<128xf32, #tpu.memory_space<vmem>>, %arg4: memref<128x128xf32, #tpu.memory_space<vmem>>, %arg5: memref<1280x128xf32, #tpu.memory_space<vmem>>) attributes {dimension_semantics = [#tpu.dimension_semantics<arbitrary>], iteration_bounds = array<i64: 8>, scalar_prefetch = 0 : i64, scratch_operands = 0 : i64, tpu.core_type = #tpu.core_type<tc>, window_params = [{transform_indices = @transform_0, window_bounds = array<i64: 2, 1280, 128>}, {transform_indices = @transform_1, window_bounds = array<i64: 2, 2, 1280>}, {pipeline_mode = #tpu.pipeline_mode<synchronous>, transform_indices = @transform_2, window_bounds = array<i64: 128>}, {pipeline_mode = #tpu.pipeline_mode<synchronous>, transform_indices = @transform_3, window_bounds = array<i64: 128, 128>}, {transform_indices = @transform_4, window_bounds = array<i64: 1280, 128>}]} {
    %get3A = arith.constant 0 : index
    %get3A_0 = arith.constant 0 : index
    %get3A_1 = arith.constant 0 : index
    %get3A_2 = vector.load %arg1[%get3A, %get3A_0, %get3A_1] : memref<2x1280x128xf32, #tpu.memory_space<vmem>>, vector<1x1280x128xf32>
    %get3A_3 = vector.shape_cast %get3A_2 : vector<1x1280x128xf32> to vector<1280x128xf32>
    %get3A_4 = arith.constant 1 : index
    %get3A_5 = arith.constant 0 : index
    %get3A_6 = arith.constant 0 : index
    %get3A_7 = vector.load %arg1[%get3A_4, %get3A_5, %get3A_6] : memref<2x1280x128xf32, #tpu.memory_space<vmem>>, vector<1x1280x128xf32>
    %get3A_8 = vector.shape_cast %get3A_7 : vector<1x1280x128xf32> to vector<1280x128xf32>
    %add3A = arith.addf %get3A_3, %get3A_8 : vector<1280x128xf32>
    %get3A_9 = arith.constant 0 : index
    %get3A_10 = arith.constant 1 : index
    %get3A_11 = arith.constant 0 : index
    %get3A_12 = vector.load %arg2[%get3A_9, %get3A_10, %get3A_11] : memref<2x2x1280xf32, #tpu.memory_space<vmem>>, vector<1x1x1280xf32>
    %get3A_13 = vector.shape_cast %get3A_12 : vector<1x1x1280xf32> to vector<1280xf32>
    %get3A_14 = arith.constant 1 : index
    %get3A_15 = arith.constant 1 : index
    %get3A_16 = arith.constant 0 : index
    %get3A_17 = vector.load %arg2[%get3A_14, %get3A_15, %get3A_16] : memref<2x2x1280xf32, #tpu.memory_space<vmem>>, vector<1x1x1280xf32>
    %get3A_18 = vector.shape_cast %get3A_17 : vector<1x1x1280xf32> to vector<1280xf32>
    %add3A_19 = arith.addf %get3A_13, %get3A_18 : vector<1280xf32>
    %max3A = arith.constant 1.000000e+00 : f32
    %max3A_20 = vector.broadcast %max3A : f32 to vector<1280xf32>
    %max3A_21 = arith.maximumf %add3A_19, %max3A_20 : vector<1280xf32>
    %rsqrt3A = math.rsqrt %max3A_21 : vector<1280xf32>
    %get3A_22 = arith.constant 0 : index
    %get3A_23 = arith.constant 0 : index
    %get3A_24 = arith.constant 0 : index
    %get3A_25 = vector.load %arg2[%get3A_22, %get3A_23, %get3A_24] : memref<2x2x1280xf32, #tpu.memory_space<vmem>>, vector<1x1x1280xf32>
    %get3A_26 = vector.shape_cast %get3A_25 : vector<1x1x1280xf32> to vector<1280xf32>
    %get3A_27 = arith.constant 1 : index
    %get3A_28 = arith.constant 0 : index
    %get3A_29 = arith.constant 0 : index
    %get3A_30 = vector.load %arg2[%get3A_27, %get3A_28, %get3A_29] : memref<2x2x1280xf32, #tpu.memory_space<vmem>>, vector<1x1x1280xf32>
    %get3A_31 = vector.shape_cast %get3A_30 : vector<1x1x1280xf32> to vector<1280xf32>
    %add3A_32 = arith.addf %get3A_26, %get3A_31 : vector<1280xf32>
    %max3A_33 = arith.constant 1.000000e+00 : f32
    %max3A_34 = vector.broadcast %max3A_33 : f32 to vector<1280xf32>
    %max3A_35 = arith.maximumf %add3A_32, %max3A_34 : vector<1280xf32>
    %rsqrt3A_36 = math.rsqrt %max3A_35 : vector<1280xf32>
    %broadcast_in_dim3A = vector.shape_cast %rsqrt3A : vector<1280xf32> to vector<1280x1xf32>
    %mul3A = vector.broadcast %broadcast_in_dim3A : vector<1280x1xf32> to vector<1280x128xf32>
    %mul3A_37 = arith.mulf %add3A, %mul3A : vector<1280x128xf32>
    %get3A_38 = arith.constant 0 : index
    %get3A_39 = vector.load %arg3[%get3A_38] : memref<128xf32, #tpu.memory_space<vmem>>, vector<128xf32>
    %broadcast_in_dim3A_40 = vector.shape_cast %get3A_39 : vector<128xf32> to vector<1x128xf32>
    %add3A_41 = vector.broadcast %broadcast_in_dim3A_40 : vector<1x128xf32> to vector<1280x128xf32>
    %add3A_42 = arith.addf %mul3A_37, %add3A_41 : vector<1280x128xf32>
    %max3A_43 = arith.constant 0.000000e+00 : f32
    %max3A_44 = vector.broadcast %max3A_43 : f32 to vector<1280x128xf32>
    %max3A_45 = arith.maximumf %add3A_42, %max3A_44 : vector<1280x128xf32>
    %broadcast_in_dim3A_46 = vector.shape_cast %rsqrt3A_36 : vector<1280xf32> to vector<1280x1xf32>
    %mul3A_47 = vector.broadcast %broadcast_in_dim3A_46 : vector<1280x1xf32> to vector<1280x128xf32>
    %mul3A_48 = arith.mulf %max3A_45, %mul3A_47 : vector<1280x128xf32>
    %get3A_49 = arith.constant 0 : index
    %get3A_50 = arith.constant 0 : index
    %get3A_51 = vector.load %arg4[%get3A_49, %get3A_50] : memref<128x128xf32, #tpu.memory_space<vmem>>, vector<128x128xf32>
    %dot_general3A = arith.constant dense<0.000000e+00> : vector<1280x128xf32>
    %dot_general3A_52 = tpu.matmul %mul3A_48, %get3A_51, %dot_general3A {dimension_numbers = #tpu.dot_dimension_numbers<[1], [0], [0], [1], [0, 0, 1, 1], [], []>, transpose_lhs_hint = false} : vector<1280x128xf32>, vector<128x128xf32>, vector<1280x128xf32> -> vector<1280x128xf32>
    %swap3A = arith.constant 0 : index
    %swap3A_53 = arith.constant 0 : index
    %swap3A_54 = vector.load %arg5[%swap3A, %swap3A_53] : memref<1280x128xf32, #tpu.memory_space<vmem>>, vector<1280x128xf32>
    tpu.vector_store %arg5[%swap3A, %swap3A_53], %dot_general3A_52 {strides = array<i32>} : memref<1280x128xf32, #tpu.memory_space<vmem>>, vector<1280x128xf32>,
    return
  }
  func.func @transform_0(%arg0: i32) -> (i32, i32, i32) {
    %c0_i32 = arith.constant 0 : i32
    %c0_i32_0 = arith.constant 0 : i32
    %c0_i32_1 = arith.constant 0 : i32
    return %c0_i32, %arg0, %c0_i32_0 : i32, i32, i32
  }
  func.func @transform_1(%arg0: i32) -> (i32, i32, i32) {
    %c0_i32 = arith.constant 0 : i32
    %c0_i32_0 = arith.constant 0 : i32
    %c0_i32_1 = arith.constant 0 : i32
    return %c0_i32, %c0_i32_0, %arg0 : i32, i32, i32
  }
  func.func @transform_2(%arg0: i32) -> i32 {
    %c0_i32 = arith.constant 0 : i32
    %c0_i32_0 = arith.constant 0 : i32
    return %c0_i32 : i32
  }
  func.func @transform_3(%arg0: i32) -> (i32, i32) {
    %c0_i32 = arith.constant 0 : i32
    %c0_i32_0 = arith.constant 0 : i32
    %c0_i32_1 = arith.constant 0 : i32
    return %c0_i32, %c0_i32_0 : i32, i32
  }
  func.func @transform_4(%arg0: i32) -> (i32, i32) {
    %c0_i32 = arith.constant 0 : i32
    %c0_i32_0 = arith.constant 0 : i32
    return %arg0, %c0_i32 : i32, i32
  }
}

module attributes {stable_mosaic.version = 14 : i64} {
  func.func @_final_body(%arg0: i32, %arg1: memref<2x1280x128xf32, #tpu.memory_space<vmem>>, %arg2: memref<2x2x1280xf32, #tpu.memory_space<vmem>>, %arg3: memref<128xf32, #tpu.memory_space<vmem>>, %arg4: memref<1280x128xf32, #tpu.memory_space<vmem>>) attributes {dimension_semantics = [#tpu.dimension_semantics<arbitrary>], iteration_bounds = array<i64: 8>, scalar_prefetch = 0 : i64, scratch_operands = 0 : i64, tpu.core_type = #tpu.core_type<tc>, window_params = [{transform_indices = @transform_0, window_bounds = array<i64: 2, 1280, 128>}, {transform_indices = @transform_1, window_bounds = array<i64: 2, 2, 1280>}, {pipeline_mode = #tpu.pipeline_mode<synchronous>, transform_indices = @transform_2, window_bounds = array<i64: 128>}, {transform_indices = @transform_3, window_bounds = array<i64: 1280, 128>}]} {
    %get3A = arith.constant 0 : index
    %get3A_0 = arith.constant 0 : index
    %get3A_1 = arith.constant 0 : index
    %get3A_2 = vector.load %arg1[%get3A, %get3A_0, %get3A_1] : memref<2x1280x128xf32, #tpu.memory_space<vmem>>, vector<1x1280x128xf32>
    %get3A_3 = vector.shape_cast %get3A_2 : vector<1x1280x128xf32> to vector<1280x128xf32>
    %get3A_4 = arith.constant 1 : index
    %get3A_5 = arith.constant 0 : index
    %get3A_6 = arith.constant 0 : index
    %get3A_7 = vector.load %arg1[%get3A_4, %get3A_5, %get3A_6] : memref<2x1280x128xf32, #tpu.memory_space<vmem>>, vector<1x1280x128xf32>
    %get3A_8 = vector.shape_cast %get3A_7 : vector<1x1280x128xf32> to vector<1280x128xf32>
    %add3A = arith.addf %get3A_3, %get3A_8 : vector<1280x128xf32>
    %get3A_9 = arith.constant 0 : index
    %get3A_10 = arith.constant 1 : index
    %get3A_11 = arith.constant 0 : index
    %get3A_12 = vector.load %arg2[%get3A_9, %get3A_10, %get3A_11] : memref<2x2x1280xf32, #tpu.memory_space<vmem>>, vector<1x1x1280xf32>
    %get3A_13 = vector.shape_cast %get3A_12 : vector<1x1x1280xf32> to vector<1280xf32>
    %get3A_14 = arith.constant 1 : index
    %get3A_15 = arith.constant 1 : index
    %get3A_16 = arith.constant 0 : index
    %get3A_17 = vector.load %arg2[%get3A_14, %get3A_15, %get3A_16] : memref<2x2x1280xf32, #tpu.memory_space<vmem>>, vector<1x1x1280xf32>
    %get3A_18 = vector.shape_cast %get3A_17 : vector<1x1x1280xf32> to vector<1280xf32>
    %add3A_19 = arith.addf %get3A_13, %get3A_18 : vector<1280xf32>
    %max3A = arith.constant 1.000000e+00 : f32
    %max3A_20 = vector.broadcast %max3A : f32 to vector<1280xf32>
    %max3A_21 = arith.maximumf %add3A_19, %max3A_20 : vector<1280xf32>
    %rsqrt3A = math.rsqrt %max3A_21 : vector<1280xf32>
    %broadcast_in_dim3A = vector.shape_cast %rsqrt3A : vector<1280xf32> to vector<1280x1xf32>
    %mul3A = vector.broadcast %broadcast_in_dim3A : vector<1280x1xf32> to vector<1280x128xf32>
    %mul3A_22 = arith.mulf %add3A, %mul3A : vector<1280x128xf32>
    %get3A_23 = arith.constant 0 : index
    %get3A_24 = vector.load %arg3[%get3A_23] : memref<128xf32, #tpu.memory_space<vmem>>, vector<128xf32>
    %broadcast_in_dim3A_25 = vector.shape_cast %get3A_24 : vector<128xf32> to vector<1x128xf32>
    %add3A_26 = vector.broadcast %broadcast_in_dim3A_25 : vector<1x128xf32> to vector<1280x128xf32>
    %add3A_27 = arith.addf %mul3A_22, %add3A_26 : vector<1280x128xf32>
    %swap3A = arith.constant 0 : index
    %swap3A_28 = arith.constant 0 : index
    %swap3A_29 = vector.load %arg4[%swap3A, %swap3A_28] : memref<1280x128xf32, #tpu.memory_space<vmem>>, vector<1280x128xf32>
    tpu.vector_store %arg4[%swap3A, %swap3A_28], %add3A_27 {strides = array<i32>} : memref<1280x128xf32, #tpu.memory_space<vmem>>, vector<1280x128xf32>,
    return
  }
  func.func @transform_0(%arg0: i32) -> (i32, i32, i32) {
    %c0_i32 = arith.constant 0 : i32
    %c0_i32_0 = arith.constant 0 : i32
    %c0_i32_1 = arith.constant 0 : i32
    return %c0_i32, %arg0, %c0_i32_0 : i32, i32, i32
  }
  func.func @transform_1(%arg0: i32) -> (i32, i32, i32) {
    %c0_i32 = arith.constant 0 : i32
    %c0_i32_0 = arith.constant 0 : i32
    %c0_i32_1 = arith.constant 0 : i32
    return %c0_i32, %c0_i32_0, %arg0 : i32, i32, i32
  }
  func.func @transform_2(%arg0: i32) -> i32 {
    %c0_i32 = arith.constant 0 : i32
    %c0_i32_0 = arith.constant 0 : i32
    return %c0_i32 : i32
  }
  func.func @transform_3(%arg0: i32) -> (i32, i32) {
    %c0_i32 = arith.constant 0 : i32
    %c0_i32_0 = arith.constant 0 : i32
    return %arg0, %c0_i32 : i32, i32
  }
}

</mosaic_0001>

<sc_bundles>
// kernel: kernel.11.cloned.1.call-start
scs
__scs_entry_jumppad:
0x0: {  	(pc) =	sbr.rel $0x88, $3  }
0x1: {  	(tag) =	ssettag $0x0;
	lr =	simm.s32 $0x1  }
0x2: {  	[smem:$0x3F9B] =	sst lr;
	_ =	strace $0xD0000000  }
0x3: {  	_ = 	snop  }
0x4: {  	_ = 	snop  }
0x5: {  	_ = 	snop  }
0x6: {  	_ = 	snop  }
0x7: {  	_ = 	snop  }
__scs_overlays_trampoline_lowered:
0x8: {  	[smem:$0x3FAA] =	sst s0  }
0x9: {  	[smem:$0x3FAB] =	sst s1  }
0xa: {  	[smem:$0x3FAC] =	sst s2  }
0xb: {  	[smem:$0x3FAD] =	sst s3  }
0xc: {  	[smem:$0x3FAE] =	sst s4  }
0xd: {  	[smem:$0x3FAF] =	sst s5  }
0xe: {  	[smem:$0x3FB0] =	sst s6  }
0xf: {  	[smem:$0x3FB1] =	sst s7  }
0x10: {  	[smem:$0x3FB2] =	sst s8  }
0x11: {  	[smem:$0x3FB3] =	sst s9;
	s0 =	simm.s32 @!p0 $0x0  }
0x12: {  	s1 =	sld [smem:$0x3F99];
	s0 =	simm.s32 @p0 $0x1  }
0x13: {  	[smem:$0x3FB4] =	sst s0;
	s0 =	simm.s32 @!p1 $0x0  }
0x14: {  	s2 =	sld [smem:$0x3F98];
	s0 =	simm.s32 @p1 $0x1  }
0x15: {  	[smem:$0x3FB5] =	sst s0;
	s0 =	simm.s32 @!p2 $0x0  }
0x16: {  	s3 =	sld [smem:$0x3FDB];
	s0 =	simm.s32 @p2 $0x1  }
0x17: {  	s4 =	simm.s32 $0x1BF5;
	[smem:$0x3FB7] =	sst s0  }
0x18: {  	s0 =	sld [smem:$0x3F9A];
	_ =	swait.ge [sflag:s4], $0x0  }
0x19: {  	s7 =	sld [smem:$0x3F9B]  }
0x1a: {  	s8 =	sadd.s32 $0xFFFFE003, lr  }
0x1b: {  	s9 =	sadd.s32 $0xFFFFFEF7, lr;
	s5 =	simm.s32 $0xFFFFFFFF;
	p2 =	slt.u32 s8, $0xFFFFF086  }
0x1c: {  	p1 =	slt.u32 s9, $0xF7A;
	s5 =	simm.s32 @!p2 $0x0  }
0x1d: {  	s5 =	simm.s32 @p1 $0x1;
	p0 =	seq.s32 s7, s2  }
0x1e: {  	s7 =	smul.u32 @!p0 $0xF7A, s2;
	p2 =	seq.s32 @!p0 s5, $0x0  }
0x1f: {  	s9 =	smul.u32 $0xF7A, s1;
	s8 =	simm.s32 @!p0 $0x1BF5;
	p2 =	por !p2, p0  }
0x20: {  	[sflag:s8] =	ssyncset.s32 @!p0 $0xFFFFF086;
	s6 =	sadd.s32 @!p0 s3, s7;
	s7 =	simm.s32 @!p0 $0x108  }
0x21: {  	s3 =	sadd.s32 s3, s9;
	s6 =	sadd.s32 @!p0 $0x88, s6;
	s7 =	simm.s32 @p2 $0x1082  }
0x22: {  	[simem:s7], [sflag:s8] =	dma.local @!p0 [hbm:s6], $0xF7A  }
0x23: {  	s9 =	sor.u32 $0xD0000000, s2;
	s6 =	simm.s32 $0x108;
	_ =	swait.ge @!p0 [sflag:s8], $0x0  }
0x24: {  	s3 =	sadd.s32 $0x88, s3;
	s6 =	simm.s32 @!p1 $0x1082;
	[sflag:s4] =	ssyncset.s32 $0xFFFFF086  }
0x25: {  	[simem:s6], [sflag:s4] =	dma.local [hbm:s3], $0xF7A  }
0x26: {  	[smem:$0x3F9B] =	sst s1;
	(tag) =	ssettag s2;
	_ =	strace s9  }
0x27: {  	s1 =	sld [smem:$0x3FAB]  }
0x28: {  	s2 =	sld [smem:$0x3FAC]  }
0x29: {  	s4 =	sld [smem:$0x3FAE]  }
0x2a: {  	p0 =	seq.s32 s5, $0x0;
	s5 =	sld [smem:$0x3FAF]  }
0x2b: {  	s6 =	sld [smem:$0x3FB0]  }
0x2c: {  	s7 =	sld [smem:$0x3FB1]  }
0x2d: {  	s3 =	simm.s32 $0x108;
	s8 =	sld [smem:$0x3FB2]  }
0x2e: {  	s3 =	simm.s32 @!p0 $0x1082;
	s9 =	sld [smem:$0x3FB3]  }
0x2f: {  	lr =	sadd.s32 s0, s3;
	s0 =	sld [smem:$0x3FAA]  }
0x30: {  	s3 =	sld [smem:$0x3FAD]  }
0x31: {  	[smem:$0x3FB6] =	sst s10  }
0x32: {  	s10 =	sld [smem:$0x3FB4];
	_ =	sdelay $0x3  }
0x33: {  	p0 =	seq.s32 s10, $0x1;
	s10 =	sld [smem:$0x3FB6];
	_ =	sdelay $0x3  }
0x34: {  	[smem:$0x3FB6] =	sst s10  }
0x35: {  	s10 =	sld [smem:$0x3FB5];
	_ =	sdelay $0x3  }
0x36: {  	p1 =	seq.s32 s10, $0x1;
	s10 =	sld [smem:$0x3FB6];
	_ =	sdelay $0x3  }
0x37: {  	[smem:$0x3FB6] =	sst s10  }
0x38: {  	s10 =	sld [smem:$0x3FB7]  }
0x39: {  	_ = 	snop;
	(pc) =	sbr.ind lr, $3  }
0x3a: {  	_ = 	snop  }
0x3b: {  	_ = 	snop  }
0x3c: {  	p2 =	seq.s32 s10, $0x1;
	s10 =	sld [smem:$0x3FB6]  }
0x3d: {  	_ =	shalt  }
0x3e: {  	_ =	shalt  }
0x3f: {  	_ =	shalt  }
0x40: {  	_ =	shalt  }
0x41: {  	_ =	shalt  }
0x42: {  	_ =	shalt  }
0x43: {  	_ =	shalt  }
0x44: {  	_ =	shalt  }
0x45: {  	_ =	shalt  }
0x46: {  	_ =	shalt  }
0x47: {  	_ =	shalt  }
0x48: {  	_ =	shalt  }
0x49: {  	_ =	shalt  }
0x4a: {  	_ =	shalt  }
0x4b: {  	_ =	shalt  }
0x4c: {  	_ =	shalt  }
0x4d: {  	_ =	shalt  }
0x4e: {  	_ =	shalt  }
0x4f: {  	_ =	shalt  }
0x50: {  	_ =	shalt  }
0x51: {  	_ =	shalt  }
0x52: {  	_ =	shalt  }
0x53: {  	_ =	shalt  }
0x54: {  	_ =	shalt  }
0x55: {  	_ =	shalt  }
0x56: {  	_ =	shalt  }
0x57: {  	_ =	shalt  }
0x58: {  	_ =	shalt  }
0x59: {  	_ =	shalt  }
0x5a: {  	_ =	shalt  }
0x5b: {  	_ =	shalt  }
0x5c: {  	_ =	shalt  }
0x5d: {  	_ =	shalt  }
0x5e: {  	_ =	shalt  }
0x5f: {  	_ =	shalt  }
0x60: {  	_ =	shalt  }
0x61: {  	_ =	shalt  }
0x62: {  	_ =	shalt  }
0x63: {  	_ =	shalt  }
0x64: {  	_ =	shalt  }
0x65: {  	_ =	shalt  }
0x66: {  	_ =	shalt  }
0x67: {  	_ =	shalt  }
0x68: {  	_ =	shalt  }
0x69: {  	_ =	shalt  }
0x6a: {  	_ =	shalt  }
0x6b: {  	_ =	shalt  }
0x6c: {  	_ =	shalt  }
0x6d: {  	_ =	shalt  }
0x6e: {  	_ =	shalt  }
0x6f: {  	_ =	shalt  }
0x70: {  	_ =	shalt  }
0x71: {  	_ =	shalt  }
0x72: {  	_ =	shalt  }
0x73: {  	_ =	shalt  }
0x74: {  	_ =	shalt  }
0x75: {  	_ =	shalt  }
0x76: {  	_ =	shalt  }
0x77: {  	_ =	shalt  }
0x78: {  	_ =	shalt  }
0x79: {  	_ =	shalt  }
0x7a: {  	_ =	shalt  }
0x7b: {  	_ =	shalt  }
0x7c: {  	_ =	shalt  }
0x7d: {  	_ =	shalt  }
0x7e: {  	_ =	shalt  }
0x7f: {  	_ =	shalt  }
0x80: {  	_ =	shalt  }
0x81: {  	_ =	shalt  }
0x82: {  	_ =	shalt  }
0x83: {  	_ =	shalt  }
0x84: {  	_ =	shalt  }
0x85: {  	_ =	shalt  }
0x86: {  	_ =	shalt  }
0x87: {  	_ =	shalt  }
.Lfunc_end0:
.L_simem_size_0:
called_computation.1_lowered:
.L_overlay_start_0:
0x88: {  	s2 =	sld [smem:$0x3FD9]  }
0x89: {  	s3 =	sld [smem:$0x3FFE];
	_ =	sdelay $0x1  }
0x8a: {  	s1 =	srdreg.scid  }
0x8b: {  	s0 =	sand.u32 $0x1, s1  }
0x8c: {  	s17 =	sshll.u32 s0, $0xA;
	s2 =	sadd.s32 s3, s2  }
0x8d: {  	s2 =	sadd.s32 s2, s17  }
0x8e: {  	[smem:$0x3FC2] =	sst s2  }
0x8f: {  	_ = 	snop  }
0x90: {  	s2 =	sld [smem:$0x3FD0];
	(tm) =	ssettm $0x1  }
0x91: {  	s18 =	sld [smem:$0x3FFB];
	_ =	sdelay $0x3  }
0x92: {  	_ =	strace s18  }
0x93: {  	s3 =	sld [smem:$0x3FFC];
	_ =	sdelay $0x3  }
0x94: {  	_ =	strace s3  }
0x95: {  	s3 =	sld [smem:$0x3FFD];
	_ =	sdelay $0x3  }
0x96: {  	_ =	strace s3  }
0x97: {  	_ =	strace $0x8FFFFFFF  }
0x98: {  	s19 =	sld [smem:$0x3FDB];
	_ =	sdelay $0x1  }
0x99: {  	s4 =	simm.s32 $_scs_section_size  }
0x9a: {  	s5 =	simm.s32 $_size__tile_overlayer_lowered;
	s6 =	simm.s32 $_tile_overlayer_lowered  }
0x9b: {  	s22 =	simm.s32 $0x1BFF;
	s21 =	sshll.u32 s6, $0x1;
	s3 =	sadd.s32 s4, s19  }
0x9c: {  	s7 =	simm.s32 $0x0;
	s20 =	sshll.u32 s5, $0x1;
	s5 =	sadd.s32 s21, s3  }
0x9d: {  	[timem:s7], [sflag:s22] =	dma.local [hbm:s5], s20  }
0x9e: {  	_ =	swait.ge [sflag:s22], s20  }
0x9f: {  	s4 =	ssub.s32 $0x0, s20;
	[sflag:s22] =	ssyncset.done $0x0  }
0xa0: {  	[sflag:s22] =	ssyncadd.s32 s4;
	_ =	sdelay $0x1  }
0xa1: {  	s23 =	simm.s32 $0x1B8B  }
0xa2: {  	_ =	swait.ge [sflag:s23], $0x1  }
0xa3: {  	[sflag:s23] =	ssyncset.done $0x0  }
0xa4: {  	s25 =	simm.s32 $0x1B8E;
	s24 =	sld [smem:$0x3FFE];
	[sflag:s23] =	ssyncadd.s32 $0xFFFFFFFF  }
0xa5: {  	s26 =	simm.s32 $execute0_lowered;
	[smem:$0x3FD2] =	sst s25  }
0xa6: {  	s5 =	sshll.u32 s26, $0x1;
	_ =	strace $0x80000049;
	[dreg:$0x1] =	wrdreg $0xFFFFFFFF  }
0xa7: {  	s28 =	simm.s32 $_size_execute0_lowered;
	s3 =	sadd.s32 s3, s5;
	[dreg:$0x0] =	wrdreg $0x0  }
0xa8: {  	s5 =	sshll.u32 s28, $0x1;
	[dreg:$0x2] =	wrdreg s3  }
0xa9: {  	[dreg:$0x3] =	wrdreg s5  }
0xaa: {  	[dreg:$0x4] =	wrdreg $0xC0  }
0xab: {  	_ =	task [dreg:s7], $0x5FFFF  }
0xac: {  	[dreg:$0x1] =	wrdreg $0xFFFFFFFF  }
0xad: {  	[dreg:$0x0] =	wrdreg $0x60  }
0xae: {  	[dreg:$0x2] =	wrdreg s24  }
0xaf: {  	[dreg:$0x3] =	wrdreg s2  }
0xb0: {  	[dreg:$0x4] =	wrdreg $0xA8000  }
0xb1: {  	[dreg:$0x5] =	wrdreg $0x9  }
0xb2: {  	_ =	task.clear_ibuf [dreg:s7], $0x6FFFF;
	_ =	strace $0x90000049  }
0xb3: {  	s29 =	simm.s32 $0x9;
	_ =	strace $0x8000004B  }
0xb4: {  	_ =	swait.ge [sflag:s29], $0x1  }
0xb5: {  	[sflag:s29] =	ssyncadd.s32 $0xFFFFFFFF  }
0xb6: {  	_ =	strace $0x9000004B  }
0xb7: {  	_ =	sfence  }
0xb8: {  	s30 =	sld [smem:$0x0];
	_ =	sdelay $0x2  }
0xb9: {  	s31 =	sshll.u32 s1, $0xD;
	s1 =	sshrl.u32 s1, $0x2  }
0xba: {  	s3 =	sand.u32 $0x4000, s31;
	s1 =	sadd.s32 s1, s30  }
0xbb: {  	s0 =	sor.u32 s3, s0;
	s1 =	sshll.u32 s1, $0x11  }
0xbc: {  	s0 =	sor.u32 s1, s0  }
0xbd: {  	s0 =	sadd.s32 $0x8F2B, s0  }
0xbe: {  	[sflag:s0] =	ssyncadd.remote.s32 $0x1  }
0xbf: {  	_ =	sfence.sel $0xFFFF  }
0xc0: {  	[dreg:$0x0] =	wrdreg $0xFFFFFFFF;
	(pc) =	sbr.abs _section_cstart, $3  }
0xc1: {  	[dreg:$0x1] =	wrdreg $0xFFFFFFFF  }
0xc2: {  	_ =	task.clear_ibuf [dreg:s7], $0x2FFFF;
	_ =	strace $0x9FFFFFFF  }
0xc3: {  	(tm) =	ssettm $0x7FFFFFFF  }
tec
execute0_lowered:
.L_overlay_start_1:
0x0: {  	(tag) =	ssettag $0x1  }
0x1: {  	s5 =	rddreg [dreg:$0x0]  }
0x2: {  	s9 =	rddreg [dreg:$0x1];
	s0 =	srdreg.scid  }
0x3: {  	s2 =	rddreg [dreg:$0x2];
	s1 =	stileid.u32;
	s3 =	simm.s32 $0x0  }
0x4: {  	s16 =	simm.s32 $0x2800;
	s17 =	simm.s32 $0x3;
	s18 =	simm.s32 $0x1400  }
0x5: {  	s19 =	simm.s32 $0x80;
	s20 =	simm.s32 $0x6800;
	s7 =	smul.u32 $0x14000, s1  }
0x6: {  	s21 =	simm.s32 $0x1;
	s22 =	simm.s32 $0x2;
	s8 =	smul.u32 $0x50000, s1  }
0x7: {  	s23 =	simm.s32 $0x2700;
	s6 =	sand.u32 $0x1, s0;
	s11 =	smul.u32 $0x2800, s1  }
0x8: {  	s24 =	simm.s32 $0x2780;
	s0 =	rddreg [dreg:$0x3];
	s4 =	smul.u32 $0x140000, s6  }
0x9: {  	[smem:$0x7FF] =	sst s3;
	s10 =	smul.u32 $0x28000, s6;
	s6 =	ssub.s32 $0x2, s6  }
0xa: {  	_ =	strace $0x8000004A;
	s29 =	sshrl.u32 s8, $0x2;
	s30 =	sshrl.u32 s6, $0x1  }
0xb: {  	s7 =	sadd.s32 s7, s4;
	s4 =	sadd.s32 $0x2600, s5;
	s31 =	sadd.s32 s11, s10  }
0xc: {  	s15 =	ssub.s32 s6, s30;
	s7 =	sshrl.u32 s7, $0x3;
	s10 =	sshrl.u32 s31, $0x3  }
0xd: {  	s15 =	smax.u32 s15, $0x1;
	s14 =	sadd.s32 s7, s5;
	s5 =	sadd.s32 s29, s2  }
0xe: {  	s9 =	sadd.s32 s9, s10;
	s6 =	sadd.s32 $0x4000, s5;
	s7 =	sadd.s32 $0x8000, s5  }
0xf: {  	s8 =	sadd.s32 $0xC000, s5;
	s10 =	sadd.s32 $0x10000, s5;
	s11 =	sadd.s32 $0xA000, s9  }
0x10: {  	v0 =	vimm.f32 $0.0e+00;
	s12 =	sadd.s32 $0x280, s9;
	s13 =	sadd.s32 $0xA280, s9;
	s14 =	sadd.s32 $0x2A600, s14  }
.LBB2_1:
0x11: {  	s25 =	simm.s32 $0x0;
	s26 =	simm.s32 $0x200  }
.LBB2_2:
0x12: {  	p0 =	sne.s32 s26, $0xFE00;
	[tilespmem:s25+$0x2870] =	vst v0  }
0x13: {  	[tilespmem:s25+$0x2800] =	vst v0  }
0x14: {  	[tilespmem:s25+$0x2810] =	vst v0  }
.Ltmp0:
0x15: {  	[tilespmem:s25+$0x2820] =	vst v0;
	(pc) =	sbr.rel @p0 .LBB2_2-.Ltmp0, $4  }
0x16: {  	[tilespmem:s25+$0x2830] =	vst v0  }
0x17: {  	[tilespmem:s25+$0x2840] =	vst v0  }
0x18: {  	[tilespmem:s25+$0x2850] =	vst v0  }
0x19: {  	[tilespmem:s25+$0x2860] =	vst v0;
	s25 =	sshra.s32 s26, $0x2;
	s26 =	sadd.s32 $0x200, s26  }
0x1a: {  	[tilespmem:s25+$0x2870] =	vst v0  }
0x1b: {  	[tilespmem:s25+$0x2800] =	vst v0  }
0x1c: {  	[tilespmem:s25+$0x2810] =	vst v0  }
0x1d: {  	[tilespmem:s25+$0x2820] =	vst v0  }
0x1e: {  	[tilespmem:s25+$0x2830] =	vst v0  }
0x1f: {  	[tilespmem:s25+$0x2840] =	vst v0  }
0x20: {  	[tilespmem:s25+$0x2850] =	vst v0  }
0x21: {  	[tilespmem:s25+$0x2860] =	vst v0  }
0x22: {  	[spmem:s5] =	stream.linear.scatter [tilespmem:s16], [sflag:$0x3], $0x4000, $0x38;
	[tilespmem:$0x1E800] =	vst v63  }
0x23: {  	_ =	swait.ge [sflag:s17], $0x4000  }
0x24: {  	[sflag:s17] =	ssyncset.done $0x0  }
0x25: {  	[sflag:s17] =	ssyncadd.s32 $0xFFFFC000  }
0x26: {  	[spmem:s6] =	stream.linear.scatter [tilespmem:s16], [sflag:$0x3], $0x4000, $0x38;
	[tilespmem:$0x1E800] =	vst v63  }
0x27: {  	_ =	swait.ge [sflag:s17], $0x4000  }
0x28: {  	[sflag:s17] =	ssyncset.done $0x0  }
0x29: {  	[sflag:s17] =	ssyncadd.s32 $0xFFFFC000  }
0x2a: {  	[spmem:s7] =	stream.linear.scatter [tilespmem:s16], [sflag:$0x3], $0x4000, $0x38;
	[tilespmem:$0x1E800] =	vst v63  }
0x2b: {  	_ =	swait.ge [sflag:s17], $0x4000  }
0x2c: {  	[sflag:s17] =	ssyncset.done $0x0  }
0x2d: {  	[sflag:s17] =	ssyncadd.s32 $0xFFFFC000  }
0x2e: {  	[spmem:s8] =	stream.linear.scatter [tilespmem:s16], [sflag:$0x3], $0x4000, $0x38;
	[tilespmem:$0x1E800] =	vst v63  }
0x2f: {  	_ =	swait.ge [sflag:s17], $0x4000  }
0x30: {  	[sflag:s17] =	ssyncset.done $0x0  }
0x31: {  	[sflag:s17] =	ssyncadd.s32 $0xFFFFC000  }
0x32: {  	[spmem:s10] =	stream.linear.scatter [tilespmem:s16], [sflag:$0x3], $0x4000, $0x38;
	[tilespmem:$0x1E800] =	vst v63  }
0x33: {  	_ =	swait.ge [sflag:s17], $0x4000  }
0x34: {  	[sflag:s17] =	ssyncset.done $0x0  }
0x35: {  	[sflag:s17] =	ssyncadd.s32 $0xFFFFC000  }
0x36: {  	s28 =	simm.s32 $0x0;
	[bflag:$0x0] =	sbarrier.arrive $0xFFFF  }
0x37: {  	[tilespmem:s28], [sflag:$0x3] =	stream.linear.gather [hbm4b:s9+s28], $0x1400, $0x38;
	[tilespmem:$0x1E800] =	vst v63  }
0x38: {  	_ =	swait.ge [sflag:s17], $0x1400  }
0x39: {  	[sflag:s17] =	ssyncset.done $0x0  }
0x3a: {  	[sflag:s17] =	ssyncadd.s32 $0xFFFFEC00  }
0x3b: {  	[tilespmem:s18], [sflag:$0x3] =	stream.linear.gather [hbm4b:s11+s28], $0x1400, $0x38;
	[tilespmem:$0x1E800] =	vst v63  }
0x3c: {  	_ =	swait.ge [sflag:s17], $0x1400  }
0x3d: {  	[sflag:s17] =	ssyncset.done $0x0  }
0x3e: {  	[sflag:s17] =	ssyncadd.s32 $0xFFFFEC00  }
0x3f: {  	[tilespmem:s16], [sflag:$0x1] =	stream.indirect.gather [hbm4b:s4+s19], $0x80, s28, s19, $0xb8;
	[tilespmem:$0x1E800] =	vst v63  }
0x40: {  	_ = 	snop  }
0x41: {  	[tilespmem:s20], [sflag:$0x2] =	stream.indirect.gather [hbm4b:s4+s19], $0x80, s19, s19, $0xb8;
	[tilespmem:$0x1E800] =	vst v63  }
0x42: {  	_ =	swait.ge [sflag:s21], $0x4000  }
0x43: {  	[sflag:s21] =	ssyncset.done $0x0  }
0x44: {  	s29 =	simm.s32 $0x1400;
	[sflag:s21] =	ssyncadd.s32 $0xFFFFC000  }
0x45: {  	[spmem:s2] =	stream.indirect.scatter.add.f32 [tilespmem:s16], [sflag:$0x3], $0x80, s29, s19, $0xb8;
	[tilespmem:$0x1E800] =	vst v63  }
0x46: {  	_ =	swait.ge [sflag:s17], $0x4000  }
0x47: {  	[sflag:s17] =	ssyncset.done $0x0  }
0x48: {  	s30 =	simm.s32 $0x100;
	[sflag:s17] =	ssyncadd.s32 $0xFFFFC000  }
0x49: {  	[tilespmem:s16], [sflag:$0x1] =	stream.indirect.gather [hbm4b:s4+s19], $0x80, s30, s19, $0xb8;
	[tilespmem:$0x1E800] =	vst v63  }
0x4a: {  	_ =	swait.ge [sflag:s22], $0x4000  }
0x4b: {  	[sflag:s22] =	ssyncset.done $0x0  }
0x4c: {  	s31 =	simm.s32 $0x1480;
	[sflag:s22] =	ssyncadd.s32 $0xFFFFC000  }
0x4d: {  	[spmem:s2] =	stream.indirect.scatter.add.f32 [tilespmem:s20], [sflag:$0x3], $0x80, s31, s19, $0xb8;
	[tilespmem:$0x1E800] =	vst v63  }
0x4e: {  	_ =	swait.ge [sflag:s17], $0x4000  }
0x4f: {  	[sflag:s17] =	ssyncset.done $0x0  }
0x50: {  	s25 =	simm.s32 $0x400;
	s26 =	simm.s32 $0x180;
	[sflag:s17] =	ssyncadd.s32 $0xFFFFC000  }
.LBB2_4:
0x51: {  	[tilespmem:s20], [sflag:$0x2] =	stream.indirect.gather [hbm4b:s4+s19], $0x80, s26, s19, $0xb8;
	[tilespmem:$0x1E800] =	vst v63  }
0x52: {  	s26 =	smov.u32 s25  }
0x53: {  	p0 =	sne.s32 s25, $0x4800;
	s25 =	sadd.s32 $0x400, s25;
	_ =	swait.ge [sflag:s21], $0x4000  }
0x54: {  	s26 =	sshra.s32 s26, $0x2;
	[sflag:s21] =	ssyncset.done $0x0  }
0x55: {  	s28 =	sadd.s32 $0x1400, s26;
	[sflag:s21] =	ssyncadd.s32 $0xFFFFC000  }
0x56: {  	[spmem:s2] =	stream.indirect.scatter.add.f32 [tilespmem:s16], [sflag:$0x3], $0x80, s28, s19, $0xb8;
	[tilespmem:$0x1E800] =	vst v63  }
0x57: {  	_ =	swait.ge [sflag:s17], $0x4000  }
0x58: {  	[sflag:s17] =	ssyncset.done $0x0  }
0x59: {  	s28 =	sadd.s32 $0x100, s26;
	[sflag:s17] =	ssyncadd.s32 $0xFFFFC000  }
0x5a: {  	[tilespmem:s16], [sflag:$0x1] =	stream.indirect.gather [hbm4b:s4+s19], $0x80, s28, s19, $0xb8;
	[tilespmem:$0x1E800] =	vst v63  }
0x5b: {  	_ =	swait.ge [sflag:s22], $0x4000  }
0x5c: {  	[sflag:s22] =	ssyncset.done $0x0  }
.Ltmp1:
0x5d: {  	s28 =	sadd.s32 $0x1480, s26;
	[sflag:s22] =	ssyncadd.s32 $0xFFFFC000;
	(pc) =	sbr.rel @p0 .LBB2_4-.Ltmp1, $4  }
0x5e: {  	[spmem:s2] =	stream.indirect.scatter.add.f32 [tilespmem:s20], [sflag:$0x3], $0x80, s28, s19, $0xb8;
	[tilespmem:$0x1E800] =	vst v63  }
0x5f: {  	_ =	swait.ge [sflag:s17], $0x4000  }
0x60: {  	[sflag:s17] =	ssyncset.done $0x0  }
0x61: {  	s26 =	sadd.s32 $0x180, s26;
	[sflag:s17] =	ssyncadd.s32 $0xFFFFC000  }
0x62: {  	[tilespmem:s20], [sflag:$0x2] =	stream.indirect.gather [hbm4b:s4+s19], $0x80, s26, s19, $0xb8;
	[tilespmem:$0x1E800] =	vst v63  }
0x63: {  	_ =	swait.ge [sflag:s21], $0x4000  }
0x64: {  	[sflag:s21] =	ssyncset.done $0x0  }
0x65: {  	[sflag:s21] =	ssyncadd.s32 $0xFFFFC000  }
0x66: {  	[spmem:s2] =	stream.indirect.scatter.add.f32 [tilespmem:s16], [sflag:$0x3], $0x80, s23, s19, $0xb8;
	[tilespmem:$0x1E800] =	vst v63  }
0x67: {  	_ =	swait.ge [sflag:s17], $0x4000  }
0x68: {  	[sflag:s17] =	ssyncset.done $0x0  }
0x69: {  	[sflag:s17] =	ssyncadd.s32 $0xFFFFC000  }
0x6a: {  	_ =	swait.ge [sflag:s22], $0x4000  }
0x6b: {  	[sflag:s22] =	ssyncset.done $0x0  }
0x6c: {  	[sflag:s22] =	ssyncadd.s32 $0xFFFFC000  }
0x6d: {  	[spmem:s2] =	stream.indirect.scatter.add.f32 [tilespmem:s20], [sflag:$0x3], $0x80, s24, s19, $0xb8;
	[tilespmem:$0x1E800] =	vst v63  }
0x6e: {  	_ =	swait.ge [sflag:s17], $0x4000  }
0x6f: {  	[sflag:s17] =	ssyncset.done $0x0  }
0x70: {  	s25 =	simm.s32 $0x0;
	[sflag:s17] =	ssyncadd.s32 $0xFFFFC000  }
0x71: {  	[tilespmem:s25], [sflag:$0x3] =	stream.linear.gather [hbm4b:s12+s25], $0x1400, $0x38;
	[tilespmem:$0x1E800] =	vst v63  }
0x72: {  	_ =	swait.ge [sflag:s17], $0x1400  }
0x73: {  	[sflag:s17] =	ssyncset.done $0x0  }
0x74: {  	[sflag:s17] =	ssyncadd.s32 $0xFFFFEC00  }
0x75: {  	[tilespmem:s18], [sflag:$0x3] =	stream.linear.gather [hbm4b:s13+s25], $0x1400, $0x38;
	[tilespmem:$0x1E800] =	vst v63  }
0x76: {  	_ =	swait.ge [sflag:s17], $0x1400  }
0x77: {  	[sflag:s17] =	ssyncset.done $0x0  }
0x78: {  	[sflag:s17] =	ssyncadd.s32 $0xFFFFEC00  }
0x79: {  	[tilespmem:s16], [sflag:$0x1] =	stream.indirect.gather [hbm4b:s4+s19], $0x80, s25, s19, $0xb8;
	[tilespmem:$0x1E800] =	vst v63  }
0x7a: {  	_ = 	snop  }
0x7b: {  	[tilespmem:s20], [sflag:$0x2] =	stream.indirect.gather [hbm4b:s4+s19], $0x80, s19, s19, $0xb8;
	[tilespmem:$0x1E800] =	vst v63  }
0x7c: {  	_ =	swait.ge [sflag:s21], $0x4000  }
0x7d: {  	[sflag:s21] =	ssyncset.done $0x0  }
0x7e: {  	s29 =	simm.s32 $0x1400;
	[sflag:s21] =	ssyncadd.s32 $0xFFFFC000  }
0x7f: {  	[spmem:s2] =	stream.indirect.scatter.add.f32 [tilespmem:s16], [sflag:$0x3], $0x80, s29, s19, $0xb8;
	[tilespmem:$0x1E800] =	vst v63  }
0x80: {  	_ =	swait.ge [sflag:s17], $0x4000  }
0x81: {  	[sflag:s17] =	ssyncset.done $0x0  }
0x82: {  	s30 =	simm.s32 $0x100;
	[sflag:s17] =	ssyncadd.s32 $0xFFFFC000  }
0x83: {  	[tilespmem:s16], [sflag:$0x1] =	stream.indirect.gather [hbm4b:s4+s19], $0x80, s30, s19, $0xb8;
	[tilespmem:$0x1E800] =	vst v63  }
0x84: {  	_ =	swait.ge [sflag:s22], $0x4000  }
0x85: {  	[sflag:s22] =	ssyncset.done $0x0  }
0x86: {  	s31 =	simm.s32 $0x1480;
	[sflag:s22] =	ssyncadd.s32 $0xFFFFC000  }
0x87: {  	[spmem:s2] =	stream.indirect.scatter.add.f32 [tilespmem:s20], [sflag:$0x3], $0x80, s31, s19, $0xb8;
	[tilespmem:$0x1E800] =	vst v63  }
0x88: {  	_ =	swait.ge [sflag:s17], $0x4000  }
0x89: {  	[sflag:s17] =	ssyncset.done $0x0  }
0x8a: {  	s26 =	simm.s32 $0x180;
	s25 =	simm.s32 $0x400;
	[sflag:s17] =	ssyncadd.s32 $0xFFFFC000  }
.LBB2_6:
0x8b: {  	[tilespmem:s20], [sflag:$0x2] =	stream.indirect.gather [hbm4b:s4+s19], $0x80, s26, s19, $0xb8;
	[tilespmem:$0x1E800] =	vst v63  }
0x8c: {  	s26 =	smov.u32 s25  }
0x8d: {  	p0 =	sne.s32 s25, $0x4800;
	s25 =	sadd.s32 $0x400, s25;
	_ =	swait.ge [sflag:s21], $0x4000  }
0x8e: {  	s26 =	sshra.s32 s26, $0x2;
	[sflag:s21] =	ssyncset.done $0x0  }
0x8f: {  	s28 =	sadd.s32 $0x1400, s26;
	[sflag:s21] =	ssyncadd.s32 $0xFFFFC000  }
0x90: {  	[spmem:s2] =	stream.indirect.scatter.add.f32 [tilespmem:s16], [sflag:$0x3], $0x80, s28, s19, $0xb8;
	[tilespmem:$0x1E800] =	vst v63  }
0x91: {  	_ =	swait.ge [sflag:s17], $0x4000  }
0x92: {  	[sflag:s17] =	ssyncset.done $0x0  }
0x93: {  	s28 =	sadd.s32 $0x100, s26;
	[sflag:s17] =	ssyncadd.s32 $0xFFFFC000  }
0x94: {  	[tilespmem:s16], [sflag:$0x1] =	stream.indirect.gather [hbm4b:s4+s19], $0x80, s28, s19, $0xb8;
	[tilespmem:$0x1E800] =	vst v63  }
0x95: {  	_ =	swait.ge [sflag:s22], $0x4000  }
0x96: {  	[sflag:s22] =	ssyncset.done $0x0  }
.Ltmp2:
0x97: {  	s28 =	sadd.s32 $0x1480, s26;
	[sflag:s22] =	ssyncadd.s32 $0xFFFFC000;
	(pc) =	sbr.rel @p0 .LBB2_6-.Ltmp2, $4  }
0x98: {  	[spmem:s2] =	stream.indirect.scatter.add.f32 [tilespmem:s20], [sflag:$0x3], $0x80, s28, s19, $0xb8;
	[tilespmem:$0x1E800] =	vst v63  }
0x99: {  	_ =	swait.ge [sflag:s17], $0x4000  }
0x9a: {  	[sflag:s17] =	ssyncset.done $0x0  }
0x9b: {  	s26 =	sadd.s32 $0x180, s26;
	[sflag:s17] =	ssyncadd.s32 $0xFFFFC000  }
0x9c: {  	[tilespmem:s20], [sflag:$0x2] =	stream.indirect.gather [hbm4b:s4+s19], $0x80, s26, s19, $0xb8;
	[tilespmem:$0x1E800] =	vst v63  }
0x9d: {  	_ =	swait.ge [sflag:s21], $0x4000  }
0x9e: {  	[sflag:s21] =	ssyncset.done $0x0  }
0x9f: {  	[sflag:s21] =	ssyncadd.s32 $0xFFFFC000  }
0xa0: {  	[spmem:s2] =	stream.indirect.scatter.add.f32 [tilespmem:s16], [sflag:$0x3], $0x80, s23, s19, $0xb8;
	[tilespmem:$0x1E800] =	vst v63  }
0xa1: {  	_ =	swait.ge [sflag:s17], $0x4000  }
0xa2: {  	[sflag:s17] =	ssyncset.done $0x0  }
0xa3: {  	[sflag:s17] =	ssyncadd.s32 $0xFFFFC000  }
0xa4: {  	_ =	swait.ge [sflag:s22], $0x4000  }
0xa5: {  	[sflag:s22] =	ssyncset.done $0x0  }
0xa6: {  	[sflag:s22] =	ssyncadd.s32 $0xFFFFC000  }
0xa7: {  	[spmem:s2] =	stream.indirect.scatter.add.f32 [tilespmem:s20], [sflag:$0x3], $0x80, s24, s19, $0xb8;
	[tilespmem:$0x1E800] =	vst v63  }
0xa8: {  	_ =	swait.ge [sflag:s17], $0x4000  }
0xa9: {  	s25 =	sshll.u32 s1, $0x6;
	s3 =	sadd.s32 $0x1, s3;
	[sflag:s17] =	ssyncset.done $0x0  }
0xaa: {  	s31 =	sshrl.u32 s5, $0x3;
	p0 =	sne.s32 s3, s15;
	[sflag:s17] =	ssyncadd.s32 $0xFFFFC000  }
.Ltmp3:
0xab: {  	s25 =	sor.u32 $0x1C03, s25;
	[bflag:$0x0] =	sbarrier.arrive $0xFFFF;
	(pc) =	sbr.rel @p0 .LBB2_1-.Ltmp3, $4  }
0xac: {  	[hbm:s14], [sflag:s25] =	dma.local [spmem:s31], $0x2800  }
0xad: {  	_ =	swait.ge [sflag:s17], $0x2800  }
0xae: {  	[sflag:s17] =	ssyncset.done $0x0  }
0xaf: {  	[sflag:s17] =	ssyncadd.s32 $0xFFFFD800  }
0xb0: {  	_ =	sfence.sel $0x180000  }
0xb1: {  	[bflag:$0x0] =	sbarrier.arrive $0xFFFF  }
0xb2: {  	p0 =	sne.s32 s1, $0x0;
	_ =	strace $0x9000004A  }
0xb3: {  	s0 =	sadd.s32 @!p0 $0x100000, s0;
	[bflag:$0x2] =	sbarrier.arrive $0xFFFF  }
0xb4: {  	[sflag:s0] =	ssyncadd.tile.s32 @!p0 $0x1;
	_ =	shalt  }
.Lfunc_end2:
_tile_overlayer_lowered:
.L_overlay_start_2:
0xb5: {  	(tag) =	ssettag $0x2  }
0xb6: {  	s0 =	rddreg [dreg:$0x0];
	s2 =	stileid.u32  }
0xb7: {  	s1 =	rddreg [dreg:$0x1];
	p0 =	sne.s32 s2, $0x0  }
0xb8: {  	s3 =	rddreg [dreg:$0x2];
	[bflag:$0x3] =	sbarrier.arrive $0xFFFF;
	s2 =	simm.s32 @!p0 $0x1C03  }
0xb9: {  	[timem:s3], [sflag:s2] =	dma.local @!p0 [hbm:s0], s1  }
0xba: {  	s0 =	simm.s32 @!p0 $0x3  }
0xbb: {  	_ =	swait.ge @!p0 [sflag:s0], s1  }
0xbc: {  	s1 =	ssub.s32 @!p0 $0x0, s1;
	[sflag:s0] =	ssyncset.done @!p0 $0x0  }
0xbd: {  	[sflag:s0] =	ssyncadd.s32 @!p0 s1  }
0xbe: {  	[bflag:$0x3] =	sbarrier.arrive $0xFFFF  }
0xbf: {  	_ =	shalt  }

// kernel: kernel.14.cloned.1.call-start
scs
__scs_entry_jumppad:
0x0: {  	(pc) =	sbr.rel $0x88, $3  }
0x1: {  	(tag) =	ssettag $0x0;
	lr =	simm.s32 $0x1  }
0x2: {  	[smem:$0x3F9B] =	sst lr;
	_ =	strace $0xD0000000  }
0x3: {  	_ = 	snop  }
0x4: {  	_ = 	snop  }
0x5: {  	_ = 	snop  }
0x6: {  	_ = 	snop  }
0x7: {  	_ = 	snop  }
__scs_overlays_trampoline_lowered:
0x8: {  	[smem:$0x3FAA] =	sst s0  }
0x9: {  	[smem:$0x3FAB] =	sst s1  }
0xa: {  	[smem:$0x3FAC] =	sst s2  }
0xb: {  	[smem:$0x3FAD] =	sst s3  }
0xc: {  	[smem:$0x3FAE] =	sst s4  }
0xd: {  	[smem:$0x3FAF] =	sst s5  }
0xe: {  	[smem:$0x3FB0] =	sst s6  }
0xf: {  	[smem:$0x3FB1] =	sst s7  }
0x10: {  	[smem:$0x3FB2] =	sst s8  }
0x11: {  	[smem:$0x3FB3] =	sst s9;
	s0 =	simm.s32 @!p0 $0x0  }
0x12: {  	s1 =	sld [smem:$0x3F99];
	s0 =	simm.s32 @p0 $0x1  }
0x13: {  	[smem:$0x3FB4] =	sst s0;
	s0 =	simm.s32 @!p1 $0x0  }
0x14: {  	s2 =	sld [smem:$0x3F98];
	s0 =	simm.s32 @p1 $0x1  }
0x15: {  	[smem:$0x3FB5] =	sst s0;
	s0 =	simm.s32 @!p2 $0x0  }
0x16: {  	s3 =	sld [smem:$0x3FDB];
	s0 =	simm.s32 @p2 $0x1  }
0x17: {  	s4 =	simm.s32 $0x1BF5;
	[smem:$0x3FB7] =	sst s0  }
0x18: {  	s0 =	sld [smem:$0x3F9A];
	_ =	swait.ge [sflag:s4], $0x0  }
0x19: {  	s7 =	sld [smem:$0x3F9B]  }
0x1a: {  	s8 =	sadd.s32 $0xFFFFE003, lr  }
0x1b: {  	s9 =	sadd.s32 $0xFFFFFEF7, lr;
	s5 =	simm.s32 $0xFFFFFFFF;
	p2 =	slt.u32 s8, $0xFFFFF086  }
0x1c: {  	p1 =	slt.u32 s9, $0xF7A;
	s5 =	simm.s32 @!p2 $0x0  }
0x1d: {  	s5 =	simm.s32 @p1 $0x1;
	p0 =	seq.s32 s7, s2  }
0x1e: {  	s7 =	smul.u32 @!p0 $0xF7A, s2;
	p2 =	seq.s32 @!p0 s5, $0x0  }
0x1f: {  	s9 =	smul.u32 $0xF7A, s1;
	s8 =	simm.s32 @!p0 $0x1BF5;
	p2 =	por !p2, p0  }
0x20: {  	[sflag:s8] =	ssyncset.s32 @!p0 $0xFFFFF086;
	s6 =	sadd.s32 @!p0 s3, s7;
	s7 =	simm.s32 @!p0 $0x108  }
0x21: {  	s3 =	sadd.s32 s3, s9;
	s6 =	sadd.s32 @!p0 $0x88, s6;
	s7 =	simm.s32 @p2 $0x1082  }
0x22: {  	[simem:s7], [sflag:s8] =	dma.local @!p0 [hbm:s6], $0xF7A  }
0x23: {  	s9 =	sor.u32 $0xD0000000, s2;
	s6 =	simm.s32 $0x108;
	_ =	swait.ge @!p0 [sflag:s8], $0x0  }
0x24: {  	s3 =	sadd.s32 $0x88, s3;
	s6 =	simm.s32 @!p1 $0x1082;
	[sflag:s4] =	ssyncset.s32 $0xFFFFF086  }
0x25: {  	[simem:s6], [sflag:s4] =	dma.local [hbm:s3], $0xF7A  }
0x26: {  	[smem:$0x3F9B] =	sst s1;
	(tag) =	ssettag s2;
	_ =	strace s9  }
0x27: {  	s1 =	sld [smem:$0x3FAB]  }
0x28: {  	s2 =	sld [smem:$0x3FAC]  }
0x29: {  	s4 =	sld [smem:$0x3FAE]  }
0x2a: {  	p0 =	seq.s32 s5, $0x0;
	s5 =	sld [smem:$0x3FAF]  }
0x2b: {  	s6 =	sld [smem:$0x3FB0]  }
0x2c: {  	s7 =	sld [smem:$0x3FB1]  }
0x2d: {  	s3 =	simm.s32 $0x108;
	s8 =	sld [smem:$0x3FB2]  }
0x2e: {  	s3 =	simm.s32 @!p0 $0x1082;
	s9 =	sld [smem:$0x3FB3]  }
0x2f: {  	lr =	sadd.s32 s0, s3;
	s0 =	sld [smem:$0x3FAA]  }
0x30: {  	s3 =	sld [smem:$0x3FAD]  }
0x31: {  	[smem:$0x3FB6] =	sst s10  }
0x32: {  	s10 =	sld [smem:$0x3FB4];
	_ =	sdelay $0x3  }
0x33: {  	p0 =	seq.s32 s10, $0x1;
	s10 =	sld [smem:$0x3FB6];
	_ =	sdelay $0x3  }
0x34: {  	[smem:$0x3FB6] =	sst s10  }
0x35: {  	s10 =	sld [smem:$0x3FB5];
	_ =	sdelay $0x3  }
0x36: {  	p1 =	seq.s32 s10, $0x1;
	s10 =	sld [smem:$0x3FB6];
	_ =	sdelay $0x3  }
0x37: {  	[smem:$0x3FB6] =	sst s10  }
0x38: {  	s10 =	sld [smem:$0x3FB7]  }
0x39: {  	_ = 	snop;
	(pc) =	sbr.ind lr, $3  }
0x3a: {  	_ = 	snop  }
0x3b: {  	_ = 	snop  }
0x3c: {  	p2 =	seq.s32 s10, $0x1;
	s10 =	sld [smem:$0x3FB6]  }
0x3d: {  	_ =	shalt  }
0x3e: {  	_ =	shalt  }
0x3f: {  	_ =	shalt  }
0x40: {  	_ =	shalt  }
0x41: {  	_ =	shalt  }
0x42: {  	_ =	shalt  }
0x43: {  	_ =	shalt  }
0x44: {  	_ =	shalt  }
0x45: {  	_ =	shalt  }
0x46: {  	_ =	shalt  }
0x47: {  	_ =	shalt  }
0x48: {  	_ =	shalt  }
0x49: {  	_ =	shalt  }
0x4a: {  	_ =	shalt  }
0x4b: {  	_ =	shalt  }
0x4c: {  	_ =	shalt  }
0x4d: {  	_ =	shalt  }
0x4e: {  	_ =	shalt  }
0x4f: {  	_ =	shalt  }
0x50: {  	_ =	shalt  }
0x51: {  	_ =	shalt  }
0x52: {  	_ =	shalt  }
0x53: {  	_ =	shalt  }
0x54: {  	_ =	shalt  }
0x55: {  	_ =	shalt  }
0x56: {  	_ =	shalt  }
0x57: {  	_ =	shalt  }
0x58: {  	_ =	shalt  }
0x59: {  	_ =	shalt  }
0x5a: {  	_ =	shalt  }
0x5b: {  	_ =	shalt  }
0x5c: {  	_ =	shalt  }
0x5d: {  	_ =	shalt  }
0x5e: {  	_ =	shalt  }
0x5f: {  	_ =	shalt  }
0x60: {  	_ =	shalt  }
0x61: {  	_ =	shalt  }
0x62: {  	_ =	shalt  }
0x63: {  	_ =	shalt  }
0x64: {  	_ =	shalt  }
0x65: {  	_ =	shalt  }
0x66: {  	_ =	shalt  }
0x67: {  	_ =	shalt  }
0x68: {  	_ =	shalt  }
0x69: {  	_ =	shalt  }
0x6a: {  	_ =	shalt  }
0x6b: {  	_ =	shalt  }
0x6c: {  	_ =	shalt  }
0x6d: {  	_ =	shalt  }
0x6e: {  	_ =	shalt  }
0x6f: {  	_ =	shalt  }
0x70: {  	_ =	shalt  }
0x71: {  	_ =	shalt  }
0x72: {  	_ =	shalt  }
0x73: {  	_ =	shalt  }
0x74: {  	_ =	shalt  }
0x75: {  	_ =	shalt  }
0x76: {  	_ =	shalt  }
0x77: {  	_ =	shalt  }
0x78: {  	_ =	shalt  }
0x79: {  	_ =	shalt  }
0x7a: {  	_ =	shalt  }
0x7b: {  	_ =	shalt  }
0x7c: {  	_ =	shalt  }
0x7d: {  	_ =	shalt  }
0x7e: {  	_ =	shalt  }
0x7f: {  	_ =	shalt  }
0x80: {  	_ =	shalt  }
0x81: {  	_ =	shalt  }
0x82: {  	_ =	shalt  }
0x83: {  	_ =	shalt  }
0x84: {  	_ =	shalt  }
0x85: {  	_ =	shalt  }
0x86: {  	_ =	shalt  }
0x87: {  	_ =	shalt  }
.Lfunc_end0:
.L_simem_size_0:
called_computation.2_lowered:
.L_overlay_start_0:
0x88: {  	s2 =	sld [smem:$0x3FD9]  }
0x89: {  	s3 =	sld [smem:$0x3FFE];
	_ =	sdelay $0x1  }
0x8a: {  	s1 =	srdreg.scid  }
0x8b: {  	s0 =	sand.u32 $0x1, s1  }
0x8c: {  	s17 =	sshll.u32 s0, $0xA;
	s2 =	sadd.s32 s3, s2  }
0x8d: {  	s2 =	sadd.s32 s2, s17  }
0x8e: {  	[smem:$0x3FC2] =	sst s2  }
0x8f: {  	_ = 	snop  }
0x90: {  	s2 =	sld [smem:$0x3FD0];
	(tm) =	ssettm $0x1  }
0x91: {  	s18 =	sld [smem:$0x3FFB];
	_ =	sdelay $0x3  }
0x92: {  	_ =	strace s18  }
0x93: {  	s3 =	sld [smem:$0x3FFC];
	_ =	sdelay $0x3  }
0x94: {  	_ =	strace s3  }
0x95: {  	s3 =	sld [smem:$0x3FFD];
	_ =	sdelay $0x3  }
0x96: {  	_ =	strace s3  }
0x97: {  	_ =	strace $0x8FFFFFFF  }
0x98: {  	s19 =	sld [smem:$0x3FDB];
	_ =	sdelay $0x1  }
0x99: {  	s4 =	simm.s32 $_scs_section_size  }
0x9a: {  	s5 =	simm.s32 $_size__tile_overlayer_lowered;
	s6 =	simm.s32 $_tile_overlayer_lowered  }
0x9b: {  	s22 =	simm.s32 $0x1BFF;
	s21 =	sshll.u32 s6, $0x1;
	s3 =	sadd.s32 s4, s19  }
0x9c: {  	s7 =	simm.s32 $0x0;
	s20 =	sshll.u32 s5, $0x1;
	s5 =	sadd.s32 s21, s3  }
0x9d: {  	[timem:s7], [sflag:s22] =	dma.local [hbm:s5], s20  }
0x9e: {  	_ =	swait.ge [sflag:s22], s20  }
0x9f: {  	s4 =	ssub.s32 $0x0, s20;
	[sflag:s22] =	ssyncset.done $0x0  }
0xa0: {  	[sflag:s22] =	ssyncadd.s32 s4;
	_ =	sdelay $0x1  }
0xa1: {  	s23 =	simm.s32 $0x1B8B  }
0xa2: {  	_ =	swait.ge [sflag:s23], $0x1  }
0xa3: {  	[sflag:s23] =	ssyncset.done $0x0  }
0xa4: {  	s25 =	simm.s32 $0x1B8E;
	s24 =	sld [smem:$0x3FFE];
	[sflag:s23] =	ssyncadd.s32 $0xFFFFFFFF  }
0xa5: {  	s26 =	simm.s32 $execute0_lowered;
	[smem:$0x3FD2] =	sst s25  }
0xa6: {  	s5 =	sshll.u32 s26, $0x1;
	_ =	strace $0x8000004C;
	[dreg:$0x1] =	wrdreg $0xFFFFFFFF  }
0xa7: {  	s28 =	simm.s32 $_size_execute0_lowered;
	s3 =	sadd.s32 s3, s5;
	[dreg:$0x0] =	wrdreg $0x0  }
0xa8: {  	s5 =	sshll.u32 s28, $0x1;
	[dreg:$0x2] =	wrdreg s3  }
0xa9: {  	[dreg:$0x3] =	wrdreg s5  }
0xaa: {  	[dreg:$0x4] =	wrdreg $0xC0  }
0xab: {  	_ =	task [dreg:s7], $0x5FFFF  }
0xac: {  	[dreg:$0x1] =	wrdreg $0xFFFFFFFF  }
0xad: {  	[dreg:$0x0] =	wrdreg $0x60  }
0xae: {  	[dreg:$0x2] =	wrdreg s24  }
0xaf: {  	[dreg:$0x3] =	wrdreg s2  }
0xb0: {  	[dreg:$0x4] =	wrdreg $0xA8000  }
0xb1: {  	[dreg:$0x5] =	wrdreg $0x9  }
0xb2: {  	_ =	task.clear_ibuf [dreg:s7], $0x6FFFF;
	_ =	strace $0x9000004C  }
0xb3: {  	s29 =	simm.s32 $0x9;
	_ =	strace $0x8000004E  }
0xb4: {  	_ =	swait.ge [sflag:s29], $0x1  }
0xb5: {  	[sflag:s29] =	ssyncadd.s32 $0xFFFFFFFF  }
0xb6: {  	_ =	strace $0x9000004E  }
0xb7: {  	_ =	sfence  }
0xb8: {  	s30 =	sld [smem:$0x0];
	_ =	sdelay $0x2  }
0xb9: {  	s31 =	sshll.u32 s1, $0xD;
	s1 =	sshrl.u32 s1, $0x2  }
0xba: {  	s3 =	sand.u32 $0x4000, s31;
	s1 =	sadd.s32 s1, s30  }
0xbb: {  	s0 =	sor.u32 s3, s0;
	s1 =	sshll.u32 s1, $0x11  }
0xbc: {  	s0 =	sor.u32 s1, s0  }
0xbd: {  	s0 =	sadd.s32 $0x8F2B, s0  }
0xbe: {  	[sflag:s0] =	ssyncadd.remote.s32 $0x1  }
0xbf: {  	_ =	sfence.sel $0xFFFF  }
0xc0: {  	[dreg:$0x0] =	wrdreg $0xFFFFFFFF;
	(pc) =	sbr.abs _section_cstart, $3  }
0xc1: {  	[dreg:$0x1] =	wrdreg $0xFFFFFFFF  }
0xc2: {  	_ =	task.clear_ibuf [dreg:s7], $0x2FFFF;
	_ =	strace $0x9FFFFFFF  }
0xc3: {  	(tm) =	ssettm $0x7FFFFFFF  }
tec
execute0_lowered:
.L_overlay_start_1:
0x0: {  	(tag) =	ssettag $0x1  }
0x1: {  	s5 =	rddreg [dreg:$0x0]  }
0x2: {  	s9 =	rddreg [dreg:$0x1];
	s0 =	srdreg.scid  }
0x3: {  	s2 =	rddreg [dreg:$0x2];
	s1 =	stileid.u32;
	s3 =	simm.s32 $0x0  }
0x4: {  	s16 =	simm.s32 $0x2800;
	s17 =	simm.s32 $0x3;
	s18 =	simm.s32 $0x1400  }
0x5: {  	s19 =	simm.s32 $0x80;
	s20 =	simm.s32 $0x6800;
	s7 =	smul.u32 $0x14000, s1  }
0x6: {  	s21 =	simm.s32 $0x1;
	s22 =	simm.s32 $0x2;
	s8 =	smul.u32 $0x50000, s1  }
0x7: {  	s23 =	simm.s32 $0x2700;
	s6 =	sand.u32 $0x1, s0;
	s11 =	smul.u32 $0x2800, s1  }
0x8: {  	s24 =	simm.s32 $0x2780;
	s0 =	rddreg [dreg:$0x3];
	s4 =	smul.u32 $0x140000, s6  }
0x9: {  	[smem:$0x7FF] =	sst s3;
	s10 =	smul.u32 $0x28000, s6;
	s6 =	ssub.s32 $0x2, s6  }
0xa: {  	_ =	strace $0x8000004D;
	s29 =	sshrl.u32 s8, $0x2;
	s30 =	sshrl.u32 s6, $0x1  }
0xb: {  	s7 =	sadd.s32 s7, s4;
	s4 =	sadd.s32 $0x2600, s5;
	s31 =	sadd.s32 s11, s10  }
0xc: {  	s15 =	ssub.s32 s6, s30;
	s7 =	sshrl.u32 s7, $0x3;
	s10 =	sshrl.u32 s31, $0x3  }
0xd: {  	s15 =	smax.u32 s15, $0x1;
	s14 =	sadd.s32 s7, s5;
	s5 =	sadd.s32 s29, s2  }
0xe: {  	s9 =	sadd.s32 s9, s10;
	s6 =	sadd.s32 $0x4000, s5;
	s7 =	sadd.s32 $0x8000, s5  }
0xf: {  	s8 =	sadd.s32 $0xC000, s5;
	s10 =	sadd.s32 $0x10000, s5;
	s11 =	sadd.s32 $0xA000, s9  }
0x10: {  	v0 =	vimm.f32 $0.0e+00;
	s12 =	sadd.s32 $0x280, s9;
	s13 =	sadd.s32 $0xA280, s9;
	s14 =	sadd.s32 $0x2A600, s14  }
.LBB2_1:
0x11: {  	s25 =	simm.s32 $0x0;
	s26 =	simm.s32 $0x200  }
.LBB2_2:
0x12: {  	p0 =	sne.s32 s26, $0xFE00;
	[tilespmem:s25+$0x2870] =	vst v0  }
0x13: {  	[tilespmem:s25+$0x2800] =	vst v0  }
0x14: {  	[tilespmem:s25+$0x2810] =	vst v0  }
.Ltmp0:
0x15: {  	[tilespmem:s25+$0x2820] =	vst v0;
	(pc) =	sbr.rel @p0 .LBB2_2-.Ltmp0, $4  }
0x16: {  	[tilespmem:s25+$0x2830] =	vst v0  }
0x17: {  	[tilespmem:s25+$0x2840] =	vst v0  }
0x18: {  	[tilespmem:s25+$0x2850] =	vst v0  }
0x19: {  	[tilespmem:s25+$0x2860] =	vst v0;
	s25 =	sshra.s32 s26, $0x2;
	s26 =	sadd.s32 $0x200, s26  }
0x1a: {  	[tilespmem:s25+$0x2870] =	vst v0  }
0x1b: {  	[tilespmem:s25+$0x2800] =	vst v0  }
0x1c: {  	[tilespmem:s25+$0x2810] =	vst v0  }
0x1d: {  	[tilespmem:s25+$0x2820] =	vst v0  }
0x1e: {  	[tilespmem:s25+$0x2830] =	vst v0  }
0x1f: {  	[tilespmem:s25+$0x2840] =	vst v0  }
0x20: {  	[tilespmem:s25+$0x2850] =	vst v0  }
0x21: {  	[tilespmem:s25+$0x2860] =	vst v0  }
0x22: {  	[spmem:s5] =	stream.linear.scatter [tilespmem:s16], [sflag:$0x3], $0x4000, $0x38;
	[tilespmem:$0x1E800] =	vst v63  }
0x23: {  	_ =	swait.ge [sflag:s17], $0x4000  }
0x24: {  	[sflag:s17] =	ssyncset.done $0x0  }
0x25: {  	[sflag:s17] =	ssyncadd.s32 $0xFFFFC000  }
0x26: {  	[spmem:s6] =	stream.linear.scatter [tilespmem:s16], [sflag:$0x3], $0x4000, $0x38;
	[tilespmem:$0x1E800] =	vst v63  }
0x27: {  	_ =	swait.ge [sflag:s17], $0x4000  }
0x28: {  	[sflag:s17] =	ssyncset.done $0x0  }
0x29: {  	[sflag:s17] =	ssyncadd.s32 $0xFFFFC000  }
0x2a: {  	[spmem:s7] =	stream.linear.scatter [tilespmem:s16], [sflag:$0x3], $0x4000, $0x38;
	[tilespmem:$0x1E800] =	vst v63  }
0x2b: {  	_ =	swait.ge [sflag:s17], $0x4000  }
0x2c: {  	[sflag:s17] =	ssyncset.done $0x0  }
0x2d: {  	[sflag:s17] =	ssyncadd.s32 $0xFFFFC000  }
0x2e: {  	[spmem:s8] =	stream.linear.scatter [tilespmem:s16], [sflag:$0x3], $0x4000, $0x38;
	[tilespmem:$0x1E800] =	vst v63  }
0x2f: {  	_ =	swait.ge [sflag:s17], $0x4000  }
0x30: {  	[sflag:s17] =	ssyncset.done $0x0  }
0x31: {  	[sflag:s17] =	ssyncadd.s32 $0xFFFFC000  }
0x32: {  	[spmem:s10] =	stream.linear.scatter [tilespmem:s16], [sflag:$0x3], $0x4000, $0x38;
	[tilespmem:$0x1E800] =	vst v63  }
0x33: {  	_ =	swait.ge [sflag:s17], $0x4000  }
0x34: {  	[sflag:s17] =	ssyncset.done $0x0  }
0x35: {  	[sflag:s17] =	ssyncadd.s32 $0xFFFFC000  }
0x36: {  	s28 =	simm.s32 $0x0;
	[bflag:$0x0] =	sbarrier.arrive $0xFFFF  }
0x37: {  	[tilespmem:s28], [sflag:$0x3] =	stream.linear.gather [hbm4b:s9+s28], $0x1400, $0x38;
	[tilespmem:$0x1E800] =	vst v63  }
0x38: {  	_ =	swait.ge [sflag:s17], $0x1400  }
0x39: {  	[sflag:s17] =	ssyncset.done $0x0  }
0x3a: {  	[sflag:s17] =	ssyncadd.s32 $0xFFFFEC00  }
0x3b: {  	[tilespmem:s18], [sflag:$0x3] =	stream.linear.gather [hbm4b:s11+s28], $0x1400, $0x38;
	[tilespmem:$0x1E800] =	vst v63  }
0x3c: {  	_ =	swait.ge [sflag:s17], $0x1400  }
0x3d: {  	[sflag:s17] =	ssyncset.done $0x0  }
0x3e: {  	[sflag:s17] =	ssyncadd.s32 $0xFFFFEC00  }
0x3f: {  	[tilespmem:s16], [sflag:$0x1] =	stream.indirect.gather [hbm4b:s4+s19], $0x80, s28, s19, $0xb8;
	[tilespmem:$0x1E800] =	vst v63  }
0x40: {  	_ = 	snop  }
0x41: {  	[tilespmem:s20], [sflag:$0x2] =	stream.indirect.gather [hbm4b:s4+s19], $0x80, s19, s19, $0xb8;
	[tilespmem:$0x1E800] =	vst v63  }
0x42: {  	_ =	swait.ge [sflag:s21], $0x4000  }
0x43: {  	[sflag:s21] =	ssyncset.done $0x0  }
0x44: {  	s29 =	simm.s32 $0x1400;
	[sflag:s21] =	ssyncadd.s32 $0xFFFFC000  }
0x45: {  	[spmem:s2] =	stream.indirect.scatter.add.f32 [tilespmem:s16], [sflag:$0x3], $0x80, s29, s19, $0xb8;
	[tilespmem:$0x1E800] =	vst v63  }
0x46: {  	_ =	swait.ge [sflag:s17], $0x4000  }
0x47: {  	[sflag:s17] =	ssyncset.done $0x0  }
0x48: {  	s30 =	simm.s32 $0x100;
	[sflag:s17] =	ssyncadd.s32 $0xFFFFC000  }
0x49: {  	[tilespmem:s16], [sflag:$0x1] =	stream.indirect.gather [hbm4b:s4+s19], $0x80, s30, s19, $0xb8;
	[tilespmem:$0x1E800] =	vst v63  }
0x4a: {  	_ =	swait.ge [sflag:s22], $0x4000  }
0x4b: {  	[sflag:s22] =	ssyncset.done $0x0  }
0x4c: {  	s31 =	simm.s32 $0x1480;
	[sflag:s22] =	ssyncadd.s32 $0xFFFFC000  }
0x4d: {  	[spmem:s2] =	stream.indirect.scatter.add.f32 [tilespmem:s20], [sflag:$0x3], $0x80, s31, s19, $0xb8;
	[tilespmem:$0x1E800] =	vst v63  }
0x4e: {  	_ =	swait.ge [sflag:s17], $0x4000  }
0x4f: {  	[sflag:s17] =	ssyncset.done $0x0  }
0x50: {  	s25 =	simm.s32 $0x400;
	s26 =	simm.s32 $0x180;
	[sflag:s17] =	ssyncadd.s32 $0xFFFFC000  }
.LBB2_4:
0x51: {  	[tilespmem:s20], [sflag:$0x2] =	stream.indirect.gather [hbm4b:s4+s19], $0x80, s26, s19, $0xb8;
	[tilespmem:$0x1E800] =	vst v63  }
0x52: {  	s26 =	smov.u32 s25  }
0x53: {  	p0 =	sne.s32 s25, $0x4800;
	s25 =	sadd.s32 $0x400, s25;
	_ =	swait.ge [sflag:s21], $0x4000  }
0x54: {  	s26 =	sshra.s32 s26, $0x2;
	[sflag:s21] =	ssyncset.done $0x0  }
0x55: {  	s28 =	sadd.s32 $0x1400, s26;
	[sflag:s21] =	ssyncadd.s32 $0xFFFFC000  }
0x56: {  	[spmem:s2] =	stream.indirect.scatter.add.f32 [tilespmem:s16], [sflag:$0x3], $0x80, s28, s19, $0xb8;
	[tilespmem:$0x1E800] =	vst v63  }
0x57: {  	_ =	swait.ge [sflag:s17], $0x4000  }
0x58: {  	[sflag:s17] =	ssyncset.done $0x0  }
0x59: {  	s28 =	sadd.s32 $0x100, s26;
	[sflag:s17] =	ssyncadd.s32 $0xFFFFC000  }
0x5a: {  	[tilespmem:s16], [sflag:$0x1] =	stream.indirect.gather [hbm4b:s4+s19], $0x80, s28, s19, $0xb8;
	[tilespmem:$0x1E800] =	vst v63  }
0x5b: {  	_ =	swait.ge [sflag:s22], $0x4000  }
0x5c: {  	[sflag:s22] =	ssyncset.done $0x0  }
.Ltmp1:
0x5d: {  	s28 =	sadd.s32 $0x1480, s26;
	[sflag:s22] =	ssyncadd.s32 $0xFFFFC000;
	(pc) =	sbr.rel @p0 .LBB2_4-.Ltmp1, $4  }
0x5e: {  	[spmem:s2] =	stream.indirect.scatter.add.f32 [tilespmem:s20], [sflag:$0x3], $0x80, s28, s19, $0xb8;
	[tilespmem:$0x1E800] =	vst v63  }
0x5f: {  	_ =	swait.ge [sflag:s17], $0x4000  }
0x60: {  	[sflag:s17] =	ssyncset.done $0x0  }
0x61: {  	s26 =	sadd.s32 $0x180, s26;
	[sflag:s17] =	ssyncadd.s32 $0xFFFFC000  }
0x62: {  	[tilespmem:s20], [sflag:$0x2] =	stream.indirect.gather [hbm4b:s4+s19], $0x80, s26, s19, $0xb8;
	[tilespmem:$0x1E800] =	vst v63  }
0x63: {  	_ =	swait.ge [sflag:s21], $0x4000  }
0x64: {  	[sflag:s21] =	ssyncset.done $0x0  }
0x65: {  	[sflag:s21] =	ssyncadd.s32 $0xFFFFC000  }
0x66: {  	[spmem:s2] =	stream.indirect.scatter.add.f32 [tilespmem:s16], [sflag:$0x3], $0x80, s23, s19, $0xb8;
	[tilespmem:$0x1E800] =	vst v63  }
0x67: {  	_ =	swait.ge [sflag:s17], $0x4000  }
0x68: {  	[sflag:s17] =	ssyncset.done $0x0  }
0x69: {  	[sflag:s17] =	ssyncadd.s32 $0xFFFFC000  }
0x6a: {  	_ =	swait.ge [sflag:s22], $0x4000  }
0x6b: {  	[sflag:s22] =	ssyncset.done $0x0  }
0x6c: {  	[sflag:s22] =	ssyncadd.s32 $0xFFFFC000  }
0x6d: {  	[spmem:s2] =	stream.indirect.scatter.add.f32 [tilespmem:s20], [sflag:$0x3], $0x80, s24, s19, $0xb8;
	[tilespmem:$0x1E800] =	vst v63  }
0x6e: {  	_ =	swait.ge [sflag:s17], $0x4000  }
0x6f: {  	[sflag:s17] =	ssyncset.done $0x0  }
0x70: {  	s25 =	simm.s32 $0x0;
	[sflag:s17] =	ssyncadd.s32 $0xFFFFC000  }
0x71: {  	[tilespmem:s25], [sflag:$0x3] =	stream.linear.gather [hbm4b:s12+s25], $0x1400, $0x38;
	[tilespmem:$0x1E800] =	vst v63  }
0x72: {  	_ =	swait.ge [sflag:s17], $0x1400  }
0x73: {  	[sflag:s17] =	ssyncset.done $0x0  }
0x74: {  	[sflag:s17] =	ssyncadd.s32 $0xFFFFEC00  }
0x75: {  	[tilespmem:s18], [sflag:$0x3] =	stream.linear.gather [hbm4b:s13+s25], $0x1400, $0x38;
	[tilespmem:$0x1E800] =	vst v63  }
0x76: {  	_ =	swait.ge [sflag:s17], $0x1400  }
0x77: {  	[sflag:s17] =	ssyncset.done $0x0  }
0x78: {  	[sflag:s17] =	ssyncadd.s32 $0xFFFFEC00  }
0x79: {  	[tilespmem:s16], [sflag:$0x1] =	stream.indirect.gather [hbm4b:s4+s19], $0x80, s25, s19, $0xb8;
	[tilespmem:$0x1E800] =	vst v63  }
0x7a: {  	_ = 	snop  }
0x7b: {  	[tilespmem:s20], [sflag:$0x2] =	stream.indirect.gather [hbm4b:s4+s19], $0x80, s19, s19, $0xb8;
	[tilespmem:$0x1E800] =	vst v63  }
0x7c: {  	_ =	swait.ge [sflag:s21], $0x4000  }
0x7d: {  	[sflag:s21] =	ssyncset.done $0x0  }
0x7e: {  	s29 =	simm.s32 $0x1400;
	[sflag:s21] =	ssyncadd.s32 $0xFFFFC000  }
0x7f: {  	[spmem:s2] =	stream.indirect.scatter.add.f32 [tilespmem:s16], [sflag:$0x3], $0x80, s29, s19, $0xb8;
	[tilespmem:$0x1E800] =	vst v63  }
0x80: {  	_ =	swait.ge [sflag:s17], $0x4000  }
0x81: {  	[sflag:s17] =	ssyncset.done $0x0  }
0x82: {  	s30 =	simm.s32 $0x100;
	[sflag:s17] =	ssyncadd.s32 $0xFFFFC000  }
0x83: {  	[tilespmem:s16], [sflag:$0x1] =	stream.indirect.gather [hbm4b:s4+s19], $0x80, s30, s19, $0xb8;
	[tilespmem:$0x1E800] =	vst v63  }
0x84: {  	_ =	swait.ge [sflag:s22], $0x4000  }
0x85: {  	[sflag:s22] =	ssyncset.done $0x0  }
0x86: {  	s31 =	simm.s32 $0x1480;
	[sflag:s22] =	ssyncadd.s32 $0xFFFFC000  }
0x87: {  	[spmem:s2] =	stream.indirect.scatter.add.f32 [tilespmem:s20], [sflag:$0x3], $0x80, s31, s19, $0xb8;
	[tilespmem:$0x1E800] =	vst v63  }
0x88: {  	_ =	swait.ge [sflag:s17], $0x4000  }
0x89: {  	[sflag:s17] =	ssyncset.done $0x0  }
0x8a: {  	s26 =	simm.s32 $0x180;
	s25 =	simm.s32 $0x400;
	[sflag:s17] =	ssyncadd.s32 $0xFFFFC000  }
.LBB2_6:
0x8b: {  	[tilespmem:s20], [sflag:$0x2] =	stream.indirect.gather [hbm4b:s4+s19], $0x80, s26, s19, $0xb8;
	[tilespmem:$0x1E800] =	vst v63  }
0x8c: {  	s26 =	smov.u32 s25  }
0x8d: {  	p0 =	sne.s32 s25, $0x4800;
	s25 =	sadd.s32 $0x400, s25;
	_ =	swait.ge [sflag:s21], $0x4000  }
0x8e: {  	s26 =	sshra.s32 s26, $0x2;
	[sflag:s21] =	ssyncset.done $0x0  }
0x8f: {  	s28 =	sadd.s32 $0x1400, s26;
	[sflag:s21] =	ssyncadd.s32 $0xFFFFC000  }
0x90: {  	[spmem:s2] =	stream.indirect.scatter.add.f32 [tilespmem:s16], [sflag:$0x3], $0x80, s28, s19, $0xb8;
	[tilespmem:$0x1E800] =	vst v63  }
0x91: {  	_ =	swait.ge [sflag:s17], $0x4000  }
0x92: {  	[sflag:s17] =	ssyncset.done $0x0  }
0x93: {  	s28 =	sadd.s32 $0x100, s26;
	[sflag:s17] =	ssyncadd.s32 $0xFFFFC000  }
0x94: {  	[tilespmem:s16], [sflag:$0x1] =	stream.indirect.gather [hbm4b:s4+s19], $0x80, s28, s19, $0xb8;
	[tilespmem:$0x1E800] =	vst v63  }
0x95: {  	_ =	swait.ge [sflag:s22], $0x4000  }
0x96: {  	[sflag:s22] =	ssyncset.done $0x0  }
.Ltmp2:
0x97: {  	s28 =	sadd.s32 $0x1480, s26;
	[sflag:s22] =	ssyncadd.s32 $0xFFFFC000;
	(pc) =	sbr.rel @p0 .LBB2_6-.Ltmp2, $4  }
0x98: {  	[spmem:s2] =	stream.indirect.scatter.add.f32 [tilespmem:s20], [sflag:$0x3], $0x80, s28, s19, $0xb8;
	[tilespmem:$0x1E800] =	vst v63  }
0x99: {  	_ =	swait.ge [sflag:s17], $0x4000  }
0x9a: {  	[sflag:s17] =	ssyncset.done $0x0  }
0x9b: {  	s26 =	sadd.s32 $0x180, s26;
	[sflag:s17] =	ssyncadd.s32 $0xFFFFC000  }
0x9c: {  	[tilespmem:s20], [sflag:$0x2] =	stream.indirect.gather [hbm4b:s4+s19], $0x80, s26, s19, $0xb8;
	[tilespmem:$0x1E800] =	vst v63  }
0x9d: {  	_ =	swait.ge [sflag:s21], $0x4000  }
0x9e: {  	[sflag:s21] =	ssyncset.done $0x0  }
0x9f: {  	[sflag:s21] =	ssyncadd.s32 $0xFFFFC000  }
0xa0: {  	[spmem:s2] =	stream.indirect.scatter.add.f32 [tilespmem:s16], [sflag:$0x3], $0x80, s23, s19, $0xb8;
	[tilespmem:$0x1E800] =	vst v63  }
0xa1: {  	_ =	swait.ge [sflag:s17], $0x4000  }
0xa2: {  	[sflag:s17] =	ssyncset.done $0x0  }
0xa3: {  	[sflag:s17] =	ssyncadd.s32 $0xFFFFC000  }
0xa4: {  	_ =	swait.ge [sflag:s22], $0x4000  }
0xa5: {  	[sflag:s22] =	ssyncset.done $0x0  }
0xa6: {  	[sflag:s22] =	ssyncadd.s32 $0xFFFFC000  }
0xa7: {  	[spmem:s2] =	stream.indirect.scatter.add.f32 [tilespmem:s20], [sflag:$0x3], $0x80, s24, s19, $0xb8;
	[tilespmem:$0x1E800] =	vst v63  }
0xa8: {  	_ =	swait.ge [sflag:s17], $0x4000  }
0xa9: {  	s25 =	sshll.u32 s1, $0x6;
	s3 =	sadd.s32 $0x1, s3;
	[sflag:s17] =	ssyncset.done $0x0  }
0xaa: {  	s31 =	sshrl.u32 s5, $0x3;
	p0 =	sne.s32 s3, s15;
	[sflag:s17] =	ssyncadd.s32 $0xFFFFC000  }
.Ltmp3:
0xab: {  	s25 =	sor.u32 $0x1C03, s25;
	[bflag:$0x0] =	sbarrier.arrive $0xFFFF;
	(pc) =	sbr.rel @p0 .LBB2_1-.Ltmp3, $4  }
0xac: {  	[hbm:s14], [sflag:s25] =	dma.local [spmem:s31], $0x2800  }
0xad: {  	_ =	swait.ge [sflag:s17], $0x2800  }
0xae: {  	[sflag:s17] =	ssyncset.done $0x0  }
0xaf: {  	[sflag:s17] =	ssyncadd.s32 $0xFFFFD800  }
0xb0: {  	_ =	sfence.sel $0x180000  }
0xb1: {  	[bflag:$0x0] =	sbarrier.arrive $0xFFFF  }
0xb2: {  	p0 =	sne.s32 s1, $0x0;
	_ =	strace $0x9000004D  }
0xb3: {  	s0 =	sadd.s32 @!p0 $0x100000, s0;
	[bflag:$0x2] =	sbarrier.arrive $0xFFFF  }
0xb4: {  	[sflag:s0] =	ssyncadd.tile.s32 @!p0 $0x1;
	_ =	shalt  }
.Lfunc_end2:
_tile_overlayer_lowered:
.L_overlay_start_2:
0xb5: {  	(tag) =	ssettag $0x2  }
0xb6: {  	s0 =	rddreg [dreg:$0x0];
	s2 =	stileid.u32  }
0xb7: {  	s1 =	rddreg [dreg:$0x1];
	p0 =	sne.s32 s2, $0x0  }
0xb8: {  	s3 =	rddreg [dreg:$0x2];
	[bflag:$0x3] =	sbarrier.arrive $0xFFFF;
	s2 =	simm.s32 @!p0 $0x1C03  }
0xb9: {  	[timem:s3], [sflag:s2] =	dma.local @!p0 [hbm:s0], s1  }
0xba: {  	s0 =	simm.s32 @!p0 $0x3  }
0xbb: {  	_ =	swait.ge @!p0 [sflag:s0], s1  }
0xbc: {  	s1 =	ssub.s32 @!p0 $0x0, s1;
	[sflag:s0] =	ssyncset.done @!p0 $0x0  }
0xbd: {  	[sflag:s0] =	ssyncadd.s32 @!p0 s1  }
0xbe: {  	[bflag:$0x3] =	sbarrier.arrive $0xFFFF  }
0xbf: {  	_ =	shalt  }

// kernel: kernel.8.cloned.1.call-start
scs
__scs_entry_jumppad:
0x0: {  	(pc) =	sbr.rel $0x88, $3  }
0x1: {  	(tag) =	ssettag $0x0;
	lr =	simm.s32 $0x1  }
0x2: {  	[smem:$0x3F9B] =	sst lr;
	_ =	strace $0xD0000000  }
0x3: {  	_ = 	snop  }
0x4: {  	_ = 	snop  }
0x5: {  	_ = 	snop  }
0x6: {  	_ = 	snop  }
0x7: {  	_ = 	snop  }
__scs_overlays_trampoline_lowered:
0x8: {  	[smem:$0x3FAA] =	sst s0  }
0x9: {  	[smem:$0x3FAB] =	sst s1  }
0xa: {  	[smem:$0x3FAC] =	sst s2  }
0xb: {  	[smem:$0x3FAD] =	sst s3  }
0xc: {  	[smem:$0x3FAE] =	sst s4  }
0xd: {  	[smem:$0x3FAF] =	sst s5  }
0xe: {  	[smem:$0x3FB0] =	sst s6  }
0xf: {  	[smem:$0x3FB1] =	sst s7  }
0x10: {  	[smem:$0x3FB2] =	sst s8  }
0x11: {  	[smem:$0x3FB3] =	sst s9;
	s0 =	simm.s32 @!p0 $0x0  }
0x12: {  	s1 =	sld [smem:$0x3F99];
	s0 =	simm.s32 @p0 $0x1  }
0x13: {  	[smem:$0x3FB4] =	sst s0;
	s0 =	simm.s32 @!p1 $0x0  }
0x14: {  	s2 =	sld [smem:$0x3F98];
	s0 =	simm.s32 @p1 $0x1  }
0x15: {  	[smem:$0x3FB5] =	sst s0;
	s0 =	simm.s32 @!p2 $0x0  }
0x16: {  	s3 =	sld [smem:$0x3FDB];
	s0 =	simm.s32 @p2 $0x1  }
0x17: {  	s4 =	simm.s32 $0x1BF5;
	[smem:$0x3FB7] =	sst s0  }
0x18: {  	s0 =	sld [smem:$0x3F9A];
	_ =	swait.ge [sflag:s4], $0x0  }
0x19: {  	s7 =	sld [smem:$0x3F9B]  }
0x1a: {  	s8 =	sadd.s32 $0xFFFFE003, lr  }
0x1b: {  	s9 =	sadd.s32 $0xFFFFFEF7, lr;
	s5 =	simm.s32 $0xFFFFFFFF;
	p2 =	slt.u32 s8, $0xFFFFF086  }
0x1c: {  	p1 =	slt.u32 s9, $0xF7A;
	s5 =	simm.s32 @!p2 $0x0  }
0x1d: {  	s5 =	simm.s32 @p1 $0x1;
	p0 =	seq.s32 s7, s2  }
0x1e: {  	s7 =	smul.u32 @!p0 $0xF7A, s2;
	p2 =	seq.s32 @!p0 s5, $0x0  }
0x1f: {  	s9 =	smul.u32 $0xF7A, s1;
	s8 =	simm.s32 @!p0 $0x1BF5;
	p2 =	por !p2, p0  }
0x20: {  	[sflag:s8] =	ssyncset.s32 @!p0 $0xFFFFF086;
	s6 =	sadd.s32 @!p0 s3, s7;
	s7 =	simm.s32 @!p0 $0x108  }
0x21: {  	s3 =	sadd.s32 s3, s9;
	s6 =	sadd.s32 @!p0 $0x88, s6;
	s7 =	simm.s32 @p2 $0x1082  }
0x22: {  	[simem:s7], [sflag:s8] =	dma.local @!p0 [hbm:s6], $0xF7A  }
0x23: {  	s9 =	sor.u32 $0xD0000000, s2;
	s6 =	simm.s32 $0x108;
	_ =	swait.ge @!p0 [sflag:s8], $0x0  }
0x24: {  	s3 =	sadd.s32 $0x88, s3;
	s6 =	simm.s32 @!p1 $0x1082;
	[sflag:s4] =	ssyncset.s32 $0xFFFFF086  }
0x25: {  	[simem:s6], [sflag:s4] =	dma.local [hbm:s3], $0xF7A  }
0x26: {  	[smem:$0x3F9B] =	sst s1;
	(tag) =	ssettag s2;
	_ =	strace s9  }
0x27: {  	s1 =	sld [smem:$0x3FAB]  }
0x28: {  	s2 =	sld [smem:$0x3FAC]  }
0x29: {  	s4 =	sld [smem:$0x3FAE]  }
0x2a: {  	p0 =	seq.s32 s5, $0x0;
	s5 =	sld [smem:$0x3FAF]  }
0x2b: {  	s6 =	sld [smem:$0x3FB0]  }
0x2c: {  	s7 =	sld [smem:$0x3FB1]  }
0x2d: {  	s3 =	simm.s32 $0x108;
	s8 =	sld [smem:$0x3FB2]  }
0x2e: {  	s3 =	simm.s32 @!p0 $0x1082;
	s9 =	sld [smem:$0x3FB3]  }
0x2f: {  	lr =	sadd.s32 s0, s3;
	s0 =	sld [smem:$0x3FAA]  }
0x30: {  	s3 =	sld [smem:$0x3FAD]  }
0x31: {  	[smem:$0x3FB6] =	sst s10  }
0x32: {  	s10 =	sld [smem:$0x3FB4];
	_ =	sdelay $0x3  }
0x33: {  	p0 =	seq.s32 s10, $0x1;
	s10 =	sld [smem:$0x3FB6];
	_ =	sdelay $0x3  }
0x34: {  	[smem:$0x3FB6] =	sst s10  }
0x35: {  	s10 =	sld [smem:$0x3FB5];
	_ =	sdelay $0x3  }
0x36: {  	p1 =	seq.s32 s10, $0x1;
	s10 =	sld [smem:$0x3FB6];
	_ =	sdelay $0x3  }
0x37: {  	[smem:$0x3FB6] =	sst s10  }
0x38: {  	s10 =	sld [smem:$0x3FB7]  }
0x39: {  	_ = 	snop;
	(pc) =	sbr.ind lr, $3  }
0x3a: {  	_ = 	snop  }
0x3b: {  	_ = 	snop  }
0x3c: {  	p2 =	seq.s32 s10, $0x1;
	s10 =	sld [smem:$0x3FB6]  }
0x3d: {  	_ =	shalt  }
0x3e: {  	_ =	shalt  }
0x3f: {  	_ =	shalt  }
0x40: {  	_ =	shalt  }
0x41: {  	_ =	shalt  }
0x42: {  	_ =	shalt  }
0x43: {  	_ =	shalt  }
0x44: {  	_ =	shalt  }
0x45: {  	_ =	shalt  }
0x46: {  	_ =	shalt  }
0x47: {  	_ =	shalt  }
0x48: {  	_ =	shalt  }
0x49: {  	_ =	shalt  }
0x4a: {  	_ =	shalt  }
0x4b: {  	_ =	shalt  }
0x4c: {  	_ =	shalt  }
0x4d: {  	_ =	shalt  }
0x4e: {  	_ =	shalt  }
0x4f: {  	_ =	shalt  }
0x50: {  	_ =	shalt  }
0x51: {  	_ =	shalt  }
0x52: {  	_ =	shalt  }
0x53: {  	_ =	shalt  }
0x54: {  	_ =	shalt  }
0x55: {  	_ =	shalt  }
0x56: {  	_ =	shalt  }
0x57: {  	_ =	shalt  }
0x58: {  	_ =	shalt  }
0x59: {  	_ =	shalt  }
0x5a: {  	_ =	shalt  }
0x5b: {  	_ =	shalt  }
0x5c: {  	_ =	shalt  }
0x5d: {  	_ =	shalt  }
0x5e: {  	_ =	shalt  }
0x5f: {  	_ =	shalt  }
0x60: {  	_ =	shalt  }
0x61: {  	_ =	shalt  }
0x62: {  	_ =	shalt  }
0x63: {  	_ =	shalt  }
0x64: {  	_ =	shalt  }
0x65: {  	_ =	shalt  }
0x66: {  	_ =	shalt  }
0x67: {  	_ =	shalt  }
0x68: {  	_ =	shalt  }
0x69: {  	_ =	shalt  }
0x6a: {  	_ =	shalt  }
0x6b: {  	_ =	shalt  }
0x6c: {  	_ =	shalt  }
0x6d: {  	_ =	shalt  }
0x6e: {  	_ =	shalt  }
0x6f: {  	_ =	shalt  }
0x70: {  	_ =	shalt  }
0x71: {  	_ =	shalt  }
0x72: {  	_ =	shalt  }
0x73: {  	_ =	shalt  }
0x74: {  	_ =	shalt  }
0x75: {  	_ =	shalt  }
0x76: {  	_ =	shalt  }
0x77: {  	_ =	shalt  }
0x78: {  	_ =	shalt  }
0x79: {  	_ =	shalt  }
0x7a: {  	_ =	shalt  }
0x7b: {  	_ =	shalt  }
0x7c: {  	_ =	shalt  }
0x7d: {  	_ =	shalt  }
0x7e: {  	_ =	shalt  }
0x7f: {  	_ =	shalt  }
0x80: {  	_ =	shalt  }
0x81: {  	_ =	shalt  }
0x82: {  	_ =	shalt  }
0x83: {  	_ =	shalt  }
0x84: {  	_ =	shalt  }
0x85: {  	_ =	shalt  }
0x86: {  	_ =	shalt  }
0x87: {  	_ =	shalt  }
.Lfunc_end0:
.L_simem_size_0:
called_computation_lowered:
.L_overlay_start_0:
0x88: {  	s2 =	sld [smem:$0x3FD9]  }
0x89: {  	s3 =	sld [smem:$0x3FFE];
	_ =	sdelay $0x1  }
0x8a: {  	s1 =	srdreg.scid  }
0x8b: {  	s0 =	sand.u32 $0x1, s1  }
0x8c: {  	s17 =	sshll.u32 s0, $0xA;
	s2 =	sadd.s32 s3, s2  }
0x8d: {  	s2 =	sadd.s32 s2, s17  }
0x8e: {  	[smem:$0x3FC2] =	sst s2  }
0x8f: {  	_ = 	snop  }
0x90: {  	s2 =	sld [smem:$0x3FD0];
	(tm) =	ssettm $0x1  }
0x91: {  	s18 =	sld [smem:$0x3FFB];
	_ =	sdelay $0x3  }
0x92: {  	_ =	strace s18  }
0x93: {  	s3 =	sld [smem:$0x3FFC];
	_ =	sdelay $0x3  }
0x94: {  	_ =	strace s3  }
0x95: {  	s3 =	sld [smem:$0x3FFD];
	_ =	sdelay $0x3  }
0x96: {  	_ =	strace s3  }
0x97: {  	_ =	strace $0x8FFFFFFF  }
0x98: {  	s19 =	sld [smem:$0x3FDB];
	_ =	sdelay $0x1  }
0x99: {  	s4 =	simm.s32 $_scs_section_size  }
0x9a: {  	s5 =	simm.s32 $_size__tile_overlayer_lowered;
	s6 =	simm.s32 $_tile_overlayer_lowered  }
0x9b: {  	s22 =	simm.s32 $0x1BFF;
	s21 =	sshll.u32 s6, $0x1;
	s3 =	sadd.s32 s4, s19  }
0x9c: {  	s7 =	simm.s32 $0x0;
	s20 =	sshll.u32 s5, $0x1;
	s5 =	sadd.s32 s21, s3  }
0x9d: {  	[timem:s7], [sflag:s22] =	dma.local [hbm:s5], s20  }
0x9e: {  	_ =	swait.ge [sflag:s22], s20  }
0x9f: {  	s4 =	ssub.s32 $0x0, s20;
	[sflag:s22] =	ssyncset.done $0x0  }
0xa0: {  	[sflag:s22] =	ssyncadd.s32 s4;
	_ =	sdelay $0x1  }
0xa1: {  	s23 =	simm.s32 $0x1B8B  }
0xa2: {  	_ =	swait.ge [sflag:s23], $0x1  }
0xa3: {  	[sflag:s23] =	ssyncset.done $0x0  }
0xa4: {  	s25 =	simm.s32 $0x1B8E;
	s24 =	sld [smem:$0x3FFE];
	[sflag:s23] =	ssyncadd.s32 $0xFFFFFFFF  }
0xa5: {  	s26 =	simm.s32 $execute0_lowered;
	[smem:$0x3FD2] =	sst s25  }
0xa6: {  	s5 =	sshll.u32 s26, $0x1;
	_ =	strace $0x80000046;
	[dreg:$0x1] =	wrdreg $0xFFFFFFFF  }
0xa7: {  	s28 =	simm.s32 $_size_execute0_lowered;
	s3 =	sadd.s32 s3, s5;
	[dreg:$0x0] =	wrdreg $0x0  }
0xa8: {  	s5 =	sshll.u32 s28, $0x1;
	[dreg:$0x2] =	wrdreg s3  }
0xa9: {  	[dreg:$0x3] =	wrdreg s5  }
0xaa: {  	[dreg:$0x4] =	wrdreg $0xC0  }
0xab: {  	_ =	task [dreg:s7], $0x5FFFF  }
0xac: {  	[dreg:$0x1] =	wrdreg $0xFFFFFFFF  }
0xad: {  	[dreg:$0x0] =	wrdreg $0x60  }
0xae: {  	[dreg:$0x2] =	wrdreg s2  }
0xaf: {  	[dreg:$0x3] =	wrdreg s24  }
0xb0: {  	[dreg:$0x4] =	wrdreg $0x53000  }
0xb1: {  	[dreg:$0x5] =	wrdreg $0x55800  }
0xb2: {  	[dreg:$0x6] =	wrdreg $0x9  }
0xb3: {  	_ =	task.clear_ibuf [dreg:s7], $0x7FFFF;
	_ =	strace $0x90000046  }
0xb4: {  	s29 =	simm.s32 $0x9;
	_ =	strace $0x80000048  }
0xb5: {  	_ =	swait.ge [sflag:s29], $0x1  }
0xb6: {  	[sflag:s29] =	ssyncadd.s32 $0xFFFFFFFF  }
0xb7: {  	_ =	strace $0x90000048  }
0xb8: {  	_ =	sfence  }
0xb9: {  	s30 =	sld [smem:$0x0];
	_ =	sdelay $0x2  }
0xba: {  	s31 =	sshll.u32 s1, $0xD;
	s1 =	sshrl.u32 s1, $0x2  }
0xbb: {  	s3 =	sand.u32 $0x4000, s31;
	s1 =	sadd.s32 s1, s30  }
0xbc: {  	s0 =	sor.u32 s3, s0;
	s1 =	sshll.u32 s1, $0x11  }
0xbd: {  	s0 =	sor.u32 s1, s0  }
0xbe: {  	s0 =	sadd.s32 $0x8F2B, s0  }
0xbf: {  	[sflag:s0] =	ssyncadd.remote.s32 $0x1  }
0xc0: {  	_ =	sfence.sel $0xFFFF  }
0xc1: {  	[dreg:$0x0] =	wrdreg $0xFFFFFFFF;
	(pc) =	sbr.abs _section_cstart, $3  }
0xc2: {  	[dreg:$0x1] =	wrdreg $0xFFFFFFFF  }
0xc3: {  	_ =	task.clear_ibuf [dreg:s7], $0x2FFFF;
	_ =	strace $0x9FFFFFFF  }
0xc4: {  	(tm) =	ssettm $0x7FFFFFFF  }
0xc5: {  	_ =	shalt  }
tec
execute0_lowered:
.L_overlay_start_1:
0x0: {  	(tag) =	ssettag $0x1  }
0x1: {  	s7 =	rddreg [dreg:$0x0]  }
0x2: {  	s5 =	rddreg [dreg:$0x1]  }
0x3: {  	s2 =	rddreg [dreg:$0x2]  }
0x4: {  	s3 =	rddreg [dreg:$0x3]  }
0x5: {  	s0 =	srdreg.scid;
	s1 =	rddreg [dreg:$0x4]  }
0x6: {  	s4 =	simm.s32 $0x0;
	s13 =	simm.s32 $0x3;
	s14 =	simm.s32 $0x2800  }
0x7: {  	s15 =	simm.s32 $0x80;
	s16 =	simm.s32 $0x5000;
	s6 =	sand.u32 $0x1, s0  }
0x8: {  	s17 =	simm.s32 $0x1;
	s0 =	stileid.u32;
	s8 =	smul.u32 $0x5000, s6  }
0x9: {  	s18 =	simm.s32 $0x2;
	s21 =	simm.s32 $0x20;
	s9 =	smul.u32 $0x500, s0  }
0xa: {  	s22 =	simm.s32 $0x10;
	[smem:$0x7FF] =	sst s4;
	s10 =	smul.u32 $0x28000, s6  }
0xb: {  	s24 =	simm.s32 $0x0;
	s29 =	smul.u32 $0x2800, s0;
	_ =	strace $0x80000047  }
0xc: {  	s6 =	ssub.s32 $0x2, s6;
	s12 =	smul.u32 $0x280, s0;
	s19 =	sshll.u32 s0, $0x6  }
0xd: {  	s11 =	sshrl.u32 s6, $0x1;
	s19 =	sor.u32 $0x1C03, s19;
	s8 =	sadd.s32 s9, s8  }
0xe: {  	s9 =	sadd.s32 s29, s10;
	s11 =	ssub.s32 s6, s11;
	s6 =	sadd.s32 s12, s3  }
0xf: {  	s8 =	sshrl.u32 s8, $0x3;
	s31 =	sshrl.u32 s9, $0x3;
	s11 =	smax.u32 s11, $0x1  }
0x10: {  	s23 =	sshrl.u32 s6, $0x3;
	s30 =	sadd.s32 s8, s5;
	s7 =	sadd.s32 s7, s31  }
0x11: {  	s5 =	sadd.s32 s12, s2;
	s12 =	simm.s32 $0x5080;
	s8 =	sadd.s32 $0xA000, s7  }
0x12: {  	v0 =	vimm.f32 $1.000000000e+00;
	v1 =	vimm.f32 $0.0e+00;
	s9 =	sadd.s32 $0x2600, s30;
	s10 =	sadd.s32 $0x2610, s30;
	s20 =	sshrl.u32 s5, $0x3  }
.LBB2_1:
0x13: {  	[tilespmem:$0x5000] =	vst v0  }
0x14: {  	[tilespmem:$0x5010] =	vst v0  }
0x15: {  	[tilespmem:$0x5020] =	vst v0  }
0x16: {  	[tilespmem:$0x5030] =	vst v0  }
0x17: {  	[tilespmem:$0x5040] =	vst v0  }
0x18: {  	[tilespmem:$0x5050] =	vst v0  }
0x19: {  	[tilespmem:$0x5060] =	vst v0  }
0x1a: {  	[tilespmem:$0x5070] =	vst v0  }
0x1b: {  	[tilespmem:$0x5080] =	vst v1  }
0x1c: {  	[tilespmem:$0x5090] =	vst v1  }
0x1d: {  	[tilespmem:$0x50A0] =	vst v1  }
0x1e: {  	[tilespmem:$0x50B0] =	vst v1  }
0x1f: {  	[tilespmem:$0x50C0] =	vst v1  }
0x20: {  	[tilespmem:$0x50D0] =	vst v1  }
0x21: {  	[tilespmem:$0x50E0] =	vst v1  }
0x22: {  	[tilespmem:$0x50F0] =	vst v1  }
0x23: {  	[tilespmem:$0x5100] =	vst v1  }
0x24: {  	[tilespmem:$0x5110] =	vst v1  }
0x25: {  	[tilespmem:$0x5120] =	vst v1  }
0x26: {  	[tilespmem:$0x5130] =	vst v1  }
0x27: {  	[tilespmem:$0x5140] =	vst v1  }
0x28: {  	[tilespmem:$0x5150] =	vst v1  }
0x29: {  	[tilespmem:$0x5160] =	vst v1  }
0x2a: {  	[tilespmem:$0x5170] =	vst v1  }
0x2b: {  	[tilespmem:$0x5180] =	vst v1  }
0x2c: {  	[tilespmem:$0x5190] =	vst v1  }
0x2d: {  	[tilespmem:$0x51A0] =	vst v1  }
0x2e: {  	[tilespmem:$0x51B0] =	vst v1  }
0x2f: {  	[tilespmem:$0x51C0] =	vst v1  }
0x30: {  	[tilespmem:$0x51D0] =	vst v1  }
0x31: {  	[tilespmem:$0x51E0] =	vst v1  }
0x32: {  	[tilespmem:$0x51F0] =	vst v1  }
0x33: {  	[tilespmem:$0x5200] =	vst v1  }
0x34: {  	[tilespmem:$0x5210] =	vst v1  }
0x35: {  	[tilespmem:$0x5220] =	vst v1  }
0x36: {  	[tilespmem:$0x5230] =	vst v1  }
0x37: {  	[tilespmem:$0x5240] =	vst v1  }
0x38: {  	[tilespmem:$0x5250] =	vst v1  }
0x39: {  	[tilespmem:$0x5260] =	vst v1  }
0x3a: {  	[tilespmem:$0x5270] =	vst v1  }
0x3b: {  	[tilespmem:$0x5280] =	vst v1  }
0x3c: {  	[tilespmem:$0x5290] =	vst v1  }
0x3d: {  	[tilespmem:$0x52A0] =	vst v1  }
0x3e: {  	[tilespmem:$0x52B0] =	vst v1  }
0x3f: {  	[tilespmem:$0x52C0] =	vst v1  }
0x40: {  	[tilespmem:$0x52D0] =	vst v1  }
0x41: {  	[tilespmem:$0x52E0] =	vst v1  }
0x42: {  	[tilespmem:$0x52F0] =	vst v1  }
0x43: {  	[spmem:s5] =	stream.linear.scatter [tilespmem:s12], [sflag:$0x3], $0x280, $0x38;
	[tilespmem:$0x5800] =	vst v63  }
0x44: {  	_ =	swait.ge [sflag:s13], $0x280  }
0x45: {  	[sflag:s13] =	ssyncset.done $0x0  }
0x46: {  	[sflag:s13] =	ssyncadd.s32 $0xFFFFFD80  }
0x47: {  	[spmem:s6] =	stream.linear.scatter [tilespmem:s12], [sflag:$0x3], $0x280, $0x38;
	[tilespmem:$0x5800] =	vst v63  }
0x48: {  	_ =	swait.ge [sflag:s13], $0x280  }
0x49: {  	[sflag:s13] =	ssyncset.done $0x0  }
0x4a: {  	[sflag:s13] =	ssyncadd.s32 $0xFFFFFD80  }
0x4b: {  	[tilespmem:s4], [sflag:$0x3] =	stream.linear.gather [hbm4b:s7+s4], $0x2800, $0x38;
	[tilespmem:$0x5800] =	vst v63  }
0x4c: {  	_ =	swait.ge [sflag:s13], $0x2800  }
0x4d: {  	[sflag:s13] =	ssyncset.done $0x0  }
0x4e: {  	[sflag:s13] =	ssyncadd.s32 $0xFFFFD800  }
0x4f: {  	[tilespmem:s14], [sflag:$0x3] =	stream.linear.gather [hbm4b:s8+s4], $0x2800, $0x38;
	[tilespmem:$0x5800] =	vst v63  }
0x50: {  	_ =	swait.ge [sflag:s13], $0x2800  }
0x51: {  	[sflag:s13] =	ssyncset.done $0x0  }
0x52: {  	[sflag:s13] =	ssyncadd.s32 $0xFFFFD800  }
0x53: {  	s25 =	simm.s32 $0x0;
	[bflag:$0x0] =	sbarrier.arrive $0xFFFF  }
0x54: {  	[spmem:s2] =	stream.indirect.scatter.add.f32 [tilespmem:s16], [sflag:$0x1], $0x1, s25, s15, $0xb8;
	[tilespmem:$0x5800] =	vst v63  }
0x55: {  	s26 =	simm.s32 $0x2800;
	s25 =	simm.s32 $0x200  }
.LBB2_2:
0x56: {  	[spmem:s3] =	stream.indirect.scatter.add.f32 [tilespmem:s16], [sflag:$0x2], $0x1, s26, s15, $0xb8;
	[tilespmem:$0x5800] =	vst v63  }
0x57: {  	s26 =	smov.u32 s25;
	p0 =	sne.s32 s25, $0x9E00  }
.Ltmp0:
0x58: {  	s25 =	sadd.s32 $0x200, s25;
	(pc) =	sbr.rel @p0 .LBB2_2-.Ltmp0, $4  }
0x59: {  	_ = 	snop  }
0x5a: {  	s26 =	sshra.s32 s26, $0x2  }
0x5b: {  	[spmem:s2] =	stream.indirect.scatter.add.f32 [tilespmem:s16], [sflag:$0x1], $0x1, s26, s15, $0xb8;
	[tilespmem:$0x5800] =	vst v63  }
0x5c: {  	s26 =	sadd.s32 $0x2800, s26  }
0x5d: {  	[spmem:s3] =	stream.indirect.scatter.add.f32 [tilespmem:s16], [sflag:$0x2], $0x1, s26, s15, $0xb8;
	[tilespmem:$0x5800] =	vst v63  }
0x5e: {  	_ =	swait.ge [sflag:s17], $0x2800  }
0x5f: {  	[sflag:s17] =	ssyncset.done $0x0  }
0x60: {  	[sflag:s17] =	ssyncadd.s32 $0xFFFFD800  }
0x61: {  	_ =	swait.ge [sflag:s18], $0x2800  }
0x62: {  	[sflag:s18] =	ssyncset.done $0x0  }
0x63: {  	[sflag:s18] =	ssyncadd.s32 $0xFFFFD800  }
0x64: {  	[bflag:$0x0] =	sbarrier.arrive $0xFFFF  }
0x65: {  	[hbm:s9@s21], [sflag:s19] =	dma.strided [spmem:s20@s22], $0x50, s17, $0x10   }
0x66: {  	s24 =	sadd.s32 $0x1, s24;
	_ =	swait.ge [sflag:s13], $0x50  }
0x67: {  	p0 =	sne.s32 s24, s11;
	[sflag:s13] =	ssyncset.done $0x0  }
.Ltmp1:
0x68: {  	[sflag:s13] =	ssyncadd.s32 $0xFFFFFFB0;
	(pc) =	sbr.rel @p0 .LBB2_1-.Ltmp1, $4  }
0x69: {  	[hbm:s10@s21], [sflag:s19] =	dma.strided [spmem:s23@s22], $0x50, s17, $0x10   }
0x6a: {  	_ =	swait.ge [sflag:s13], $0x50  }
0x6b: {  	[sflag:s13] =	ssyncset.done $0x0  }
0x6c: {  	[sflag:s13] =	ssyncadd.s32 $0xFFFFFFB0  }
0x6d: {  	_ =	sfence.sel $0x180000  }
0x6e: {  	[bflag:$0x0] =	sbarrier.arrive $0xFFFF  }
0x6f: {  	p0 =	sne.s32 s0, $0x0;
	_ =	strace $0x90000047  }
0x70: {  	s0 =	sadd.s32 @!p0 $0x100000, s1;
	[bflag:$0x2] =	sbarrier.arrive $0xFFFF  }
0x71: {  	[sflag:s0] =	ssyncadd.tile.s32 @!p0 $0x1;
	_ =	shalt  }
.Lfunc_end2:
_tile_overlayer_lowered:
.L_overlay_start_2:
0x72: {  	(tag) =	ssettag $0x2  }
0x73: {  	s0 =	rddreg [dreg:$0x0];
	s2 =	stileid.u32  }
0x74: {  	s1 =	rddreg [dreg:$0x1];
	p0 =	sne.s32 s2, $0x0  }
0x75: {  	s3 =	rddreg [dreg:$0x2];
	[bflag:$0x3] =	sbarrier.arrive $0xFFFF;
	s2 =	simm.s32 @!p0 $0x1C03  }
0x76: {  	[timem:s3], [sflag:s2] =	dma.local @!p0 [hbm:s0], s1  }
0x77: {  	s0 =	simm.s32 @!p0 $0x3  }
0x78: {  	_ =	swait.ge @!p0 [sflag:s0], s1  }
0x79: {  	s1 =	ssub.s32 @!p0 $0x0, s1;
	[sflag:s0] =	ssyncset.done @!p0 $0x0  }
0x7a: {  	[sflag:s0] =	ssyncadd.s32 @!p0 s1  }
0x7b: {  	[bflag:$0x3] =	sbarrier.arrive $0xFFFF  }
0x7c: {  	_ =	shalt  }

</sc_bundles>
